<compile_context>
chip_gen: v7x
topology: tpu7x:2x2x1
jax: 0.10.2.dev20260603
libtpu: 0.0.44.dev20260713+nightly
codegen_flags: <defaults>
</compile_context>

<pallas_src>
import functools

import jax
import jax.numpy as jnp
from jax.experimental import pallas as pl
from jax.experimental.pallas import tpu as pltpu

H = 128
T = 64
MAX_HOPS = 4
BLK = 256
BB = 512
PAD = 16
K1 = 200
K2 = 136


def _dot(a, b):
    return jax.lax.dot_general(
        a, b, (((1,), (0,)), ((), ())),
        precision=jax.lax.Precision.HIGHEST,
        preferred_element_type=jnp.float32)


def _mm(a, b):
    return jax.lax.dot_general(
        a.astype(jnp.bfloat16), b.astype(jnp.bfloat16),
        (((1,), (0,)), ((), ())),
        preferred_element_type=jnp.float32)


def _argmax_lanes(scores, n):
    m = jnp.max(scores, axis=1, keepdims=True)
    li = jax.lax.broadcasted_iota(jnp.int32, scores.shape, 1)
    return jnp.min(jnp.where(scores == m, li, n), axis=1, keepdims=True)


def _hop_kernel(num_patches_total,
                ps_ref, pt_ref, done_ref,
                gum_ref, opf_ref, gpos_ref, opos_ref,
                w1_ref, w2_ref, wr1_ref, wr2_ref,
                ide_ref, ope_ref, tde_ref,
                b1_ref, b2_ref, br1_ref, br2_ref,
                ps_o, samp_o, fsamp_o, h3_o,
                g_buf, op_buf, l3_buf, carry, sem_g, sem_o):
    b = pl.program_id(0)

    ps_blk = ps_ref[...]
    ptv = pt_ref[...]
    dnv = done_ref[...]

    @pl.when(b == 0)
    def _init():
        carry[0] = 0
        x0 = ps_blk[0:1, :]
        pt0 = ptv[0:1, :]
        oh0 = (jax.lax.broadcasted_iota(jnp.int32, (1, T), 1) ==
               pt0).astype(jnp.float32)
        id0 = _dot(oh0, ide_ref[...])
        td0 = _dot(oh0, tde_ref[...])
        ones8 = jnp.ones((8, 1), jnp.float32)
        x8 = _dot(ones8, x0)
        id8 = _dot(ones8, id0)
        td8 = _dot(ones8, td0)
        z8 = jnp.zeros((8, 4), jnp.float32)
        xa = jnp.concatenate([x8, id8, ope_ref[...], z8], axis=1)
        h1f = jax.nn.relu(_mm(xa, w1_ref[...]) + b1_ref[...])
        hf = jax.nn.relu(_mm(h1f, w2_ref[...]) + b2_ref[...])
        enf = jnp.concatenate([hf, td8, z8], axis=1)
        r1f = jax.nn.relu(_mm(enf, wr1_ref[...]) + br1_ref[...])
        lf = _mm(r1f, wr2_ref[...]) + br2_ref[...]
        h3_o[...] = hf
        l3_buf[...] = lf

    active = dnv == 0
    activef = active.astype(jnp.float32)
    nact = jnp.sum(activef).astype(jnp.int32)
    base = carry[0]
    base_al = jnp.minimum((base // 8) * 8,
                          num_patches_total - (BLK + PAD))
    off = base - base_al

    cp_g = pltpu.make_async_copy(
        gum_ref.at[pl.ds(base_al, BLK + PAD), :], g_buf, sem_g)
    cp_g.start()
    cp_o = pltpu.make_async_copy(
        opf_ref.at[pl.ds(base_al, BLK + PAD), :], op_buf, sem_o)
    cp_o.start()

    ri = jax.lax.broadcasted_iota(jnp.int32, (BLK, BLK), 0)
    ci = jax.lax.broadcasted_iota(jnp.int32, (BLK, BLK), 1)
    tri = (ci < ri).astype(jnp.float32)
    prefix = _dot(tri, activef)

    cj = jax.lax.broadcasted_iota(jnp.int32, (BLK, BLK + PAD), 1)
    sel = jnp.logical_and(cj.astype(jnp.float32) ==
                          (prefix + jnp.float32(1.0) * off), active)
    s_f = sel.astype(jnp.float32)

    cp_g.wait()
    cp_o.wait()
    g_al = _dot(s_f, g_buf[...])
    opf = _dot(s_f, op_buf[...])

    oh = (jax.lax.broadcasted_iota(jnp.int32, (BLK, T), 1) == ptv)
    ohf = oh.astype(jnp.float32)
    id_e = _dot(ohf, ide_ref[...])
    tid_e = _dot(ohf, tde_ref[...])
    op_e = jnp.where(opf < 0.5, ope_ref[0:1, :],
                     jnp.where(opf < 1.5, ope_ref[1:2, :], ope_ref[2:3, :]))

    zpad = jnp.zeros((BLK, 4), jnp.float32)
    x_aug = jnp.concatenate([ps_blk, id_e, op_e, zpad], axis=1)
    h1 = jax.nn.relu(_mm(x_aug, w1_ref[...]) + b1_ref[...])
    h = jax.nn.relu(_mm(h1, w2_ref[...]) + b2_ref[...])
    enr = jnp.concatenate([h, tid_e, zpad], axis=1)
    r1 = jax.nn.relu(_mm(enr, wr1_ref[...]) + br1_ref[...])
    logits = _mm(r1, wr2_ref[...]) + br2_ref[...]
    samp = _argmax_lanes(logits + g_al, T + 1)

    ps_o[...] = jnp.where(active, h, ps_blk)
    samp_o[...] = samp

    opp = opos_ref[...]
    lfill = jnp.where(opp < 0.5, l3_buf[0:1, :],
                      jnp.where(opp < 1.5, l3_buf[1:2, :], l3_buf[2:3, :]))
    fsamp_o[...] = _argmax_lanes(lfill + gpos_ref[...], T + 1)

    carry[0] = base + nact


def _final_kernel(ps_ref, wp_ref, bp_ref, lat_o, pred_o):
    lat = jnp.mean(ps_ref[...], axis=1)
    lat_o[...] = lat
    pred_o[...] = _mm(lat, wp_ref[...]) + bp_ref[...]


def kernel(x, rng, W1, b1, W2, b2, op_emb, op_logits, id_embeds, tid_emb,
           Wr1, br1, Wr2, br2, Wp, bp):
    Bx, Din = x.shape
    pad = (H - Din % H) % H
    if pad > 0:
        x = jnp.pad(x, ((0, 0), (0, pad)))
    npp = x.shape[1] // H
    P = Bx * npp
    ps = x.reshape(P, H)

    logp_op = jnp.log(jax.nn.softmax(op_logits))
    r = rng
    gum_list, opf_list, oplast_list = [], [], []
    for _ in range(MAX_HOPS):
        r, sub = jax.random.split(r)
        rng_keys = jax.random.split(sub, P)
        op_idx = jax.vmap(lambda kk: jax.random.categorical(kk, logp_op))(
            rng_keys)
        r, srng = jax.random.split(r)
        g = jax.random.gumbel(srng, (P, T + 1), jnp.float32)
        gum_list.append(g)
        opf_list.append(op_idx.astype(jnp.float32).reshape(P, 1))
        oplast_list.append(op_idx[P - 1].astype(jnp.int32))
    pt = jax.random.randint(rng, (P,), 0, T)
    done = jnp.zeros((P,), bool)

    W1p = jnp.pad(W1, ((0, K1 - W1.shape[0]), (0, 0)))
    Wr1p = jnp.pad(Wr1, ((0, K2 - Wr1.shape[0]), (0, 0)))
    id64 = id_embeds[:T]
    opep = jnp.pad(op_emb, ((0, 5), (0, 0)))
    b1r = b1.reshape(1, H)
    b2r = b2.reshape(1, H)
    br1r = br1.reshape(1, 32)
    br2r = br2.reshape(1, T + 1)

    nb = P // BLK
    f32 = jnp.float32
    i32 = jnp.int32
    hop_call = pl.pallas_call(
        functools.partial(_hop_kernel, P),
        grid=(nb,),
        in_specs=[
            pl.BlockSpec((BLK, H), lambda b: (b, 0)),
            pl.BlockSpec((BLK, 1), lambda b: (b, 0)),
            pl.BlockSpec((BLK, 1), lambda b: (b, 0)),
            pl.BlockSpec(memory_space=pl.ANY),
            pl.BlockSpec(memory_space=pl.ANY),
            pl.BlockSpec((BLK, T + 1), lambda b: (b, 0)),
            pl.BlockSpec((BLK, 1), lambda b: (b, 0)),
            pl.BlockSpec((K1, H), lambda b: (0, 0)),
            pl.BlockSpec((H, H), lambda b: (0, 0)),
            pl.BlockSpec((K2, 32), lambda b: (0, 0)),
            pl.BlockSpec((32, T + 1), lambda b: (0, 0)),
            pl.BlockSpec((T, 4), lambda b: (0, 0)),
            pl.BlockSpec((8, T), lambda b: (0, 0)),
            pl.BlockSpec((T, 4), lambda b: (0, 0)),
            pl.BlockSpec((1, H), lambda b: (0, 0)),
            pl.BlockSpec((1, H), lambda b: (0, 0)),
            pl.BlockSpec((1, 32), lambda b: (0, 0)),
            pl.BlockSpec((1, T + 1), lambda b: (0, 0)),
        ],
        out_specs=[
            pl.BlockSpec((BLK, H), lambda b: (b, 0)),
            pl.BlockSpec((BLK, 1), lambda b: (b, 0)),
            pl.BlockSpec((BLK, 1), lambda b: (b, 0)),
            pl.BlockSpec((8, H), lambda b: (0, 0)),
        ],
        out_shape=[
            jax.ShapeDtypeStruct((P, H), f32),
            jax.ShapeDtypeStruct((P, 1), i32),
            jax.ShapeDtypeStruct((P, 1), i32),
            jax.ShapeDtypeStruct((8, H), f32),
        ],
        scratch_shapes=[
            pltpu.VMEM((BLK + PAD, T + 1), f32),
            pltpu.VMEM((BLK + PAD, 1), f32),
            pltpu.VMEM((8, T + 1), f32),
            pltpu.SMEM((4,), i32),
            pltpu.SemaphoreType.DMA,
            pltpu.SemaphoreType.DMA,
        ],
        compiler_params=pltpu.CompilerParams(
            dimension_semantics=("arbitrary",)),
    )

    pos = jnp.arange(P, dtype=i32)
    for k in range(MAX_HOPS):
        active = jnp.logical_not(done)
        cnt = jnp.sum(active.astype(i32))
        aidx = jnp.where(active, size=P, fill_value=0)[0]
        ps_o, samp_o, fsamp_o, h3 = hop_call(
            ps, pt.astype(i32).reshape(P, 1),
            done.astype(i32).reshape(P, 1),
            gum_list[k], opf_list[k], gum_list[k], opf_list[k],
            W1p, W2, Wr1p, Wr2, id64, opep, tid_emb,
            b1r, b2r, br1r, br2r)
        u = jnp.where(pos < cnt, samp_o[aidx, 0], fsamp_o[:, 0])
        ran = cnt > 0
        pt = jnp.where(ran, pt.at[aidx].set(jnp.clip(u, 0, T - 1)), pt)
        done = jnp.where(ran, done.at[aidx].set(u == T), done)
        fix = jnp.logical_and(ran, cnt < P)
        row0 = jnp.where(fix,
                         jax.lax.dynamic_slice(h3, (oplast_list[k], 0),
                                               (1, H)),
                         ps_o[0:1, :])
        ps = ps_o.at[0:1, :].set(row0)

    ps3 = ps.reshape(Bx, npp, H)
    nbf = Bx // BB
    lat, pred = pl.pallas_call(
        _final_kernel,
        grid=(nbf,),
        in_specs=[
            pl.BlockSpec((BB, npp, H), lambda b: (b, 0, 0)),
            pl.BlockSpec((H, Din), lambda b: (0, 0)),
            pl.BlockSpec((1, Din), lambda b: (0, 0)),
        ],
        out_specs=[
            pl.BlockSpec((BB, H), lambda b: (b, 0)),
            pl.BlockSpec((BB, Din), lambda b: (b, 0)),
        ],
        out_shape=[
            jax.ShapeDtypeStruct((Bx, H), f32),
            jax.ShapeDtypeStruct((Bx, Din), f32),
        ],
        compiler_params=pltpu.CompilerParams(
            dimension_semantics=("arbitrary",)),
    )(ps3, Wp, bp.reshape(1, Din))
    return (lat, pred)

# --- scband reference (transcript-rebuilt; emitter-appended) ---
"""Pipeline reference for scband-temper-graph-49082886259344 (READ-ONLY COPY).

The authoritative reference and input builder live on the scoring server;
editing this copy changes nothing except your own understanding.
"""

import jax, jax.numpy as jnp
import numpy as np

H = 128
D = 2048
T = 64
MAX_HOPS = 4
NUM_OPS = 3
EMB = H // 2
B = 8192

def _dense_init(key, fan_in, fan_out):
    return jax.random.normal(key, (fan_in, fan_out), jnp.float32) / np.sqrt(fan_in)

def setup_inputs(seed: int = 0):
    key = jax.random.key(seed)
    ks = jax.random.split(key, 14)
    x = jax.random.normal(ks[0], (B, D), jnp.float32)
    rng = jax.random.key(1234)
    W1 = _dense_init(ks[1], H + 4 + EMB, H)
    b1 = jnp.zeros((H,), jnp.float32)
    W2 = _dense_init(ks[2], H, H)
    b2 = jnp.zeros((H,), jnp.float32)
    op_emb = jax.random.normal(ks[3], (NUM_OPS, EMB), jnp.float32) * 0.01
    op_logits = jnp.zeros((NUM_OPS,), jnp.float32)
    id_embeds = jax.random.normal(ks[4], (128, 4), jnp.float32) * 0.01
    tid_emb = jax.random.normal(ks[5], (T, 4), jnp.float32) * 0.01
    Wr1 = _dense_init(ks[6], H + 4, 32)
    br1 = jnp.zeros((32,), jnp.float32)
    Wr2 = _dense_init(ks[7], 32, T + 1)
    br2 = jnp.zeros((T + 1,), jnp.float32)
    Wp = _dense_init(ks[8], H, D)
    bp = jnp.zeros((D,), jnp.float32)
    return {"x": x, "rng": rng, "W1": W1, "b1": b1, "W2": W2, "b2": b2, "op_emb": op_emb, "op_logits": op_logits, "id_embeds": id_embeds, "tid_emb": tid_emb, "Wr1": Wr1, "br1": br1, "Wr2": Wr2, "br2": br2, "Wp": Wp, "bp": bp}

def reference(x, rng, W1, b1, W2, b2, op_emb, op_logits, id_embeds, tid_emb, Wr1, br1, Wr2, br2, Wp, bp):
    Bx, Din = x.shape
    pad = (H - Din % H) % H
    if pad > 0:
        x = jnp.pad(x, ((0, 0), (0, pad)))
    num_patches = x.shape[1] // H
    patches = x.reshape(Bx * num_patches, H)
    P = patches.shape[0]
    patch_tempers = jax.random.randint(rng, (P,), 0, T)
    patch_done = jnp.zeros((P,), dtype=bool)
    state0 = jnp.zeros((H,), jnp.float32)

    def body_fn(carry):
        ps, pt, done, r, hop, st = carry
        r, sub = jax.random.split(r)
        active_mask = jnp.logical_not(done)
        active_idx = jnp.where(active_mask, size=P, fill_value=0)[0]
        x_act = ps[active_idx]
        t_act = pt[active_idx]
        rng_keys = jax.random.split(sub, P)
        probs_op = jax.nn.softmax(op_logits)
        op_idx = jax.vmap(lambda k: jax.random.categorical(k, jnp.log(probs_op)))(rng_keys)
        id_e = id_embeds[t_act]
        op_e = op_emb[op_idx]
        x_aug = jnp.concatenate([x_act, id_e, op_e], axis=-1)
        h = jax.nn.relu(x_aug @ W1 + b1)
        h = jax.nn.relu(h @ W2 + b2)
        st = 0.95 * st + 0.05 * h.mean(axis=0)
        ps = ps.at[active_idx].set(h)
        enriched = jnp.concatenate([h, tid_emb[t_act]], axis=-1)
        logits = jax.nn.relu(enriched @ Wr1 + br1) @ Wr2 + br2
        probs = jax.nn.softmax(logits)
        r, srng = jax.random.split(r)
        sampled = jax.random.categorical(srng, jnp.log(probs))
        stop = sampled == T
        nxt = jnp.clip(sampled, 0, T - 1)
        pt = pt.at[active_idx].set(nxt)
        done = done.at[active_idx].set(stop)
        return (ps, pt, done, r, hop + 1, st)

    def cond_fn(carry):
        _, _, done, _, hop, _ = carry
        return jnp.logical_and(hop < MAX_HOPS, jnp.any(jnp.logical_not(done)))

    carry = (patches, patch_tempers, patch_done, rng, jnp.int32(0), state0)
    ps, pt, done, rng, _, st = jax.lax.while_loop(cond_fn, body_fn, carry)
    latent = ps.reshape(Bx, num_patches, H).mean(axis=1)
    pred = latent @ Wp + bp
    return (latent, pred)

if __name__ == "__main__":
    import jax
    _d = setup_inputs()
    print(jax.jit(kernel)(*tuple(_d.values())))

</pallas_src>

<mosaic_0001>
module attributes {stable_mosaic.version = 14 : i64} {
  func.func @_hop_kernel(%arg0: i32, %arg1: memref<256x128xf32, #tpu.memory_space<vmem>>, %arg2: memref<256x1xi32, #tpu.memory_space<vmem>>, %arg3: memref<256x1xi32, #tpu.memory_space<vmem>>, %arg4: memref<131072x65xf32, #tpu.memory_space<any>>, %arg5: memref<131072x1xf32, #tpu.memory_space<any>>, %arg6: memref<256x65xf32, #tpu.memory_space<vmem>>, %arg7: memref<256x1xf32, #tpu.memory_space<vmem>>, %arg8: memref<200x128xf32, #tpu.memory_space<vmem>>, %arg9: memref<128x128xf32, #tpu.memory_space<vmem>>, %arg10: memref<136x32xf32, #tpu.memory_space<vmem>>, %arg11: memref<32x65xf32, #tpu.memory_space<vmem>>, %arg12: memref<64x4xf32, #tpu.memory_space<vmem>>, %arg13: memref<8x64xf32, #tpu.memory_space<vmem>>, %arg14: memref<64x4xf32, #tpu.memory_space<vmem>>, %arg15: memref<1x128xf32, #tpu.memory_space<vmem>>, %arg16: memref<1x128xf32, #tpu.memory_space<vmem>>, %arg17: memref<1x32xf32, #tpu.memory_space<vmem>>, %arg18: memref<1x65xf32, #tpu.memory_space<vmem>>, %arg19: memref<256x128xf32, #tpu.memory_space<vmem>>, %arg20: memref<256x1xi32, #tpu.memory_space<vmem>>, %arg21: memref<256x1xi32, #tpu.memory_space<vmem>>, %arg22: memref<8x128xf32, #tpu.memory_space<vmem>>, %arg23: memref<272x65xf32, #tpu.memory_space<vmem>>, %arg24: memref<272x1xf32, #tpu.memory_space<vmem>>, %arg25: memref<8x65xf32, #tpu.memory_space<vmem>>, %arg26: memref<4xi32, #tpu.memory_space<smem>>, %arg27: memref<!tpu.dma_semaphore, #tpu.memory_space<semaphore_mem>>, %arg28: memref<!tpu.dma_semaphore, #tpu.memory_space<semaphore_mem>>) attributes {dimension_semantics = [#tpu.dimension_semantics<arbitrary>], iteration_bounds = array<i64: 512>, scalar_prefetch = 0 : i64, scratch_operands = 6 : i64, tpu.core_type = #tpu.core_type<tc>, window_params = [{transform_indices = @transform_0, window_bounds = array<i64: 256, 128>}, {transform_indices = @transform_1, window_bounds = array<i64: 256, 1>}, {transform_indices = @transform_2, window_bounds = array<i64: 256, 1>}, {}, {}, {transform_indices = @transform_5, window_bounds = array<i64: 256, 65>}, {transform_indices = @transform_6, window_bounds = array<i64: 256, 1>}, {pipeline_mode = #tpu.pipeline_mode<synchronous>, transform_indices = @transform_7, window_bounds = array<i64: 200, 128>}, {pipeline_mode = #tpu.pipeline_mode<synchronous>, transform_indices = @transform_8, window_bounds = array<i64: 128, 128>}, {pipeline_mode = #tpu.pipeline_mode<synchronous>, transform_indices = @transform_9, window_bounds = array<i64: 136, 32>}, {pipeline_mode = #tpu.pipeline_mode<synchronous>, transform_indices = @transform_10, window_bounds = array<i64: 32, 65>}, {pipeline_mode = #tpu.pipeline_mode<synchronous>, transform_indices = @transform_11, window_bounds = array<i64: 64, 4>}, {pipeline_mode = #tpu.pipeline_mode<synchronous>, transform_indices = @transform_12, window_bounds = array<i64: 8, 64>}, {pipeline_mode = #tpu.pipeline_mode<synchronous>, transform_indices = @transform_13, window_bounds = array<i64: 64, 4>}, {pipeline_mode = #tpu.pipeline_mode<synchronous>, transform_indices = @transform_14, window_bounds = array<i64: 1, 128>}, {pipeline_mode = #tpu.pipeline_mode<synchronous>, transform_indices = @transform_15, window_bounds = array<i64: 1, 128>}, {pipeline_mode = #tpu.pipeline_mode<synchronous>, transform_indices = @transform_16, window_bounds = array<i64: 1, 32>}, {pipeline_mode = #tpu.pipeline_mode<synchronous>, transform_indices = @transform_17, window_bounds = array<i64: 1, 65>}, {transform_indices = @transform_18, window_bounds = array<i64: 256, 128>}, {transform_indices = @transform_19, window_bounds = array<i64: 256, 1>}, {transform_indices = @transform_20, window_bounds = array<i64: 256, 1>}, {pipeline_mode = #tpu.pipeline_mode<synchronous>, transform_indices = @transform_21, window_bounds = array<i64: 8, 128>}]} {
    %get3A = arith.constant 0 : index
    %get3A_0 = arith.constant 0 : index
    %get3A_1 = vector.load %arg1[%get3A, %get3A_0] : memref<256x128xf32, #tpu.memory_space<vmem>>, vector<256x128xf32>
    %get3A_2 = arith.constant 0 : index
    %get3A_3 = arith.constant 0 : index
    %get3A_4 = vector.load %arg2[%get3A_2, %get3A_3] : memref<256x1xi32, #tpu.memory_space<vmem>>, vector<256x1xi32>
    %get3A_5 = arith.constant 0 : index
    %get3A_6 = arith.constant 0 : index
    %get3A_7 = vector.load %arg3[%get3A_5, %get3A_6] : memref<256x1xi32, #tpu.memory_space<vmem>>, vector<256x1xi32>
    %eq3A = arith.constant 0 : i32
    %eq3A_8 = arith.cmpi eq, %arg0, %eq3A : i32
    %convert_element_type3A = arith.extui %eq3A_8 : i1 to i32
    %cond3A = arith.constant 0 : i32
    %cond3A_9 = arith.cmpi ne, %convert_element_type3A, %cond3A : i32
    scf.if %cond3A_9 {
      %swap3A_244 = arith.constant 0 : i32
      %swap3A_245 = arith.constant 0 : index
      %swap3A_246 = memref.load %arg26[%swap3A_245] : memref<4xi32, #tpu.memory_space<smem>>
      memref.store %swap3A_244, %arg26[%swap3A_245] : memref<4xi32, #tpu.memory_space<smem>>
      %slice3A = vector.extract_strided_slice %get3A_1 {offsets = [0, 0], sizes = [1, 128], strides = [1, 1]} : vector<256x128xf32> to vector<1x128xf32>
      %slice3A_247 = vector.extract_strided_slice %get3A_4 {offsets = [0, 0], sizes = [1, 1], strides = [1, 1]} : vector<256x1xi32> to vector<1x1xi32>
      %iota3A_248 = tpu.iota {dimensions = array<i32: 1>} : vector<1x64xi32>
      %eq3A_249 = vector.broadcast %slice3A_247 : vector<1x1xi32> to vector<1x64xi32>
      %eq3A_250 = arith.cmpi eq, %iota3A_248, %eq3A_249 : vector<1x64xi32>
      %convert_element_type3A_251 = arith.extui %eq3A_250 : vector<1x64xi1> to vector<1x64xi32>
      %convert_element_type3A_252 = arith.sitofp %convert_element_type3A_251 : vector<1x64xi32> to vector<1x64xf32>
      %get3A_253 = arith.constant 0 : index
      %get3A_254 = arith.constant 0 : index
      %get3A_255 = vector.load %arg12[%get3A_253, %get3A_254] : memref<64x4xf32, #tpu.memory_space<vmem>>, vector<64x4xf32>
      %dot_general3A_256 = arith.constant dense<0.000000e+00> : vector<1x4xf32>
      %dot_general3A_257 = tpu.matmul %convert_element_type3A_252, %get3A_255, %dot_general3A_256 {dimension_numbers = #tpu.dot_dimension_numbers<[1], [0], [0], [1], [0, 0, 1, 1], [], []>, precision = #tpu.contract_precision<fp32>, transpose_lhs_hint = false} : vector<1x64xf32>, vector<64x4xf32>, vector<1x4xf32> -> vector<1x4xf32>
      %get3A_258 = arith.constant 0 : index
      %get3A_259 = arith.constant 0 : index
      %get3A_260 = vector.load %arg14[%get3A_258, %get3A_259] : memref<64x4xf32, #tpu.memory_space<vmem>>, vector<64x4xf32>
      %dot_general3A_261 = arith.constant dense<0.000000e+00> : vector<1x4xf32>
      %dot_general3A_262 = tpu.matmul %convert_element_type3A_252, %get3A_260, %dot_general3A_261 {dimension_numbers = #tpu.dot_dimension_numbers<[1], [0], [0], [1], [0, 0, 1, 1], [], []>, precision = #tpu.contract_precision<fp32>, transpose_lhs_hint = false} : vector<1x64xf32>, vector<64x4xf32>, vector<1x4xf32> -> vector<1x4xf32>
      %broadcast_in_dim3A_263 = arith.constant 1.000000e+00 : f32
      %broadcast_in_dim3A_264 = vector.broadcast %broadcast_in_dim3A_263 : f32 to vector<8x1xf32>
      %dot_general3A_265 = arith.constant dense<0.000000e+00> : vector<8x128xf32>
      %dot_general3A_266 = tpu.matmul %broadcast_in_dim3A_264, %slice3A, %dot_general3A_265 {dimension_numbers = #tpu.dot_dimension_numbers<[1], [0], [0], [1], [0, 0, 1, 1], [], []>, precision = #tpu.contract_precision<fp32>, transpose_lhs_hint = false} : vector<8x1xf32>, vector<1x128xf32>, vector<8x128xf32> -> vector<8x128xf32>
      %dot_general3A_267 = arith.constant dense<0.000000e+00> : vector<8x4xf32>
      %dot_general3A_268 = tpu.matmul %broadcast_in_dim3A_264, %dot_general3A_257, %dot_general3A_267 {dimension_numbers = #tpu.dot_dimension_numbers<[1], [0], [0], [1], [0, 0, 1, 1], [], []>, precision = #tpu.contract_precision<fp32>, transpose_lhs_hint = false} : vector<8x1xf32>, vector<1x4xf32>, vector<8x4xf32> -> vector<8x4xf32>
      %dot_general3A_269 = arith.constant dense<0.000000e+00> : vector<8x4xf32>
      %dot_general3A_270 = tpu.matmul %broadcast_in_dim3A_264, %dot_general3A_262, %dot_general3A_269 {dimension_numbers = #tpu.dot_dimension_numbers<[1], [0], [0], [1], [0, 0, 1, 1], [], []>, precision = #tpu.contract_precision<fp32>, transpose_lhs_hint = false} : vector<8x1xf32>, vector<1x4xf32>, vector<8x4xf32> -> vector<8x4xf32>
      %broadcast_in_dim3A_271 = arith.constant 0.000000e+00 : f32
      %broadcast_in_dim3A_272 = vector.broadcast %broadcast_in_dim3A_271 : f32 to vector<8x4xf32>
      %get3A_273 = arith.constant 0 : index
      %get3A_274 = arith.constant 0 : index
      %get3A_275 = vector.load %arg13[%get3A_273, %get3A_274] : memref<8x64xf32, #tpu.memory_space<vmem>>, vector<8x64xf32>
      %concatenate3A_276 = tpu.concatenate %dot_general3A_266, %dot_general3A_268, %get3A_275, %broadcast_in_dim3A_272 in 1 : vector<8x128xf32>, vector<8x4xf32>, vector<8x64xf32>, vector<8x4xf32> -> vector<8x200xf32>
      %get3A_277 = arith.constant 0 : index
      %get3A_278 = arith.constant 0 : index
      %get3A_279 = vector.load %arg8[%get3A_277, %get3A_278] : memref<200x128xf32, #tpu.memory_space<vmem>>, vector<200x128xf32>
      %convert_element_type3A_280 = arith.truncf %concatenate3A_276 : vector<8x200xf32> to vector<8x200xbf16>
      %convert_element_type3A_281 = arith.truncf %get3A_279 : vector<200x128xf32> to vector<200x128xbf16>
      %dot_general3A_282 = arith.constant dense<0.000000e+00> : vector<8x128xf32>
      %dot_general3A_283 = tpu.matmul %convert_element_type3A_280, %convert_element_type3A_281, %dot_general3A_282 {dimension_numbers = #tpu.dot_dimension_numbers<[1], [0], [0], [1], [0, 0, 1, 1], [], []>, transpose_lhs_hint = false} : vector<8x200xbf16>, vector<200x128xbf16>, vector<8x128xf32> -> vector<8x128xf32>
      %get3A_284 = arith.constant 0 : index
      %get3A_285 = arith.constant 0 : index
      %get3A_286 = vector.load %arg15[%get3A_284, %get3A_285] : memref<1x128xf32, #tpu.memory_space<vmem>>, vector<1x128xf32>
      %add3A_287 = vector.broadcast %get3A_286 : vector<1x128xf32> to vector<8x128xf32>
      %add3A_288 = arith.addf %dot_general3A_283, %add3A_287 : vector<8x128xf32>
      %max3A_289 = arith.constant 0.000000e+00 : f32
      %max3A_290 = vector.broadcast %max3A_289 : f32 to vector<8x128xf32>
      %max3A_291 = arith.maximumf %add3A_288, %max3A_290 : vector<8x128xf32>
      %get3A_292 = arith.constant 0 : index
      %get3A_293 = arith.constant 0 : index
      %get3A_294 = vector.load %arg9[%get3A_292, %get3A_293] : memref<128x128xf32, #tpu.memory_space<vmem>>, vector<128x128xf32>
      %convert_element_type3A_295 = arith.truncf %max3A_291 : vector<8x128xf32> to vector<8x128xbf16>
      %convert_element_type3A_296 = arith.truncf %get3A_294 : vector<128x128xf32> to vector<128x128xbf16>
      %dot_general3A_297 = arith.constant dense<0.000000e+00> : vector<8x128xf32>
      %dot_general3A_298 = tpu.matmul %convert_element_type3A_295, %convert_element_type3A_296, %dot_general3A_297 {dimension_numbers = #tpu.dot_dimension_numbers<[1], [0], [0], [1], [0, 0, 1, 1], [], []>, transpose_lhs_hint = false} : vector<8x128xbf16>, vector<128x128xbf16>, vector<8x128xf32> -> vector<8x128xf32>
      %get3A_299 = arith.constant 0 : index
      %get3A_300 = arith.constant 0 : index
      %get3A_301 = vector.load %arg16[%get3A_299, %get3A_300] : memref<1x128xf32, #tpu.memory_space<vmem>>, vector<1x128xf32>
      %add3A_302 = vector.broadcast %get3A_301 : vector<1x128xf32> to vector<8x128xf32>
      %add3A_303 = arith.addf %dot_general3A_298, %add3A_302 : vector<8x128xf32>
      %max3A_304 = arith.constant 0.000000e+00 : f32
      %max3A_305 = vector.broadcast %max3A_304 : f32 to vector<8x128xf32>
      %max3A_306 = arith.maximumf %add3A_303, %max3A_305 : vector<8x128xf32>
      %concatenate3A_307 = tpu.concatenate %max3A_306, %dot_general3A_270, %broadcast_in_dim3A_272 in 1 : vector<8x128xf32>, vector<8x4xf32>, vector<8x4xf32> -> vector<8x136xf32>
      %get3A_308 = arith.constant 0 : index
      %get3A_309 = arith.constant 0 : index
      %get3A_310 = vector.load %arg10[%get3A_308, %get3A_309] : memref<136x32xf32, #tpu.memory_space<vmem>>, vector<136x32xf32>
      %convert_element_type3A_311 = arith.truncf %concatenate3A_307 : vector<8x136xf32> to vector<8x136xbf16>
      %convert_element_type3A_312 = arith.truncf %get3A_310 : vector<136x32xf32> to vector<136x32xbf16>
      %dot_general3A_313 = arith.constant dense<0.000000e+00> : vector<8x32xf32>
      %dot_general3A_314 = tpu.matmul %convert_element_type3A_311, %convert_element_type3A_312, %dot_general3A_313 {dimension_numbers = #tpu.dot_dimension_numbers<[1], [0], [0], [1], [0, 0, 1, 1], [], []>, transpose_lhs_hint = false} : vector<8x136xbf16>, vector<136x32xbf16>, vector<8x32xf32> -> vector<8x32xf32>
      %get3A_315 = arith.constant 0 : index
      %get3A_316 = arith.constant 0 : index
      %get3A_317 = vector.load %arg17[%get3A_315, %get3A_316] : memref<1x32xf32, #tpu.memory_space<vmem>>, vector<1x32xf32>
      %add3A_318 = vector.broadcast %get3A_317 : vector<1x32xf32> to vector<8x32xf32>
      %add3A_319 = arith.addf %dot_general3A_314, %add3A_318 : vector<8x32xf32>
      %max3A_320 = arith.constant 0.000000e+00 : f32
      %max3A_321 = vector.broadcast %max3A_320 : f32 to vector<8x32xf32>
      %max3A_322 = arith.maximumf %add3A_319, %max3A_321 : vector<8x32xf32>
      %get3A_323 = arith.constant 0 : index
      %get3A_324 = arith.constant 0 : index
      %get3A_325 = vector.load %arg11[%get3A_323, %get3A_324] : memref<32x65xf32, #tpu.memory_space<vmem>>, vector<32x65xf32>
      %convert_element_type3A_326 = arith.truncf %max3A_322 : vector<8x32xf32> to vector<8x32xbf16>
      %convert_element_type3A_327 = arith.truncf %get3A_325 : vector<32x65xf32> to vector<32x65xbf16>
      %dot_general3A_328 = arith.constant dense<0.000000e+00> : vector<8x65xf32>
      %dot_general3A_329 = tpu.matmul %convert_element_type3A_326, %convert_element_type3A_327, %dot_general3A_328 {dimension_numbers = #tpu.dot_dimension_numbers<[1], [0], [0], [1], [0, 0, 1, 1], [], []>, transpose_lhs_hint = false} : vector<8x32xbf16>, vector<32x65xbf16>, vector<8x65xf32> -> vector<8x65xf32>
      %get3A_330 = arith.constant 0 : index
      %get3A_331 = arith.constant 0 : index
      %get3A_332 = vector.load %arg18[%get3A_330, %get3A_331] : memref<1x65xf32, #tpu.memory_space<vmem>>, vector<1x65xf32>
      %add3A_333 = vector.broadcast %get3A_332 : vector<1x65xf32> to vector<8x65xf32>
      %add3A_334 = arith.addf %dot_general3A_329, %add3A_333 : vector<8x65xf32>
      %swap3A_335 = arith.constant 0 : index
      %swap3A_336 = arith.constant 0 : index
      %swap3A_337 = vector.load %arg22[%swap3A_335, %swap3A_336] : memref<8x128xf32, #tpu.memory_space<vmem>>, vector<8x128xf32>
      tpu.vector_store %arg22[%swap3A_335, %swap3A_336], %max3A_306 {strides = array<i32>} : memref<8x128xf32, #tpu.memory_space<vmem>>, vector<8x128xf32>,
      %swap3A_338 = arith.constant 0 : index
      %swap3A_339 = arith.constant 0 : index
      %swap3A_340 = vector.load %arg25[%swap3A_338, %swap3A_339] : memref<8x65xf32, #tpu.memory_space<vmem>>, vector<8x65xf32>
      tpu.vector_store %arg25[%swap3A_338, %swap3A_339], %add3A_334 {strides = array<i32>} : memref<8x65xf32, #tpu.memory_space<vmem>>, vector<8x65xf32>,
    } else {
    }
    %eq3A_10 = arith.constant 0 : i32
    %eq3A_11 = vector.broadcast %eq3A_10 : i32 to vector<256x1xi32>
    %eq3A_12 = arith.cmpi eq, %get3A_7, %eq3A_11 : vector<256x1xi32>
    %convert_element_type3A_13 = arith.extui %eq3A_12 : vector<256x1xi1> to vector<256x1xi32>
    %convert_element_type3A_14 = arith.sitofp %convert_element_type3A_13 : vector<256x1xi32> to vector<256x1xf32>
    %reduce_sum3A = vector.shape_cast %convert_element_type3A_14 : vector<256x1xf32> to vector<1x256x1xf32>
    %reduce_sum3A_15 = arith.constant dense<0.000000e+00> : vector<1xf32>
    %reduce_sum3A_16 = vector.multi_reduction <add>, %reduce_sum3A, %reduce_sum3A_15 [1, 2] : vector<1x256x1xf32> to vector<1xf32>
    %reduce_sum3A_17 = vector.shape_cast %reduce_sum3A_16 : vector<1xf32> to vector<1x1x1xf32>
    %reduce_sum3A_18 = vector.extract %reduce_sum3A_17[0, 0, 0] : f32 from vector<1x1x1xf32>
    %convert_element_type3A_19 = arith.fptosi %reduce_sum3A_18 : f32 to i32
    %get3A_20 = arith.constant 0 : index
    %get3A_21 = memref.load %arg26[%get3A_20] : memref<4xi32, #tpu.memory_space<smem>>
    %jit3A = arith.constant 8 : i32
    %div3A = arith.divsi %get3A_21, %jit3A : i32
    %sign3A = arith.constant 0 : i32
    %sign3A_22 = arith.cmpi sgt, %get3A_21, %sign3A : i32
    %sign3A_23 = arith.extui %sign3A_22 : i1 to i32
    %sign3A_24 = arith.constant 0 : i32
    %sign3A_25 = arith.cmpi slt, %get3A_21, %sign3A_24 : i32
    %sign3A_26 = arith.extui %sign3A_25 : i1 to i32
    %sign3A_27 = arith.subi %sign3A_23, %sign3A_26 : i32
    %sign3A_28 = arith.constant 0 : i32
    %sign3A_29 = arith.cmpi sgt, %jit3A, %sign3A_28 : i32
    %sign3A_30 = arith.extui %sign3A_29 : i1 to i32
    %sign3A_31 = arith.constant 0 : i32
    %sign3A_32 = arith.cmpi slt, %jit3A, %sign3A_31 : i32
    %sign3A_33 = arith.extui %sign3A_32 : i1 to i32
    %sign3A_34 = arith.subi %sign3A_30, %sign3A_33 : i32
    %ne3A = arith.cmpi ne, %sign3A_27, %sign3A_34 : i32
    %rem3A = arith.remsi %get3A_21, %jit3A : i32
    %ne3A_35 = arith.constant 0 : i32
    %ne3A_36 = arith.cmpi ne, %rem3A, %ne3A_35 : i32
    %and3A = arith.andi %ne3A, %ne3A_36 : i1
    %sub3A = arith.constant 1 : i32
    %sub3A_37 = arith.subi %div3A, %sub3A : i32
    %select_n3A = arith.select %and3A, %sub3A_37, %div3A : i32
    %mul3A = arith.constant 8 : i32
    %mul3A_38 = arith.muli %select_n3A, %mul3A : i32
    %min3A = arith.constant 130800 : i32
    %min3A_39 = arith.minsi %mul3A_38, %min3A : i32
    %sub3A_40 = arith.subi %get3A_21, %min3A_39 : i32
    %dma_start3A = arith.constant 0 : i32
    %dma_start3A_41 = tpu.memref_slice %arg4[%min3A_39, %dma_start3A] : memref<131072x65xf32, #tpu.memory_space<any>> -> memref<272x65xf32, #tpu.memory_space<any>>
    tpu.enqueue_dma source(%dma_start3A_41 : memref<272x65xf32, #tpu.memory_space<any>>) target(%arg23 : memref<272x65xf32, #tpu.memory_space<vmem>>) target_semaphore(%arg27 : memref<!tpu.dma_semaphore, #tpu.memory_space<semaphore_mem>>)
    %dma_start3A_42 = arith.constant 0 : i32
    %dma_start3A_43 = tpu.memref_slice %arg5[%min3A_39, %dma_start3A_42] : memref<131072x1xf32, #tpu.memory_space<any>> -> memref<272x1xf32, #tpu.memory_space<any>>
    tpu.enqueue_dma source(%dma_start3A_43 : memref<272x1xf32, #tpu.memory_space<any>>) target(%arg24 : memref<272x1xf32, #tpu.memory_space<vmem>>) target_semaphore(%arg28 : memref<!tpu.dma_semaphore, #tpu.memory_space<semaphore_mem>>)
    %iota3A = tpu.iota {dimensions = array<i32: 0>} : vector<256x256xi32>
    %iota3A_44 = tpu.iota {dimensions = array<i32: 1>} : vector<256x256xi32>
    %lt3A = arith.cmpi slt, %iota3A_44, %iota3A : vector<256x256xi32>
    %convert_element_type3A_45 = arith.extui %lt3A : vector<256x256xi1> to vector<256x256xi32>
    %convert_element_type3A_46 = arith.sitofp %convert_element_type3A_45 : vector<256x256xi32> to vector<256x256xf32>
    %dot_general3A = arith.constant dense<0.000000e+00> : vector<256x1xf32>
    %dot_general3A_47 = tpu.matmul %convert_element_type3A_46, %convert_element_type3A_14, %dot_general3A {dimension_numbers = #tpu.dot_dimension_numbers<[1], [0], [0], [1], [0, 0, 1, 1], [], []>, precision = #tpu.contract_precision<fp32>, transpose_lhs_hint = false} : vector<256x256xf32>, vector<256x1xf32>, vector<256x1xf32> -> vector<256x1xf32>
    %iota3A_48 = tpu.iota {dimensions = array<i32: 1>} : vector<256x272xi32>
    %convert_element_type3A_49 = arith.sitofp %iota3A_48 : vector<256x272xi32> to vector<256x272xf32>
    %convert_element_type3A_50 = arith.sitofp %sub3A_40 : i32 to f32
    %mul3A_51 = arith.constant 1.000000e+00 : f32
    %mul3A_52 = arith.mulf %mul3A_51, %convert_element_type3A_50 : f32
    %add3A = vector.broadcast %mul3A_52 : f32 to vector<256x1xf32>
    %add3A_53 = arith.addf %dot_general3A_47, %add3A : vector<256x1xf32>
    %eq3A_54 = vector.broadcast %add3A_53 : vector<256x1xf32> to vector<256x272xf32>
    %eq3A_55 = arith.cmpf oeq, %convert_element_type3A_49, %eq3A_54 : vector<256x272xf32>
    %and3A_56 = vector.broadcast %eq3A_12 : vector<256x1xi1> to vector<256x272xi1>
    %and3A_57 = arith.andi %eq3A_55, %and3A_56 : vector<256x272xi1>
    %convert_element_type3A_58 = arith.extui %and3A_57 : vector<256x272xi1> to vector<256x272xi32>
    %convert_element_type3A_59 = arith.sitofp %convert_element_type3A_58 : vector<256x272xi32> to vector<256x272xf32>
    %dma_wait3A = arith.constant 0 : i32
    %dma_wait3A_60 = tpu.memref_slice %arg4[%min3A_39, %dma_wait3A] : memref<131072x65xf32, #tpu.memory_space<any>> -> memref<272x65xf32, #tpu.memory_space<any>>
    tpu.wait_dma2 semaphore(%arg27 : memref<!tpu.dma_semaphore, #tpu.memory_space<semaphore_mem>>) src(%dma_wait3A_60 : memref<272x65xf32, #tpu.memory_space<any>>) dst(%arg23 : memref<272x65xf32, #tpu.memory_space<vmem>>)
    %dma_wait3A_61 = arith.constant 0 : i32
    %dma_wait3A_62 = tpu.memref_slice %arg5[%min3A_39, %dma_wait3A_61] : memref<131072x1xf32, #tpu.memory_space<any>> -> memref<272x1xf32, #tpu.memory_space<any>>
    tpu.wait_dma2 semaphore(%arg28 : memref<!tpu.dma_semaphore, #tpu.memory_space<semaphore_mem>>) src(%dma_wait3A_62 : memref<272x1xf32, #tpu.memory_space<any>>) dst(%arg24 : memref<272x1xf32, #tpu.memory_space<vmem>>)
    %get3A_63 = arith.constant 0 : index
    %get3A_64 = arith.constant 0 : index
    %get3A_65 = vector.load %arg23[%get3A_63, %get3A_64] : memref<272x65xf32, #tpu.memory_space<vmem>>, vector<272x65xf32>
    %dot_general3A_66 = arith.constant dense<0.000000e+00> : vector<256x65xf32>
    %dot_general3A_67 = tpu.matmul %convert_element_type3A_59, %get3A_65, %dot_general3A_66 {dimension_numbers = #tpu.dot_dimension_numbers<[1], [0], [0], [1], [0, 0, 1, 1], [], []>, precision = #tpu.contract_precision<fp32>, transpose_lhs_hint = false} : vector<256x272xf32>, vector<272x65xf32>, vector<256x65xf32> -> vector<256x65xf32>
    %get3A_68 = arith.constant 0 : index
    %get3A_69 = arith.constant 0 : index
    %get3A_70 = vector.load %arg24[%get3A_68, %get3A_69] : memref<272x1xf32, #tpu.memory_space<vmem>>, vector<272x1xf32>
    %dot_general3A_71 = arith.constant dense<0.000000e+00> : vector<256x1xf32>
    %dot_general3A_72 = tpu.matmul %convert_element_type3A_59, %get3A_70, %dot_general3A_71 {dimension_numbers = #tpu.dot_dimension_numbers<[1], [0], [0], [1], [0, 0, 1, 1], [], []>, precision = #tpu.contract_precision<fp32>, transpose_lhs_hint = false} : vector<256x272xf32>, vector<272x1xf32>, vector<256x1xf32> -> vector<256x1xf32>
    %iota3A_73 = tpu.iota {dimensions = array<i32: 1>} : vector<256x64xi32>
    %eq3A_74 = vector.broadcast %get3A_4 : vector<256x1xi32> to vector<256x64xi32>
    %eq3A_75 = arith.cmpi eq, %iota3A_73, %eq3A_74 : vector<256x64xi32>
    %convert_element_type3A_76 = arith.extui %eq3A_75 : vector<256x64xi1> to vector<256x64xi32>
    %convert_element_type3A_77 = arith.sitofp %convert_element_type3A_76 : vector<256x64xi32> to vector<256x64xf32>
    %get3A_78 = arith.constant 0 : index
    %get3A_79 = arith.constant 0 : index
    %get3A_80 = vector.load %arg12[%get3A_78, %get3A_79] : memref<64x4xf32, #tpu.memory_space<vmem>>, vector<64x4xf32>
    %dot_general3A_81 = arith.constant dense<0.000000e+00> : vector<256x4xf32>
    %dot_general3A_82 = tpu.matmul %convert_element_type3A_77, %get3A_80, %dot_general3A_81 {dimension_numbers = #tpu.dot_dimension_numbers<[1], [0], [0], [1], [0, 0, 1, 1], [], []>, precision = #tpu.contract_precision<fp32>, transpose_lhs_hint = false} : vector<256x64xf32>, vector<64x4xf32>, vector<256x4xf32> -> vector<256x4xf32>
    %get3A_83 = arith.constant 0 : index
    %get3A_84 = arith.constant 0 : index
    %get3A_85 = vector.load %arg14[%get3A_83, %get3A_84] : memref<64x4xf32, #tpu.memory_space<vmem>>, vector<64x4xf32>
    %dot_general3A_86 = arith.constant dense<0.000000e+00> : vector<256x4xf32>
    %dot_general3A_87 = tpu.matmul %convert_element_type3A_77, %get3A_85, %dot_general3A_86 {dimension_numbers = #tpu.dot_dimension_numbers<[1], [0], [0], [1], [0, 0, 1, 1], [], []>, precision = #tpu.contract_precision<fp32>, transpose_lhs_hint = false} : vector<256x64xf32>, vector<64x4xf32>, vector<256x4xf32> -> vector<256x4xf32>
    %lt3A_88 = arith.constant 5.000000e-01 : f32
    %lt3A_89 = vector.broadcast %lt3A_88 : f32 to vector<256x1xf32>
    %lt3A_90 = arith.cmpf olt, %dot_general3A_72, %lt3A_89 : vector<256x1xf32>
    %get3A_91 = arith.constant 0 : index
    %get3A_92 = arith.constant 0 : index
    %get3A_93 = vector.load %arg13[%get3A_91, %get3A_92] : memref<8x64xf32, #tpu.memory_space<vmem>>, vector<1x64xf32>
    %lt3A_94 = arith.constant 1.500000e+00 : f32
    %lt3A_95 = vector.broadcast %lt3A_94 : f32 to vector<256x1xf32>
    %lt3A_96 = arith.cmpf olt, %dot_general3A_72, %lt3A_95 : vector<256x1xf32>
    %get3A_97 = arith.constant 1 : index
    %get3A_98 = arith.constant 0 : index
    %get3A_99 = vector.load %arg13[%get3A_97, %get3A_98] : memref<8x64xf32, #tpu.memory_space<vmem>>, vector<1x64xf32>
    %get3A_100 = arith.constant 2 : index
    %get3A_101 = arith.constant 0 : index
    %get3A_102 = vector.load %arg13[%get3A_100, %get3A_101] : memref<8x64xf32, #tpu.memory_space<vmem>>, vector<1x64xf32>
    %broadcast_in_dim3A = vector.shape_cast %lt3A_96 : vector<256x1xi1> to vector<256x1xi1>
    %broadcast_in_dim3A_103 = vector.broadcast %broadcast_in_dim3A : vector<256x1xi1> to vector<256x64xi1>
    %broadcast_in_dim3A_104 = vector.shape_cast %get3A_99 : vector<1x64xf32> to vector<1x64xf32>
    %broadcast_in_dim3A_105 = vector.broadcast %broadcast_in_dim3A_104 : vector<1x64xf32> to vector<256x64xf32>
    %broadcast_in_dim3A_106 = vector.shape_cast %get3A_102 : vector<1x64xf32> to vector<1x64xf32>
    %broadcast_in_dim3A_107 = vector.broadcast %broadcast_in_dim3A_106 : vector<1x64xf32> to vector<256x64xf32>
    %select_n3A_108 = arith.select %broadcast_in_dim3A_103, %broadcast_in_dim3A_105, %broadcast_in_dim3A_107 : vector<256x64xi1>, vector<256x64xf32>
    %broadcast_in_dim3A_109 = vector.shape_cast %lt3A_90 : vector<256x1xi1> to vector<256x1xi1>
    %broadcast_in_dim3A_110 = vector.broadcast %broadcast_in_dim3A_109 : vector<256x1xi1> to vector<256x64xi1>
    %broadcast_in_dim3A_111 = vector.shape_cast %get3A_93 : vector<1x64xf32> to vector<1x64xf32>
    %broadcast_in_dim3A_112 = vector.broadcast %broadcast_in_dim3A_111 : vector<1x64xf32> to vector<256x64xf32>
    %select_n3A_113 = arith.select %broadcast_in_dim3A_110, %broadcast_in_dim3A_112, %select_n3A_108 : vector<256x64xi1>, vector<256x64xf32>
    %broadcast_in_dim3A_114 = arith.constant 0.000000e+00 : f32
    %broadcast_in_dim3A_115 = vector.broadcast %broadcast_in_dim3A_114 : f32 to vector<256x4xf32>
    %concatenate3A = tpu.concatenate %get3A_1, %dot_general3A_82, %select_n3A_113, %broadcast_in_dim3A_115 in 1 : vector<256x128xf32>, vector<256x4xf32>, vector<256x64xf32>, vector<256x4xf32> -> vector<256x200xf32>
    %get3A_116 = arith.constant 0 : index
    %get3A_117 = arith.constant 0 : index
    %get3A_118 = vector.load %arg8[%get3A_116, %get3A_117] : memref<200x128xf32, #tpu.memory_space<vmem>>, vector<200x128xf32>
    %convert_element_type3A_119 = arith.truncf %concatenate3A : vector<256x200xf32> to vector<256x200xbf16>
    %convert_element_type3A_120 = arith.truncf %get3A_118 : vector<200x128xf32> to vector<200x128xbf16>
    %dot_general3A_121 = arith.constant dense<0.000000e+00> : vector<256x128xf32>
    %dot_general3A_122 = tpu.matmul %convert_element_type3A_119, %convert_element_type3A_120, %dot_general3A_121 {dimension_numbers = #tpu.dot_dimension_numbers<[1], [0], [0], [1], [0, 0, 1, 1], [], []>, transpose_lhs_hint = false} : vector<256x200xbf16>, vector<200x128xbf16>, vector<256x128xf32> -> vector<256x128xf32>
    %get3A_123 = arith.constant 0 : index
    %get3A_124 = arith.constant 0 : index
    %get3A_125 = vector.load %arg15[%get3A_123, %get3A_124] : memref<1x128xf32, #tpu.memory_space<vmem>>, vector<1x128xf32>
    %add3A_126 = vector.broadcast %get3A_125 : vector<1x128xf32> to vector<256x128xf32>
    %add3A_127 = arith.addf %dot_general3A_122, %add3A_126 : vector<256x128xf32>
    %max3A = arith.constant 0.000000e+00 : f32
    %max3A_128 = vector.broadcast %max3A : f32 to vector<256x128xf32>
    %max3A_129 = arith.maximumf %add3A_127, %max3A_128 : vector<256x128xf32>
    %get3A_130 = arith.constant 0 : index
    %get3A_131 = arith.constant 0 : index
    %get3A_132 = vector.load %arg9[%get3A_130, %get3A_131] : memref<128x128xf32, #tpu.memory_space<vmem>>, vector<128x128xf32>
    %convert_element_type3A_133 = arith.truncf %max3A_129 : vector<256x128xf32> to vector<256x128xbf16>
    %convert_element_type3A_134 = arith.truncf %get3A_132 : vector<128x128xf32> to vector<128x128xbf16>
    %dot_general3A_135 = arith.constant dense<0.000000e+00> : vector<256x128xf32>
    %dot_general3A_136 = tpu.matmul %convert_element_type3A_133, %convert_element_type3A_134, %dot_general3A_135 {dimension_numbers = #tpu.dot_dimension_numbers<[1], [0], [0], [1], [0, 0, 1, 1], [], []>, transpose_lhs_hint = false} : vector<256x128xbf16>, vector<128x128xbf16>, vector<256x128xf32> -> vector<256x128xf32>
    %get3A_137 = arith.constant 0 : index
    %get3A_138 = arith.constant 0 : index
    %get3A_139 = vector.load %arg16[%get3A_137, %get3A_138] : memref<1x128xf32, #tpu.memory_space<vmem>>, vector<1x128xf32>
    %add3A_140 = vector.broadcast %get3A_139 : vector<1x128xf32> to vector<256x128xf32>
    %add3A_141 = arith.addf %dot_general3A_136, %add3A_140 : vector<256x128xf32>
    %max3A_142 = arith.constant 0.000000e+00 : f32
    %max3A_143 = vector.broadcast %max3A_142 : f32 to vector<256x128xf32>
    %max3A_144 = arith.maximumf %add3A_141, %max3A_143 : vector<256x128xf32>
    %concatenate3A_145 = tpu.concatenate %max3A_144, %dot_general3A_87, %broadcast_in_dim3A_115 in 1 : vector<256x128xf32>, vector<256x4xf32>, vector<256x4xf32> -> vector<256x136xf32>
    %get3A_146 = arith.constant 0 : index
    %get3A_147 = arith.constant 0 : index
    %get3A_148 = vector.load %arg10[%get3A_146, %get3A_147] : memref<136x32xf32, #tpu.memory_space<vmem>>, vector<136x32xf32>
    %convert_element_type3A_149 = arith.truncf %concatenate3A_145 : vector<256x136xf32> to vector<256x136xbf16>
    %convert_element_type3A_150 = arith.truncf %get3A_148 : vector<136x32xf32> to vector<136x32xbf16>
    %dot_general3A_151 = arith.constant dense<0.000000e+00> : vector<256x32xf32>
    %dot_general3A_152 = tpu.matmul %convert_element_type3A_149, %convert_element_type3A_150, %dot_general3A_151 {dimension_numbers = #tpu.dot_dimension_numbers<[1], [0], [0], [1], [0, 0, 1, 1], [], []>, transpose_lhs_hint = false} : vector<256x136xbf16>, vector<136x32xbf16>, vector<256x32xf32> -> vector<256x32xf32>
    %get3A_153 = arith.constant 0 : index
    %get3A_154 = arith.constant 0 : index
    %get3A_155 = vector.load %arg17[%get3A_153, %get3A_154] : memref<1x32xf32, #tpu.memory_space<vmem>>, vector<1x32xf32>
    %add3A_156 = vector.broadcast %get3A_155 : vector<1x32xf32> to vector<256x32xf32>
    %add3A_157 = arith.addf %dot_general3A_152, %add3A_156 : vector<256x32xf32>
    %max3A_158 = arith.constant 0.000000e+00 : f32
    %max3A_159 = vector.broadcast %max3A_158 : f32 to vector<256x32xf32>
    %max3A_160 = arith.maximumf %add3A_157, %max3A_159 : vector<256x32xf32>
    %get3A_161 = arith.constant 0 : index
    %get3A_162 = arith.constant 0 : index
    %get3A_163 = vector.load %arg11[%get3A_161, %get3A_162] : memref<32x65xf32, #tpu.memory_space<vmem>>, vector<32x65xf32>
    %convert_element_type3A_164 = arith.truncf %max3A_160 : vector<256x32xf32> to vector<256x32xbf16>
    %convert_element_type3A_165 = arith.truncf %get3A_163 : vector<32x65xf32> to vector<32x65xbf16>
    %dot_general3A_166 = arith.constant dense<0.000000e+00> : vector<256x65xf32>
    %dot_general3A_167 = tpu.matmul %convert_element_type3A_164, %convert_element_type3A_165, %dot_general3A_166 {dimension_numbers = #tpu.dot_dimension_numbers<[1], [0], [0], [1], [0, 0, 1, 1], [], []>, transpose_lhs_hint = false} : vector<256x32xbf16>, vector<32x65xbf16>, vector<256x65xf32> -> vector<256x65xf32>
    %get3A_168 = arith.constant 0 : index
    %get3A_169 = arith.constant 0 : index
    %get3A_170 = vector.load %arg18[%get3A_168, %get3A_169] : memref<1x65xf32, #tpu.memory_space<vmem>>, vector<1x65xf32>
    %add3A_171 = vector.broadcast %get3A_170 : vector<1x65xf32> to vector<256x65xf32>
    %add3A_172 = arith.addf %dot_general3A_167, %add3A_171 : vector<256x65xf32>
    %add3A_173 = arith.addf %add3A_172, %dot_general3A_67 : vector<256x65xf32>
    %reduce_max3A = arith.constant dense<0xFF800000> : vector<256xf32>
    %reduce_max3A_174 = vector.multi_reduction <maximumf>, %add3A_173, %reduce_max3A [1] : vector<256x65xf32> to vector<256xf32>
    %broadcast_in_dim3A_175 = vector.shape_cast %reduce_max3A_174 : vector<256xf32> to vector<256x1xf32>
    %iota3A_176 = tpu.iota {dimensions = array<i32: 1>} : vector<256x65xi32>
    %eq3A_177 = vector.broadcast %broadcast_in_dim3A_175 : vector<256x1xf32> to vector<256x65xf32>
    %eq3A_178 = arith.cmpf oeq, %add3A_173, %eq3A_177 : vector<256x65xf32>
    %jit3A_179 = arith.constant 65 : i32
    %broadcast_in_dim3A_180 = vector.broadcast %jit3A_179 : i32 to vector<256x65xi32>
    %select_n3A_181 = arith.select %eq3A_178, %iota3A_176, %broadcast_in_dim3A_180 : vector<256x65xi1>, vector<256x65xi32>
    %reduce_min3A = arith.constant dense<2147483647> : vector<256xi32>
    %reduce_min3A_182 = vector.multi_reduction <minsi>, %select_n3A_181, %reduce_min3A [1] : vector<256x65xi32> to vector<256xi32>
    %broadcast_in_dim3A_183 = vector.shape_cast %reduce_min3A_182 : vector<256xi32> to vector<256x1xi32>
    %broadcast_in_dim3A_184 = vector.shape_cast %eq3A_12 : vector<256x1xi1> to vector<256x1xi1>
    %broadcast_in_dim3A_185 = vector.broadcast %broadcast_in_dim3A_184 : vector<256x1xi1> to vector<256x128xi1>
    %select_n3A_186 = arith.select %broadcast_in_dim3A_185, %max3A_144, %get3A_1 : vector<256x128xi1>, vector<256x128xf32>
    %swap3A = arith.constant 0 : index
    %swap3A_187 = arith.constant 0 : index
    %swap3A_188 = vector.load %arg19[%swap3A, %swap3A_187] : memref<256x128xf32, #tpu.memory_space<vmem>>, vector<256x128xf32>
    tpu.vector_store %arg19[%swap3A, %swap3A_187], %select_n3A_186 {strides = array<i32>} : memref<256x128xf32, #tpu.memory_space<vmem>>, vector<256x128xf32>,
    %swap3A_189 = arith.constant 0 : index
    %swap3A_190 = arith.constant 0 : index
    %swap3A_191 = vector.load %arg20[%swap3A_189, %swap3A_190] : memref<256x1xi32, #tpu.memory_space<vmem>>, vector<256x1xi32>
    tpu.vector_store %arg20[%swap3A_189, %swap3A_190], %broadcast_in_dim3A_183 {strides = array<i32>} : memref<256x1xi32, #tpu.memory_space<vmem>>, vector<256x1xi32>,
    %get3A_192 = arith.constant 0 : index
    %get3A_193 = arith.constant 0 : index
    %get3A_194 = vector.load %arg7[%get3A_192, %get3A_193] : memref<256x1xf32, #tpu.memory_space<vmem>>, vector<256x1xf32>
    %lt3A_195 = arith.constant 5.000000e-01 : f32
    %lt3A_196 = vector.broadcast %lt3A_195 : f32 to vector<256x1xf32>
    %lt3A_197 = arith.cmpf olt, %get3A_194, %lt3A_196 : vector<256x1xf32>
    %get3A_198 = arith.constant 0 : index
    %get3A_199 = arith.constant 0 : index
    %get3A_200 = vector.load %arg25[%get3A_198, %get3A_199] : memref<8x65xf32, #tpu.memory_space<vmem>>, vector<1x65xf32>
    %lt3A_201 = arith.constant 1.500000e+00 : f32
    %lt3A_202 = vector.broadcast %lt3A_201 : f32 to vector<256x1xf32>
    %lt3A_203 = arith.cmpf olt, %get3A_194, %lt3A_202 : vector<256x1xf32>
    %get3A_204 = arith.constant 1 : index
    %get3A_205 = arith.constant 0 : index
    %get3A_206 = vector.load %arg25[%get3A_204, %get3A_205] : memref<8x65xf32, #tpu.memory_space<vmem>>, vector<1x65xf32>
    %get3A_207 = arith.constant 2 : index
    %get3A_208 = arith.constant 0 : index
    %get3A_209 = vector.load %arg25[%get3A_207, %get3A_208] : memref<8x65xf32, #tpu.memory_space<vmem>>, vector<1x65xf32>
    %broadcast_in_dim3A_210 = vector.shape_cast %lt3A_203 : vector<256x1xi1> to vector<256x1xi1>
    %broadcast_in_dim3A_211 = vector.broadcast %broadcast_in_dim3A_210 : vector<256x1xi1> to vector<256x65xi1>
    %broadcast_in_dim3A_212 = vector.shape_cast %get3A_206 : vector<1x65xf32> to vector<1x65xf32>
    %broadcast_in_dim3A_213 = vector.broadcast %broadcast_in_dim3A_212 : vector<1x65xf32> to vector<256x65xf32>
    %broadcast_in_dim3A_214 = vector.shape_cast %get3A_209 : vector<1x65xf32> to vector<1x65xf32>
    %broadcast_in_dim3A_215 = vector.broadcast %broadcast_in_dim3A_214 : vector<1x65xf32> to vector<256x65xf32>
    %select_n3A_216 = arith.select %broadcast_in_dim3A_211, %broadcast_in_dim3A_213, %broadcast_in_dim3A_215 : vector<256x65xi1>, vector<256x65xf32>
    %broadcast_in_dim3A_217 = vector.shape_cast %lt3A_197 : vector<256x1xi1> to vector<256x1xi1>
    %broadcast_in_dim3A_218 = vector.broadcast %broadcast_in_dim3A_217 : vector<256x1xi1> to vector<256x65xi1>
    %broadcast_in_dim3A_219 = vector.shape_cast %get3A_200 : vector<1x65xf32> to vector<1x65xf32>
    %broadcast_in_dim3A_220 = vector.broadcast %broadcast_in_dim3A_219 : vector<1x65xf32> to vector<256x65xf32>
    %select_n3A_221 = arith.select %broadcast_in_dim3A_218, %broadcast_in_dim3A_220, %select_n3A_216 : vector<256x65xi1>, vector<256x65xf32>
    %get3A_222 = arith.constant 0 : index
    %get3A_223 = arith.constant 0 : index
    %get3A_224 = vector.load %arg6[%get3A_222, %get3A_223] : memref<256x65xf32, #tpu.memory_space<vmem>>, vector<256x65xf32>
    %add3A_225 = arith.addf %select_n3A_221, %get3A_224 : vector<256x65xf32>
    %reduce_max3A_226 = arith.constant dense<0xFF800000> : vector<256xf32>
    %reduce_max3A_227 = vector.multi_reduction <maximumf>, %add3A_225, %reduce_max3A_226 [1] : vector<256x65xf32> to vector<256xf32>
    %broadcast_in_dim3A_228 = vector.shape_cast %reduce_max3A_227 : vector<256xf32> to vector<256x1xf32>
    %iota3A_229 = tpu.iota {dimensions = array<i32: 1>} : vector<256x65xi32>
    %eq3A_230 = vector.broadcast %broadcast_in_dim3A_228 : vector<256x1xf32> to vector<256x65xf32>
    %eq3A_231 = arith.cmpf oeq, %add3A_225, %eq3A_230 : vector<256x65xf32>
    %jit3A_232 = arith.constant 65 : i32
    %broadcast_in_dim3A_233 = vector.broadcast %jit3A_232 : i32 to vector<256x65xi32>
    %select_n3A_234 = arith.select %eq3A_231, %iota3A_229, %broadcast_in_dim3A_233 : vector<256x65xi1>, vector<256x65xi32>
    %reduce_min3A_235 = arith.constant dense<2147483647> : vector<256xi32>
    %reduce_min3A_236 = vector.multi_reduction <minsi>, %select_n3A_234, %reduce_min3A_235 [1] : vector<256x65xi32> to vector<256xi32>
    %broadcast_in_dim3A_237 = vector.shape_cast %reduce_min3A_236 : vector<256xi32> to vector<256x1xi32>
    %swap3A_238 = arith.constant 0 : index
    %swap3A_239 = arith.constant 0 : index
    %swap3A_240 = vector.load %arg21[%swap3A_238, %swap3A_239] : memref<256x1xi32, #tpu.memory_space<vmem>>, vector<256x1xi32>
    tpu.vector_store %arg21[%swap3A_238, %swap3A_239], %broadcast_in_dim3A_237 {strides = array<i32>} : memref<256x1xi32, #tpu.memory_space<vmem>>, vector<256x1xi32>,
    %add3A_241 = arith.addi %get3A_21, %convert_element_type3A_19 : i32
    %swap3A_242 = arith.constant 0 : index
    %swap3A_243 = memref.load %arg26[%swap3A_242] : memref<4xi32, #tpu.memory_space<smem>>
    memref.store %add3A_241, %arg26[%swap3A_242] : memref<4xi32, #tpu.memory_space<smem>>
    return
  }
  func.func @transform_0(%arg0: i32) -> (i32, i32) {
    %c0_i32 = arith.constant 0 : i32
    %c0_i32_0 = arith.constant 0 : i32
    return %arg0, %c0_i32 : i32, i32
  }
  func.func @transform_1(%arg0: i32) -> (i32, i32) {
    %c0_i32 = arith.constant 0 : i32
    %c0_i32_0 = arith.constant 0 : i32
    return %arg0, %c0_i32 : i32, i32
  }
  func.func @transform_2(%arg0: i32) -> (i32, i32) {
    %c0_i32 = arith.constant 0 : i32
    %c0_i32_0 = arith.constant 0 : i32
    return %arg0, %c0_i32 : i32, i32
  }
  func.func @transform_5(%arg0: i32) -> (i32, i32) {
    %c0_i32 = arith.constant 0 : i32
    %c0_i32_0 = arith.constant 0 : i32
    return %arg0, %c0_i32 : i32, i32
  }
  func.func @transform_6(%arg0: i32) -> (i32, i32) {
    %c0_i32 = arith.constant 0 : i32
    %c0_i32_0 = arith.constant 0 : i32
    return %arg0, %c0_i32 : i32, i32
  }
  func.func @transform_7(%arg0: i32) -> (i32, i32) {
    %c0_i32 = arith.constant 0 : i32
    %c0_i32_0 = arith.constant 0 : i32
    %c0_i32_1 = arith.constant 0 : i32
    return %c0_i32, %c0_i32_0 : i32, i32
  }
  func.func @transform_8(%arg0: i32) -> (i32, i32) {
    %c0_i32 = arith.constant 0 : i32
    %c0_i32_0 = arith.constant 0 : i32
    %c0_i32_1 = arith.constant 0 : i32
    return %c0_i32, %c0_i32_0 : i32, i32
  }
  func.func @transform_9(%arg0: i32) -> (i32, i32) {
    %c0_i32 = arith.constant 0 : i32
    %c0_i32_0 = arith.constant 0 : i32
    %c0_i32_1 = arith.constant 0 : i32
    return %c0_i32, %c0_i32_0 : i32, i32
  }
  func.func @transform_10(%arg0: i32) -> (i32, i32) {
    %c0_i32 = arith.constant 0 : i32
    %c0_i32_0 = arith.constant 0 : i32
    %c0_i32_1 = arith.constant 0 : i32
    return %c0_i32, %c0_i32_0 : i32, i32
  }
  func.func @transform_11(%arg0: i32) -> (i32, i32) {
    %c0_i32 = arith.constant 0 : i32
    %c0_i32_0 = arith.constant 0 : i32
    %c0_i32_1 = arith.constant 0 : i32
    return %c0_i32, %c0_i32_0 : i32, i32
  }
  func.func @transform_12(%arg0: i32) -> (i32, i32) {
    %c0_i32 = arith.constant 0 : i32
    %c0_i32_0 = arith.constant 0 : i32
    %c0_i32_1 = arith.constant 0 : i32
    return %c0_i32, %c0_i32_0 : i32, i32
  }
  func.func @transform_13(%arg0: i32) -> (i32, i32) {
    %c0_i32 = arith.constant 0 : i32
    %c0_i32_0 = arith.constant 0 : i32
    %c0_i32_1 = arith.constant 0 : i32
    return %c0_i32, %c0_i32_0 : i32, i32
  }
  func.func @transform_14(%arg0: i32) -> (i32, i32) {
    %c0_i32 = arith.constant 0 : i32
    %c0_i32_0 = arith.constant 0 : i32
    %c0_i32_1 = arith.constant 0 : i32
    return %c0_i32, %c0_i32_0 : i32, i32
  }
  func.func @transform_15(%arg0: i32) -> (i32, i32) {
    %c0_i32 = arith.constant 0 : i32
    %c0_i32_0 = arith.constant 0 : i32
    %c0_i32_1 = arith.constant 0 : i32
    return %c0_i32, %c0_i32_0 : i32, i32
  }
  func.func @transform_16(%arg0: i32) -> (i32, i32) {
    %c0_i32 = arith.constant 0 : i32
    %c0_i32_0 = arith.constant 0 : i32
    %c0_i32_1 = arith.constant 0 : i32
    return %c0_i32, %c0_i32_0 : i32, i32
  }
  func.func @transform_17(%arg0: i32) -> (i32, i32) {
    %c0_i32 = arith.constant 0 : i32
    %c0_i32_0 = arith.constant 0 : i32
    %c0_i32_1 = arith.constant 0 : i32
    return %c0_i32, %c0_i32_0 : i32, i32
  }
  func.func @transform_18(%arg0: i32) -> (i32, i32) {
    %c0_i32 = arith.constant 0 : i32
    %c0_i32_0 = arith.constant 0 : i32
    return %arg0, %c0_i32 : i32, i32
  }
  func.func @transform_19(%arg0: i32) -> (i32, i32) {
    %c0_i32 = arith.constant 0 : i32
    %c0_i32_0 = arith.constant 0 : i32
    return %arg0, %c0_i32 : i32, i32
  }
  func.func @transform_20(%arg0: i32) -> (i32, i32) {
    %c0_i32 = arith.constant 0 : i32
    %c0_i32_0 = arith.constant 0 : i32
    return %arg0, %c0_i32 : i32, i32
  }
  func.func @transform_21(%arg0: i32) -> (i32, i32) {
    %c0_i32 = arith.constant 0 : i32
    %c0_i32_0 = arith.constant 0 : i32
    %c0_i32_1 = arith.constant 0 : i32
    return %c0_i32, %c0_i32_0 : i32, i32
  }
}

module attributes {stable_mosaic.version = 14 : i64} {
  func.func @_hop_kernel(%arg0: i32, %arg1: memref<256x128xf32, #tpu.memory_space<vmem>>, %arg2: memref<256x1xi32, #tpu.memory_space<vmem>>, %arg3: memref<256x1xi32, #tpu.memory_space<vmem>>, %arg4: memref<131072x65xf32, #tpu.memory_space<any>>, %arg5: memref<131072x1xf32, #tpu.memory_space<any>>, %arg6: memref<256x65xf32, #tpu.memory_space<vmem>>, %arg7: memref<256x1xf32, #tpu.memory_space<vmem>>, %arg8: memref<200x128xf32, #tpu.memory_space<vmem>>, %arg9: memref<128x128xf32, #tpu.memory_space<vmem>>, %arg10: memref<136x32xf32, #tpu.memory_space<vmem>>, %arg11: memref<32x65xf32, #tpu.memory_space<vmem>>, %arg12: memref<64x4xf32, #tpu.memory_space<vmem>>, %arg13: memref<8x64xf32, #tpu.memory_space<vmem>>, %arg14: memref<64x4xf32, #tpu.memory_space<vmem>>, %arg15: memref<1x128xf32, #tpu.memory_space<vmem>>, %arg16: memref<1x128xf32, #tpu.memory_space<vmem>>, %arg17: memref<1x32xf32, #tpu.memory_space<vmem>>, %arg18: memref<1x65xf32, #tpu.memory_space<vmem>>, %arg19: memref<256x128xf32, #tpu.memory_space<vmem>>, %arg20: memref<256x1xi32, #tpu.memory_space<vmem>>, %arg21: memref<256x1xi32, #tpu.memory_space<vmem>>, %arg22: memref<8x128xf32, #tpu.memory_space<vmem>>, %arg23: memref<272x65xf32, #tpu.memory_space<vmem>>, %arg24: memref<272x1xf32, #tpu.memory_space<vmem>>, %arg25: memref<8x65xf32, #tpu.memory_space<vmem>>, %arg26: memref<4xi32, #tpu.memory_space<smem>>, %arg27: memref<!tpu.dma_semaphore, #tpu.memory_space<semaphore_mem>>, %arg28: memref<!tpu.dma_semaphore, #tpu.memory_space<semaphore_mem>>) attributes {dimension_semantics = [#tpu.dimension_semantics<arbitrary>], iteration_bounds = array<i64: 512>, scalar_prefetch = 0 : i64, scratch_operands = 6 : i64, tpu.core_type = #tpu.core_type<tc>, window_params = [{transform_indices = @transform_0, window_bounds = array<i64: 256, 128>}, {transform_indices = @transform_1, window_bounds = array<i64: 256, 1>}, {transform_indices = @transform_2, window_bounds = array<i64: 256, 1>}, {}, {}, {transform_indices = @transform_5, window_bounds = array<i64: 256, 65>}, {transform_indices = @transform_6, window_bounds = array<i64: 256, 1>}, {pipeline_mode = #tpu.pipeline_mode<synchronous>, transform_indices = @transform_7, window_bounds = array<i64: 200, 128>}, {pipeline_mode = #tpu.pipeline_mode<synchronous>, transform_indices = @transform_8, window_bounds = array<i64: 128, 128>}, {pipeline_mode = #tpu.pipeline_mode<synchronous>, transform_indices = @transform_9, window_bounds = array<i64: 136, 32>}, {pipeline_mode = #tpu.pipeline_mode<synchronous>, transform_indices = @transform_10, window_bounds = array<i64: 32, 65>}, {pipeline_mode = #tpu.pipeline_mode<synchronous>, transform_indices = @transform_11, window_bounds = array<i64: 64, 4>}, {pipeline_mode = #tpu.pipeline_mode<synchronous>, transform_indices = @transform_12, window_bounds = array<i64: 8, 64>}, {pipeline_mode = #tpu.pipeline_mode<synchronous>, transform_indices = @transform_13, window_bounds = array<i64: 64, 4>}, {pipeline_mode = #tpu.pipeline_mode<synchronous>, transform_indices = @transform_14, window_bounds = array<i64: 1, 128>}, {pipeline_mode = #tpu.pipeline_mode<synchronous>, transform_indices = @transform_15, window_bounds = array<i64: 1, 128>}, {pipeline_mode = #tpu.pipeline_mode<synchronous>, transform_indices = @transform_16, window_bounds = array<i64: 1, 32>}, {pipeline_mode = #tpu.pipeline_mode<synchronous>, transform_indices = @transform_17, window_bounds = array<i64: 1, 65>}, {transform_indices = @transform_18, window_bounds = array<i64: 256, 128>}, {transform_indices = @transform_19, window_bounds = array<i64: 256, 1>}, {transform_indices = @transform_20, window_bounds = array<i64: 256, 1>}, {pipeline_mode = #tpu.pipeline_mode<synchronous>, transform_indices = @transform_21, window_bounds = array<i64: 8, 128>}]} {
    %get3A = arith.constant 0 : index
    %get3A_0 = arith.constant 0 : index
    %get3A_1 = vector.load %arg1[%get3A, %get3A_0] : memref<256x128xf32, #tpu.memory_space<vmem>>, vector<256x128xf32>
    %get3A_2 = arith.constant 0 : index
    %get3A_3 = arith.constant 0 : index
    %get3A_4 = vector.load %arg2[%get3A_2, %get3A_3] : memref<256x1xi32, #tpu.memory_space<vmem>>, vector<256x1xi32>
    %get3A_5 = arith.constant 0 : index
    %get3A_6 = arith.constant 0 : index
    %get3A_7 = vector.load %arg3[%get3A_5, %get3A_6] : memref<256x1xi32, #tpu.memory_space<vmem>>, vector<256x1xi32>
    %eq3A = arith.constant 0 : i32
    %eq3A_8 = arith.cmpi eq, %arg0, %eq3A : i32
    %convert_element_type3A = arith.extui %eq3A_8 : i1 to i32
    %cond3A = arith.constant 0 : i32
    %cond3A_9 = arith.cmpi ne, %convert_element_type3A, %cond3A : i32
    scf.if %cond3A_9 {
      %swap3A_244 = arith.constant 0 : i32
      %swap3A_245 = arith.constant 0 : index
      %swap3A_246 = memref.load %arg26[%swap3A_245] : memref<4xi32, #tpu.memory_space<smem>>
      memref.store %swap3A_244, %arg26[%swap3A_245] : memref<4xi32, #tpu.memory_space<smem>>
      %slice3A = vector.extract_strided_slice %get3A_1 {offsets = [0, 0], sizes = [1, 128], strides = [1, 1]} : vector<256x128xf32> to vector<1x128xf32>
      %slice3A_247 = vector.extract_strided_slice %get3A_4 {offsets = [0, 0], sizes = [1, 1], strides = [1, 1]} : vector<256x1xi32> to vector<1x1xi32>
      %iota3A_248 = tpu.iota {dimensions = array<i32: 1>} : vector<1x64xi32>
      %eq3A_249 = vector.broadcast %slice3A_247 : vector<1x1xi32> to vector<1x64xi32>
      %eq3A_250 = arith.cmpi eq, %iota3A_248, %eq3A_249 : vector<1x64xi32>
      %convert_element_type3A_251 = arith.extui %eq3A_250 : vector<1x64xi1> to vector<1x64xi32>
      %convert_element_type3A_252 = arith.sitofp %convert_element_type3A_251 : vector<1x64xi32> to vector<1x64xf32>
      %get3A_253 = arith.constant 0 : index
      %get3A_254 = arith.constant 0 : index
      %get3A_255 = vector.load %arg12[%get3A_253, %get3A_254] : memref<64x4xf32, #tpu.memory_space<vmem>>, vector<64x4xf32>
      %dot_general3A_256 = arith.constant dense<0.000000e+00> : vector<1x4xf32>
      %dot_general3A_257 = tpu.matmul %convert_element_type3A_252, %get3A_255, %dot_general3A_256 {dimension_numbers = #tpu.dot_dimension_numbers<[1], [0], [0], [1], [0, 0, 1, 1], [], []>, precision = #tpu.contract_precision<fp32>, transpose_lhs_hint = false} : vector<1x64xf32>, vector<64x4xf32>, vector<1x4xf32> -> vector<1x4xf32>
      %get3A_258 = arith.constant 0 : index
      %get3A_259 = arith.constant 0 : index
      %get3A_260 = vector.load %arg14[%get3A_258, %get3A_259] : memref<64x4xf32, #tpu.memory_space<vmem>>, vector<64x4xf32>
      %dot_general3A_261 = arith.constant dense<0.000000e+00> : vector<1x4xf32>
      %dot_general3A_262 = tpu.matmul %convert_element_type3A_252, %get3A_260, %dot_general3A_261 {dimension_numbers = #tpu.dot_dimension_numbers<[1], [0], [0], [1], [0, 0, 1, 1], [], []>, precision = #tpu.contract_precision<fp32>, transpose_lhs_hint = false} : vector<1x64xf32>, vector<64x4xf32>, vector<1x4xf32> -> vector<1x4xf32>
      %broadcast_in_dim3A_263 = arith.constant 1.000000e+00 : f32
      %broadcast_in_dim3A_264 = vector.broadcast %broadcast_in_dim3A_263 : f32 to vector<8x1xf32>
      %dot_general3A_265 = arith.constant dense<0.000000e+00> : vector<8x128xf32>
      %dot_general3A_266 = tpu.matmul %broadcast_in_dim3A_264, %slice3A, %dot_general3A_265 {dimension_numbers = #tpu.dot_dimension_numbers<[1], [0], [0], [1], [0, 0, 1, 1], [], []>, precision = #tpu.contract_precision<fp32>, transpose_lhs_hint = false} : vector<8x1xf32>, vector<1x128xf32>, vector<8x128xf32> -> vector<8x128xf32>
      %dot_general3A_267 = arith.constant dense<0.000000e+00> : vector<8x4xf32>
      %dot_general3A_268 = tpu.matmul %broadcast_in_dim3A_264, %dot_general3A_257, %dot_general3A_267 {dimension_numbers = #tpu.dot_dimension_numbers<[1], [0], [0], [1], [0, 0, 1, 1], [], []>, precision = #tpu.contract_precision<fp32>, transpose_lhs_hint = false} : vector<8x1xf32>, vector<1x4xf32>, vector<8x4xf32> -> vector<8x4xf32>
      %dot_general3A_269 = arith.constant dense<0.000000e+00> : vector<8x4xf32>
      %dot_general3A_270 = tpu.matmul %broadcast_in_dim3A_264, %dot_general3A_262, %dot_general3A_269 {dimension_numbers = #tpu.dot_dimension_numbers<[1], [0], [0], [1], [0, 0, 1, 1], [], []>, precision = #tpu.contract_precision<fp32>, transpose_lhs_hint = false} : vector<8x1xf32>, vector<1x4xf32>, vector<8x4xf32> -> vector<8x4xf32>
      %broadcast_in_dim3A_271 = arith.constant 0.000000e+00 : f32
      %broadcast_in_dim3A_272 = vector.broadcast %broadcast_in_dim3A_271 : f32 to vector<8x4xf32>
      %get3A_273 = arith.constant 0 : index
      %get3A_274 = arith.constant 0 : index
      %get3A_275 = vector.load %arg13[%get3A_273, %get3A_274] : memref<8x64xf32, #tpu.memory_space<vmem>>, vector<8x64xf32>
      %concatenate3A_276 = tpu.concatenate %dot_general3A_266, %dot_general3A_268, %get3A_275, %broadcast_in_dim3A_272 in 1 : vector<8x128xf32>, vector<8x4xf32>, vector<8x64xf32>, vector<8x4xf32> -> vector<8x200xf32>
      %get3A_277 = arith.constant 0 : index
      %get3A_278 = arith.constant 0 : index
      %get3A_279 = vector.load %arg8[%get3A_277, %get3A_278] : memref<200x128xf32, #tpu.memory_space<vmem>>, vector<200x128xf32>
      %convert_element_type3A_280 = arith.truncf %concatenate3A_276 : vector<8x200xf32> to vector<8x200xbf16>
      %convert_element_type3A_281 = arith.truncf %get3A_279 : vector<200x128xf32> to vector<200x128xbf16>
      %dot_general3A_282 = arith.constant dense<0.000000e+00> : vector<8x128xf32>
      %dot_general3A_283 = tpu.matmul %convert_element_type3A_280, %convert_element_type3A_281, %dot_general3A_282 {dimension_numbers = #tpu.dot_dimension_numbers<[1], [0], [0], [1], [0, 0, 1, 1], [], []>, transpose_lhs_hint = false} : vector<8x200xbf16>, vector<200x128xbf16>, vector<8x128xf32> -> vector<8x128xf32>
      %get3A_284 = arith.constant 0 : index
      %get3A_285 = arith.constant 0 : index
      %get3A_286 = vector.load %arg15[%get3A_284, %get3A_285] : memref<1x128xf32, #tpu.memory_space<vmem>>, vector<1x128xf32>
      %add3A_287 = vector.broadcast %get3A_286 : vector<1x128xf32> to vector<8x128xf32>
      %add3A_288 = arith.addf %dot_general3A_283, %add3A_287 : vector<8x128xf32>
      %max3A_289 = arith.constant 0.000000e+00 : f32
      %max3A_290 = vector.broadcast %max3A_289 : f32 to vector<8x128xf32>
      %max3A_291 = arith.maximumf %add3A_288, %max3A_290 : vector<8x128xf32>
      %get3A_292 = arith.constant 0 : index
      %get3A_293 = arith.constant 0 : index
      %get3A_294 = vector.load %arg9[%get3A_292, %get3A_293] : memref<128x128xf32, #tpu.memory_space<vmem>>, vector<128x128xf32>
      %convert_element_type3A_295 = arith.truncf %max3A_291 : vector<8x128xf32> to vector<8x128xbf16>
      %convert_element_type3A_296 = arith.truncf %get3A_294 : vector<128x128xf32> to vector<128x128xbf16>
      %dot_general3A_297 = arith.constant dense<0.000000e+00> : vector<8x128xf32>
      %dot_general3A_298 = tpu.matmul %convert_element_type3A_295, %convert_element_type3A_296, %dot_general3A_297 {dimension_numbers = #tpu.dot_dimension_numbers<[1], [0], [0], [1], [0, 0, 1, 1], [], []>, transpose_lhs_hint = false} : vector<8x128xbf16>, vector<128x128xbf16>, vector<8x128xf32> -> vector<8x128xf32>
      %get3A_299 = arith.constant 0 : index
      %get3A_300 = arith.constant 0 : index
      %get3A_301 = vector.load %arg16[%get3A_299, %get3A_300] : memref<1x128xf32, #tpu.memory_space<vmem>>, vector<1x128xf32>
      %add3A_302 = vector.broadcast %get3A_301 : vector<1x128xf32> to vector<8x128xf32>
      %add3A_303 = arith.addf %dot_general3A_298, %add3A_302 : vector<8x128xf32>
      %max3A_304 = arith.constant 0.000000e+00 : f32
      %max3A_305 = vector.broadcast %max3A_304 : f32 to vector<8x128xf32>
      %max3A_306 = arith.maximumf %add3A_303, %max3A_305 : vector<8x128xf32>
      %concatenate3A_307 = tpu.concatenate %max3A_306, %dot_general3A_270, %broadcast_in_dim3A_272 in 1 : vector<8x128xf32>, vector<8x4xf32>, vector<8x4xf32> -> vector<8x136xf32>
      %get3A_308 = arith.constant 0 : index
      %get3A_309 = arith.constant 0 : index
      %get3A_310 = vector.load %arg10[%get3A_308, %get3A_309] : memref<136x32xf32, #tpu.memory_space<vmem>>, vector<136x32xf32>
      %convert_element_type3A_311 = arith.truncf %concatenate3A_307 : vector<8x136xf32> to vector<8x136xbf16>
      %convert_element_type3A_312 = arith.truncf %get3A_310 : vector<136x32xf32> to vector<136x32xbf16>
      %dot_general3A_313 = arith.constant dense<0.000000e+00> : vector<8x32xf32>
      %dot_general3A_314 = tpu.matmul %convert_element_type3A_311, %convert_element_type3A_312, %dot_general3A_313 {dimension_numbers = #tpu.dot_dimension_numbers<[1], [0], [0], [1], [0, 0, 1, 1], [], []>, transpose_lhs_hint = false} : vector<8x136xbf16>, vector<136x32xbf16>, vector<8x32xf32> -> vector<8x32xf32>
      %get3A_315 = arith.constant 0 : index
      %get3A_316 = arith.constant 0 : index
      %get3A_317 = vector.load %arg17[%get3A_315, %get3A_316] : memref<1x32xf32, #tpu.memory_space<vmem>>, vector<1x32xf32>
      %add3A_318 = vector.broadcast %get3A_317 : vector<1x32xf32> to vector<8x32xf32>
      %add3A_319 = arith.addf %dot_general3A_314, %add3A_318 : vector<8x32xf32>
      %max3A_320 = arith.constant 0.000000e+00 : f32
      %max3A_321 = vector.broadcast %max3A_320 : f32 to vector<8x32xf32>
      %max3A_322 = arith.maximumf %add3A_319, %max3A_321 : vector<8x32xf32>
      %get3A_323 = arith.constant 0 : index
      %get3A_324 = arith.constant 0 : index
      %get3A_325 = vector.load %arg11[%get3A_323, %get3A_324] : memref<32x65xf32, #tpu.memory_space<vmem>>, vector<32x65xf32>
      %convert_element_type3A_326 = arith.truncf %max3A_322 : vector<8x32xf32> to vector<8x32xbf16>
      %convert_element_type3A_327 = arith.truncf %get3A_325 : vector<32x65xf32> to vector<32x65xbf16>
      %dot_general3A_328 = arith.constant dense<0.000000e+00> : vector<8x65xf32>
      %dot_general3A_329 = tpu.matmul %convert_element_type3A_326, %convert_element_type3A_327, %dot_general3A_328 {dimension_numbers = #tpu.dot_dimension_numbers<[1], [0], [0], [1], [0, 0, 1, 1], [], []>, transpose_lhs_hint = false} : vector<8x32xbf16>, vector<32x65xbf16>, vector<8x65xf32> -> vector<8x65xf32>
      %get3A_330 = arith.constant 0 : index
      %get3A_331 = arith.constant 0 : index
      %get3A_332 = vector.load %arg18[%get3A_330, %get3A_331] : memref<1x65xf32, #tpu.memory_space<vmem>>, vector<1x65xf32>
      %add3A_333 = vector.broadcast %get3A_332 : vector<1x65xf32> to vector<8x65xf32>
      %add3A_334 = arith.addf %dot_general3A_329, %add3A_333 : vector<8x65xf32>
      %swap3A_335 = arith.constant 0 : index
      %swap3A_336 = arith.constant 0 : index
      %swap3A_337 = vector.load %arg22[%swap3A_335, %swap3A_336] : memref<8x128xf32, #tpu.memory_space<vmem>>, vector<8x128xf32>
      tpu.vector_store %arg22[%swap3A_335, %swap3A_336], %max3A_306 {strides = array<i32>} : memref<8x128xf32, #tpu.memory_space<vmem>>, vector<8x128xf32>,
      %swap3A_338 = arith.constant 0 : index
      %swap3A_339 = arith.constant 0 : index
      %swap3A_340 = vector.load %arg25[%swap3A_338, %swap3A_339] : memref<8x65xf32, #tpu.memory_space<vmem>>, vector<8x65xf32>
      tpu.vector_store %arg25[%swap3A_338, %swap3A_339], %add3A_334 {strides = array<i32>} : memref<8x65xf32, #tpu.memory_space<vmem>>, vector<8x65xf32>,
    } else {
    }
    %eq3A_10 = arith.constant 0 : i32
    %eq3A_11 = vector.broadcast %eq3A_10 : i32 to vector<256x1xi32>
    %eq3A_12 = arith.cmpi eq, %get3A_7, %eq3A_11 : vector<256x1xi32>
    %convert_element_type3A_13 = arith.extui %eq3A_12 : vector<256x1xi1> to vector<256x1xi32>
    %convert_element_type3A_14 = arith.sitofp %convert_element_type3A_13 : vector<256x1xi32> to vector<256x1xf32>
    %reduce_sum3A = vector.shape_cast %convert_element_type3A_14 : vector<256x1xf32> to vector<1x256x1xf32>
    %reduce_sum3A_15 = arith.constant dense<0.000000e+00> : vector<1xf32>
    %reduce_sum3A_16 = vector.multi_reduction <add>, %reduce_sum3A, %reduce_sum3A_15 [1, 2] : vector<1x256x1xf32> to vector<1xf32>
    %reduce_sum3A_17 = vector.shape_cast %reduce_sum3A_16 : vector<1xf32> to vector<1x1x1xf32>
    %reduce_sum3A_18 = vector.extract %reduce_sum3A_17[0, 0, 0] : f32 from vector<1x1x1xf32>
    %convert_element_type3A_19 = arith.fptosi %reduce_sum3A_18 : f32 to i32
    %get3A_20 = arith.constant 0 : index
    %get3A_21 = memref.load %arg26[%get3A_20] : memref<4xi32, #tpu.memory_space<smem>>
    %jit3A = arith.constant 8 : i32
    %div3A = arith.divsi %get3A_21, %jit3A : i32
    %sign3A = arith.constant 0 : i32
    %sign3A_22 = arith.cmpi sgt, %get3A_21, %sign3A : i32
    %sign3A_23 = arith.extui %sign3A_22 : i1 to i32
    %sign3A_24 = arith.constant 0 : i32
    %sign3A_25 = arith.cmpi slt, %get3A_21, %sign3A_24 : i32
    %sign3A_26 = arith.extui %sign3A_25 : i1 to i32
    %sign3A_27 = arith.subi %sign3A_23, %sign3A_26 : i32
    %sign3A_28 = arith.constant 0 : i32
    %sign3A_29 = arith.cmpi sgt, %jit3A, %sign3A_28 : i32
    %sign3A_30 = arith.extui %sign3A_29 : i1 to i32
    %sign3A_31 = arith.constant 0 : i32
    %sign3A_32 = arith.cmpi slt, %jit3A, %sign3A_31 : i32
    %sign3A_33 = arith.extui %sign3A_32 : i1 to i32
    %sign3A_34 = arith.subi %sign3A_30, %sign3A_33 : i32
    %ne3A = arith.cmpi ne, %sign3A_27, %sign3A_34 : i32
    %rem3A = arith.remsi %get3A_21, %jit3A : i32
    %ne3A_35 = arith.constant 0 : i32
    %ne3A_36 = arith.cmpi ne, %rem3A, %ne3A_35 : i32
    %and3A = arith.andi %ne3A, %ne3A_36 : i1
    %sub3A = arith.constant 1 : i32
    %sub3A_37 = arith.subi %div3A, %sub3A : i32
    %select_n3A = arith.select %and3A, %sub3A_37, %div3A : i32
    %mul3A = arith.constant 8 : i32
    %mul3A_38 = arith.muli %select_n3A, %mul3A : i32
    %min3A = arith.constant 130800 : i32
    %min3A_39 = arith.minsi %mul3A_38, %min3A : i32
    %sub3A_40 = arith.subi %get3A_21, %min3A_39 : i32
    %dma_start3A = arith.constant 0 : i32
    %dma_start3A_41 = tpu.memref_slice %arg4[%min3A_39, %dma_start3A] : memref<131072x65xf32, #tpu.memory_space<any>> -> memref<272x65xf32, #tpu.memory_space<any>>
    tpu.enqueue_dma source(%dma_start3A_41 : memref<272x65xf32, #tpu.memory_space<any>>) target(%arg23 : memref<272x65xf32, #tpu.memory_space<vmem>>) target_semaphore(%arg27 : memref<!tpu.dma_semaphore, #tpu.memory_space<semaphore_mem>>)
    %dma_start3A_42 = arith.constant 0 : i32
    %dma_start3A_43 = tpu.memref_slice %arg5[%min3A_39, %dma_start3A_42] : memref<131072x1xf32, #tpu.memory_space<any>> -> memref<272x1xf32, #tpu.memory_space<any>>
    tpu.enqueue_dma source(%dma_start3A_43 : memref<272x1xf32, #tpu.memory_space<any>>) target(%arg24 : memref<272x1xf32, #tpu.memory_space<vmem>>) target_semaphore(%arg28 : memref<!tpu.dma_semaphore, #tpu.memory_space<semaphore_mem>>)
    %iota3A = tpu.iota {dimensions = array<i32: 0>} : vector<256x256xi32>
    %iota3A_44 = tpu.iota {dimensions = array<i32: 1>} : vector<256x256xi32>
    %lt3A = arith.cmpi slt, %iota3A_44, %iota3A : vector<256x256xi32>
    %convert_element_type3A_45 = arith.extui %lt3A : vector<256x256xi1> to vector<256x256xi32>
    %convert_element_type3A_46 = arith.sitofp %convert_element_type3A_45 : vector<256x256xi32> to vector<256x256xf32>
    %dot_general3A = arith.constant dense<0.000000e+00> : vector<256x1xf32>
    %dot_general3A_47 = tpu.matmul %convert_element_type3A_46, %convert_element_type3A_14, %dot_general3A {dimension_numbers = #tpu.dot_dimension_numbers<[1], [0], [0], [1], [0, 0, 1, 1], [], []>, precision = #tpu.contract_precision<fp32>, transpose_lhs_hint = false} : vector<256x256xf32>, vector<256x1xf32>, vector<256x1xf32> -> vector<256x1xf32>
    %iota3A_48 = tpu.iota {dimensions = array<i32: 1>} : vector<256x272xi32>
    %convert_element_type3A_49 = arith.sitofp %iota3A_48 : vector<256x272xi32> to vector<256x272xf32>
    %convert_element_type3A_50 = arith.sitofp %sub3A_40 : i32 to f32
    %mul3A_51 = arith.constant 1.000000e+00 : f32
    %mul3A_52 = arith.mulf %mul3A_51, %convert_element_type3A_50 : f32
    %add3A = vector.broadcast %mul3A_52 : f32 to vector<256x1xf32>
    %add3A_53 = arith.addf %dot_general3A_47, %add3A : vector<256x1xf32>
    %eq3A_54 = vector.broadcast %add3A_53 : vector<256x1xf32> to vector<256x272xf32>
    %eq3A_55 = arith.cmpf oeq, %convert_element_type3A_49, %eq3A_54 : vector<256x272xf32>
    %and3A_56 = vector.broadcast %eq3A_12 : vector<256x1xi1> to vector<256x272xi1>
    %and3A_57 = arith.andi %eq3A_55, %and3A_56 : vector<256x272xi1>
    %convert_element_type3A_58 = arith.extui %and3A_57 : vector<256x272xi1> to vector<256x272xi32>
    %convert_element_type3A_59 = arith.sitofp %convert_element_type3A_58 : vector<256x272xi32> to vector<256x272xf32>
    %dma_wait3A = arith.constant 0 : i32
    %dma_wait3A_60 = tpu.memref_slice %arg4[%min3A_39, %dma_wait3A] : memref<131072x65xf32, #tpu.memory_space<any>> -> memref<272x65xf32, #tpu.memory_space<any>>
    tpu.wait_dma2 semaphore(%arg27 : memref<!tpu.dma_semaphore, #tpu.memory_space<semaphore_mem>>) src(%dma_wait3A_60 : memref<272x65xf32, #tpu.memory_space<any>>) dst(%arg23 : memref<272x65xf32, #tpu.memory_space<vmem>>)
    %dma_wait3A_61 = arith.constant 0 : i32
    %dma_wait3A_62 = tpu.memref_slice %arg5[%min3A_39, %dma_wait3A_61] : memref<131072x1xf32, #tpu.memory_space<any>> -> memref<272x1xf32, #tpu.memory_space<any>>
    tpu.wait_dma2 semaphore(%arg28 : memref<!tpu.dma_semaphore, #tpu.memory_space<semaphore_mem>>) src(%dma_wait3A_62 : memref<272x1xf32, #tpu.memory_space<any>>) dst(%arg24 : memref<272x1xf32, #tpu.memory_space<vmem>>)
    %get3A_63 = arith.constant 0 : index
    %get3A_64 = arith.constant 0 : index
    %get3A_65 = vector.load %arg23[%get3A_63, %get3A_64] : memref<272x65xf32, #tpu.memory_space<vmem>>, vector<272x65xf32>
    %dot_general3A_66 = arith.constant dense<0.000000e+00> : vector<256x65xf32>
    %dot_general3A_67 = tpu.matmul %convert_element_type3A_59, %get3A_65, %dot_general3A_66 {dimension_numbers = #tpu.dot_dimension_numbers<[1], [0], [0], [1], [0, 0, 1, 1], [], []>, precision = #tpu.contract_precision<fp32>, transpose_lhs_hint = false} : vector<256x272xf32>, vector<272x65xf32>, vector<256x65xf32> -> vector<256x65xf32>
    %get3A_68 = arith.constant 0 : index
    %get3A_69 = arith.constant 0 : index
    %get3A_70 = vector.load %arg24[%get3A_68, %get3A_69] : memref<272x1xf32, #tpu.memory_space<vmem>>, vector<272x1xf32>
    %dot_general3A_71 = arith.constant dense<0.000000e+00> : vector<256x1xf32>
    %dot_general3A_72 = tpu.matmul %convert_element_type3A_59, %get3A_70, %dot_general3A_71 {dimension_numbers = #tpu.dot_dimension_numbers<[1], [0], [0], [1], [0, 0, 1, 1], [], []>, precision = #tpu.contract_precision<fp32>, transpose_lhs_hint = false} : vector<256x272xf32>, vector<272x1xf32>, vector<256x1xf32> -> vector<256x1xf32>
    %iota3A_73 = tpu.iota {dimensions = array<i32: 1>} : vector<256x64xi32>
    %eq3A_74 = vector.broadcast %get3A_4 : vector<256x1xi32> to vector<256x64xi32>
    %eq3A_75 = arith.cmpi eq, %iota3A_73, %eq3A_74 : vector<256x64xi32>
    %convert_element_type3A_76 = arith.extui %eq3A_75 : vector<256x64xi1> to vector<256x64xi32>
    %convert_element_type3A_77 = arith.sitofp %convert_element_type3A_76 : vector<256x64xi32> to vector<256x64xf32>
    %get3A_78 = arith.constant 0 : index
    %get3A_79 = arith.constant 0 : index
    %get3A_80 = vector.load %arg12[%get3A_78, %get3A_79] : memref<64x4xf32, #tpu.memory_space<vmem>>, vector<64x4xf32>
    %dot_general3A_81 = arith.constant dense<0.000000e+00> : vector<256x4xf32>
    %dot_general3A_82 = tpu.matmul %convert_element_type3A_77, %get3A_80, %dot_general3A_81 {dimension_numbers = #tpu.dot_dimension_numbers<[1], [0], [0], [1], [0, 0, 1, 1], [], []>, precision = #tpu.contract_precision<fp32>, transpose_lhs_hint = false} : vector<256x64xf32>, vector<64x4xf32>, vector<256x4xf32> -> vector<256x4xf32>
    %get3A_83 = arith.constant 0 : index
    %get3A_84 = arith.constant 0 : index
    %get3A_85 = vector.load %arg14[%get3A_83, %get3A_84] : memref<64x4xf32, #tpu.memory_space<vmem>>, vector<64x4xf32>
    %dot_general3A_86 = arith.constant dense<0.000000e+00> : vector<256x4xf32>
    %dot_general3A_87 = tpu.matmul %convert_element_type3A_77, %get3A_85, %dot_general3A_86 {dimension_numbers = #tpu.dot_dimension_numbers<[1], [0], [0], [1], [0, 0, 1, 1], [], []>, precision = #tpu.contract_precision<fp32>, transpose_lhs_hint = false} : vector<256x64xf32>, vector<64x4xf32>, vector<256x4xf32> -> vector<256x4xf32>
    %lt3A_88 = arith.constant 5.000000e-01 : f32
    %lt3A_89 = vector.broadcast %lt3A_88 : f32 to vector<256x1xf32>
    %lt3A_90 = arith.cmpf olt, %dot_general3A_72, %lt3A_89 : vector<256x1xf32>
    %get3A_91 = arith.constant 0 : index
    %get3A_92 = arith.constant 0 : index
    %get3A_93 = vector.load %arg13[%get3A_91, %get3A_92] : memref<8x64xf32, #tpu.memory_space<vmem>>, vector<1x64xf32>
    %lt3A_94 = arith.constant 1.500000e+00 : f32
    %lt3A_95 = vector.broadcast %lt3A_94 : f32 to vector<256x1xf32>
    %lt3A_96 = arith.cmpf olt, %dot_general3A_72, %lt3A_95 : vector<256x1xf32>
    %get3A_97 = arith.constant 1 : index
    %get3A_98 = arith.constant 0 : index
    %get3A_99 = vector.load %arg13[%get3A_97, %get3A_98] : memref<8x64xf32, #tpu.memory_space<vmem>>, vector<1x64xf32>
    %get3A_100 = arith.constant 2 : index
    %get3A_101 = arith.constant 0 : index
    %get3A_102 = vector.load %arg13[%get3A_100, %get3A_101] : memref<8x64xf32, #tpu.memory_space<vmem>>, vector<1x64xf32>
    %broadcast_in_dim3A = vector.shape_cast %lt3A_96 : vector<256x1xi1> to vector<256x1xi1>
    %broadcast_in_dim3A_103 = vector.broadcast %broadcast_in_dim3A : vector<256x1xi1> to vector<256x64xi1>
    %broadcast_in_dim3A_104 = vector.shape_cast %get3A_99 : vector<1x64xf32> to vector<1x64xf32>
    %broadcast_in_dim3A_105 = vector.broadcast %broadcast_in_dim3A_104 : vector<1x64xf32> to vector<256x64xf32>
    %broadcast_in_dim3A_106 = vector.shape_cast %get3A_102 : vector<1x64xf32> to vector<1x64xf32>
    %broadcast_in_dim3A_107 = vector.broadcast %broadcast_in_dim3A_106 : vector<1x64xf32> to vector<256x64xf32>
    %select_n3A_108 = arith.select %broadcast_in_dim3A_103, %broadcast_in_dim3A_105, %broadcast_in_dim3A_107 : vector<256x64xi1>, vector<256x64xf32>
    %broadcast_in_dim3A_109 = vector.shape_cast %lt3A_90 : vector<256x1xi1> to vector<256x1xi1>
    %broadcast_in_dim3A_110 = vector.broadcast %broadcast_in_dim3A_109 : vector<256x1xi1> to vector<256x64xi1>
    %broadcast_in_dim3A_111 = vector.shape_cast %get3A_93 : vector<1x64xf32> to vector<1x64xf32>
    %broadcast_in_dim3A_112 = vector.broadcast %broadcast_in_dim3A_111 : vector<1x64xf32> to vector<256x64xf32>
    %select_n3A_113 = arith.select %broadcast_in_dim3A_110, %broadcast_in_dim3A_112, %select_n3A_108 : vector<256x64xi1>, vector<256x64xf32>
    %broadcast_in_dim3A_114 = arith.constant 0.000000e+00 : f32
    %broadcast_in_dim3A_115 = vector.broadcast %broadcast_in_dim3A_114 : f32 to vector<256x4xf32>
    %concatenate3A = tpu.concatenate %get3A_1, %dot_general3A_82, %select_n3A_113, %broadcast_in_dim3A_115 in 1 : vector<256x128xf32>, vector<256x4xf32>, vector<256x64xf32>, vector<256x4xf32> -> vector<256x200xf32>
    %get3A_116 = arith.constant 0 : index
    %get3A_117 = arith.constant 0 : index
    %get3A_118 = vector.load %arg8[%get3A_116, %get3A_117] : memref<200x128xf32, #tpu.memory_space<vmem>>, vector<200x128xf32>
    %convert_element_type3A_119 = arith.truncf %concatenate3A : vector<256x200xf32> to vector<256x200xbf16>
    %convert_element_type3A_120 = arith.truncf %get3A_118 : vector<200x128xf32> to vector<200x128xbf16>
    %dot_general3A_121 = arith.constant dense<0.000000e+00> : vector<256x128xf32>
    %dot_general3A_122 = tpu.matmul %convert_element_type3A_119, %convert_element_type3A_120, %dot_general3A_121 {dimension_numbers = #tpu.dot_dimension_numbers<[1], [0], [0], [1], [0, 0, 1, 1], [], []>, transpose_lhs_hint = false} : vector<256x200xbf16>, vector<200x128xbf16>, vector<256x128xf32> -> vector<256x128xf32>
    %get3A_123 = arith.constant 0 : index
    %get3A_124 = arith.constant 0 : index
    %get3A_125 = vector.load %arg15[%get3A_123, %get3A_124] : memref<1x128xf32, #tpu.memory_space<vmem>>, vector<1x128xf32>
    %add3A_126 = vector.broadcast %get3A_125 : vector<1x128xf32> to vector<256x128xf32>
    %add3A_127 = arith.addf %dot_general3A_122, %add3A_126 : vector<256x128xf32>
    %max3A = arith.constant 0.000000e+00 : f32
    %max3A_128 = vector.broadcast %max3A : f32 to vector<256x128xf32>
    %max3A_129 = arith.maximumf %add3A_127, %max3A_128 : vector<256x128xf32>
    %get3A_130 = arith.constant 0 : index
    %get3A_131 = arith.constant 0 : index
    %get3A_132 = vector.load %arg9[%get3A_130, %get3A_131] : memref<128x128xf32, #tpu.memory_space<vmem>>, vector<128x128xf32>
    %convert_element_type3A_133 = arith.truncf %max3A_129 : vector<256x128xf32> to vector<256x128xbf16>
    %convert_element_type3A_134 = arith.truncf %get3A_132 : vector<128x128xf32> to vector<128x128xbf16>
    %dot_general3A_135 = arith.constant dense<0.000000e+00> : vector<256x128xf32>
    %dot_general3A_136 = tpu.matmul %convert_element_type3A_133, %convert_element_type3A_134, %dot_general3A_135 {dimension_numbers = #tpu.dot_dimension_numbers<[1], [0], [0], [1], [0, 0, 1, 1], [], []>, transpose_lhs_hint = false} : vector<256x128xbf16>, vector<128x128xbf16>, vector<256x128xf32> -> vector<256x128xf32>
    %get3A_137 = arith.constant 0 : index
    %get3A_138 = arith.constant 0 : index
    %get3A_139 = vector.load %arg16[%get3A_137, %get3A_138] : memref<1x128xf32, #tpu.memory_space<vmem>>, vector<1x128xf32>
    %add3A_140 = vector.broadcast %get3A_139 : vector<1x128xf32> to vector<256x128xf32>
    %add3A_141 = arith.addf %dot_general3A_136, %add3A_140 : vector<256x128xf32>
    %max3A_142 = arith.constant 0.000000e+00 : f32
    %max3A_143 = vector.broadcast %max3A_142 : f32 to vector<256x128xf32>
    %max3A_144 = arith.maximumf %add3A_141, %max3A_143 : vector<256x128xf32>
    %concatenate3A_145 = tpu.concatenate %max3A_144, %dot_general3A_87, %broadcast_in_dim3A_115 in 1 : vector<256x128xf32>, vector<256x4xf32>, vector<256x4xf32> -> vector<256x136xf32>
    %get3A_146 = arith.constant 0 : index
    %get3A_147 = arith.constant 0 : index
    %get3A_148 = vector.load %arg10[%get3A_146, %get3A_147] : memref<136x32xf32, #tpu.memory_space<vmem>>, vector<136x32xf32>
    %convert_element_type3A_149 = arith.truncf %concatenate3A_145 : vector<256x136xf32> to vector<256x136xbf16>
    %convert_element_type3A_150 = arith.truncf %get3A_148 : vector<136x32xf32> to vector<136x32xbf16>
    %dot_general3A_151 = arith.constant dense<0.000000e+00> : vector<256x32xf32>
    %dot_general3A_152 = tpu.matmul %convert_element_type3A_149, %convert_element_type3A_150, %dot_general3A_151 {dimension_numbers = #tpu.dot_dimension_numbers<[1], [0], [0], [1], [0, 0, 1, 1], [], []>, transpose_lhs_hint = false} : vector<256x136xbf16>, vector<136x32xbf16>, vector<256x32xf32> -> vector<256x32xf32>
    %get3A_153 = arith.constant 0 : index
    %get3A_154 = arith.constant 0 : index
    %get3A_155 = vector.load %arg17[%get3A_153, %get3A_154] : memref<1x32xf32, #tpu.memory_space<vmem>>, vector<1x32xf32>
    %add3A_156 = vector.broadcast %get3A_155 : vector<1x32xf32> to vector<256x32xf32>
    %add3A_157 = arith.addf %dot_general3A_152, %add3A_156 : vector<256x32xf32>
    %max3A_158 = arith.constant 0.000000e+00 : f32
    %max3A_159 = vector.broadcast %max3A_158 : f32 to vector<256x32xf32>
    %max3A_160 = arith.maximumf %add3A_157, %max3A_159 : vector<256x32xf32>
    %get3A_161 = arith.constant 0 : index
    %get3A_162 = arith.constant 0 : index
    %get3A_163 = vector.load %arg11[%get3A_161, %get3A_162] : memref<32x65xf32, #tpu.memory_space<vmem>>, vector<32x65xf32>
    %convert_element_type3A_164 = arith.truncf %max3A_160 : vector<256x32xf32> to vector<256x32xbf16>
    %convert_element_type3A_165 = arith.truncf %get3A_163 : vector<32x65xf32> to vector<32x65xbf16>
    %dot_general3A_166 = arith.constant dense<0.000000e+00> : vector<256x65xf32>
    %dot_general3A_167 = tpu.matmul %convert_element_type3A_164, %convert_element_type3A_165, %dot_general3A_166 {dimension_numbers = #tpu.dot_dimension_numbers<[1], [0], [0], [1], [0, 0, 1, 1], [], []>, transpose_lhs_hint = false} : vector<256x32xbf16>, vector<32x65xbf16>, vector<256x65xf32> -> vector<256x65xf32>
    %get3A_168 = arith.constant 0 : index
    %get3A_169 = arith.constant 0 : index
    %get3A_170 = vector.load %arg18[%get3A_168, %get3A_169] : memref<1x65xf32, #tpu.memory_space<vmem>>, vector<1x65xf32>
    %add3A_171 = vector.broadcast %get3A_170 : vector<1x65xf32> to vector<256x65xf32>
    %add3A_172 = arith.addf %dot_general3A_167, %add3A_171 : vector<256x65xf32>
    %add3A_173 = arith.addf %add3A_172, %dot_general3A_67 : vector<256x65xf32>
    %reduce_max3A = arith.constant dense<0xFF800000> : vector<256xf32>
    %reduce_max3A_174 = vector.multi_reduction <maximumf>, %add3A_173, %reduce_max3A [1] : vector<256x65xf32> to vector<256xf32>
    %broadcast_in_dim3A_175 = vector.shape_cast %reduce_max3A_174 : vector<256xf32> to vector<256x1xf32>
    %iota3A_176 = tpu.iota {dimensions = array<i32: 1>} : vector<256x65xi32>
    %eq3A_177 = vector.broadcast %broadcast_in_dim3A_175 : vector<256x1xf32> to vector<256x65xf32>
    %eq3A_178 = arith.cmpf oeq, %add3A_173, %eq3A_177 : vector<256x65xf32>
    %jit3A_179 = arith.constant 65 : i32
    %broadcast_in_dim3A_180 = vector.broadcast %jit3A_179 : i32 to vector<256x65xi32>
    %select_n3A_181 = arith.select %eq3A_178, %iota3A_176, %broadcast_in_dim3A_180 : vector<256x65xi1>, vector<256x65xi32>
    %reduce_min3A = arith.constant dense<2147483647> : vector<256xi32>
    %reduce_min3A_182 = vector.multi_reduction <minsi>, %select_n3A_181, %reduce_min3A [1] : vector<256x65xi32> to vector<256xi32>
    %broadcast_in_dim3A_183 = vector.shape_cast %reduce_min3A_182 : vector<256xi32> to vector<256x1xi32>
    %broadcast_in_dim3A_184 = vector.shape_cast %eq3A_12 : vector<256x1xi1> to vector<256x1xi1>
    %broadcast_in_dim3A_185 = vector.broadcast %broadcast_in_dim3A_184 : vector<256x1xi1> to vector<256x128xi1>
    %select_n3A_186 = arith.select %broadcast_in_dim3A_185, %max3A_144, %get3A_1 : vector<256x128xi1>, vector<256x128xf32>
    %swap3A = arith.constant 0 : index
    %swap3A_187 = arith.constant 0 : index
    %swap3A_188 = vector.load %arg19[%swap3A, %swap3A_187] : memref<256x128xf32, #tpu.memory_space<vmem>>, vector<256x128xf32>
    tpu.vector_store %arg19[%swap3A, %swap3A_187], %select_n3A_186 {strides = array<i32>} : memref<256x128xf32, #tpu.memory_space<vmem>>, vector<256x128xf32>,
    %swap3A_189 = arith.constant 0 : index
    %swap3A_190 = arith.constant 0 : index
    %swap3A_191 = vector.load %arg20[%swap3A_189, %swap3A_190] : memref<256x1xi32, #tpu.memory_space<vmem>>, vector<256x1xi32>
    tpu.vector_store %arg20[%swap3A_189, %swap3A_190], %broadcast_in_dim3A_183 {strides = array<i32>} : memref<256x1xi32, #tpu.memory_space<vmem>>, vector<256x1xi32>,
    %get3A_192 = arith.constant 0 : index
    %get3A_193 = arith.constant 0 : index
    %get3A_194 = vector.load %arg7[%get3A_192, %get3A_193] : memref<256x1xf32, #tpu.memory_space<vmem>>, vector<256x1xf32>
    %lt3A_195 = arith.constant 5.000000e-01 : f32
    %lt3A_196 = vector.broadcast %lt3A_195 : f32 to vector<256x1xf32>
    %lt3A_197 = arith.cmpf olt, %get3A_194, %lt3A_196 : vector<256x1xf32>
    %get3A_198 = arith.constant 0 : index
    %get3A_199 = arith.constant 0 : index
    %get3A_200 = vector.load %arg25[%get3A_198, %get3A_199] : memref<8x65xf32, #tpu.memory_space<vmem>>, vector<1x65xf32>
    %lt3A_201 = arith.constant 1.500000e+00 : f32
    %lt3A_202 = vector.broadcast %lt3A_201 : f32 to vector<256x1xf32>
    %lt3A_203 = arith.cmpf olt, %get3A_194, %lt3A_202 : vector<256x1xf32>
    %get3A_204 = arith.constant 1 : index
    %get3A_205 = arith.constant 0 : index
    %get3A_206 = vector.load %arg25[%get3A_204, %get3A_205] : memref<8x65xf32, #tpu.memory_space<vmem>>, vector<1x65xf32>
    %get3A_207 = arith.constant 2 : index
    %get3A_208 = arith.constant 0 : index
    %get3A_209 = vector.load %arg25[%get3A_207, %get3A_208] : memref<8x65xf32, #tpu.memory_space<vmem>>, vector<1x65xf32>
    %broadcast_in_dim3A_210 = vector.shape_cast %lt3A_203 : vector<256x1xi1> to vector<256x1xi1>
    %broadcast_in_dim3A_211 = vector.broadcast %broadcast_in_dim3A_210 : vector<256x1xi1> to vector<256x65xi1>
    %broadcast_in_dim3A_212 = vector.shape_cast %get3A_206 : vector<1x65xf32> to vector<1x65xf32>
    %broadcast_in_dim3A_213 = vector.broadcast %broadcast_in_dim3A_212 : vector<1x65xf32> to vector<256x65xf32>
    %broadcast_in_dim3A_214 = vector.shape_cast %get3A_209 : vector<1x65xf32> to vector<1x65xf32>
    %broadcast_in_dim3A_215 = vector.broadcast %broadcast_in_dim3A_214 : vector<1x65xf32> to vector<256x65xf32>
    %select_n3A_216 = arith.select %broadcast_in_dim3A_211, %broadcast_in_dim3A_213, %broadcast_in_dim3A_215 : vector<256x65xi1>, vector<256x65xf32>
    %broadcast_in_dim3A_217 = vector.shape_cast %lt3A_197 : vector<256x1xi1> to vector<256x1xi1>
    %broadcast_in_dim3A_218 = vector.broadcast %broadcast_in_dim3A_217 : vector<256x1xi1> to vector<256x65xi1>
    %broadcast_in_dim3A_219 = vector.shape_cast %get3A_200 : vector<1x65xf32> to vector<1x65xf32>
    %broadcast_in_dim3A_220 = vector.broadcast %broadcast_in_dim3A_219 : vector<1x65xf32> to vector<256x65xf32>
    %select_n3A_221 = arith.select %broadcast_in_dim3A_218, %broadcast_in_dim3A_220, %select_n3A_216 : vector<256x65xi1>, vector<256x65xf32>
    %get3A_222 = arith.constant 0 : index
    %get3A_223 = arith.constant 0 : index
    %get3A_224 = vector.load %arg6[%get3A_222, %get3A_223] : memref<256x65xf32, #tpu.memory_space<vmem>>, vector<256x65xf32>
    %add3A_225 = arith.addf %select_n3A_221, %get3A_224 : vector<256x65xf32>
    %reduce_max3A_226 = arith.constant dense<0xFF800000> : vector<256xf32>
    %reduce_max3A_227 = vector.multi_reduction <maximumf>, %add3A_225, %reduce_max3A_226 [1] : vector<256x65xf32> to vector<256xf32>
    %broadcast_in_dim3A_228 = vector.shape_cast %reduce_max3A_227 : vector<256xf32> to vector<256x1xf32>
    %iota3A_229 = tpu.iota {dimensions = array<i32: 1>} : vector<256x65xi32>
    %eq3A_230 = vector.broadcast %broadcast_in_dim3A_228 : vector<256x1xf32> to vector<256x65xf32>
    %eq3A_231 = arith.cmpf oeq, %add3A_225, %eq3A_230 : vector<256x65xf32>
    %jit3A_232 = arith.constant 65 : i32
    %broadcast_in_dim3A_233 = vector.broadcast %jit3A_232 : i32 to vector<256x65xi32>
    %select_n3A_234 = arith.select %eq3A_231, %iota3A_229, %broadcast_in_dim3A_233 : vector<256x65xi1>, vector<256x65xi32>
    %reduce_min3A_235 = arith.constant dense<2147483647> : vector<256xi32>
    %reduce_min3A_236 = vector.multi_reduction <minsi>, %select_n3A_234, %reduce_min3A_235 [1] : vector<256x65xi32> to vector<256xi32>
    %broadcast_in_dim3A_237 = vector.shape_cast %reduce_min3A_236 : vector<256xi32> to vector<256x1xi32>
    %swap3A_238 = arith.constant 0 : index
    %swap3A_239 = arith.constant 0 : index
    %swap3A_240 = vector.load %arg21[%swap3A_238, %swap3A_239] : memref<256x1xi32, #tpu.memory_space<vmem>>, vector<256x1xi32>
    tpu.vector_store %arg21[%swap3A_238, %swap3A_239], %broadcast_in_dim3A_237 {strides = array<i32>} : memref<256x1xi32, #tpu.memory_space<vmem>>, vector<256x1xi32>,
    %add3A_241 = arith.addi %get3A_21, %convert_element_type3A_19 : i32
    %swap3A_242 = arith.constant 0 : index
    %swap3A_243 = memref.load %arg26[%swap3A_242] : memref<4xi32, #tpu.memory_space<smem>>
    memref.store %add3A_241, %arg26[%swap3A_242] : memref<4xi32, #tpu.memory_space<smem>>
    return
  }
  func.func @transform_0(%arg0: i32) -> (i32, i32) {
    %c0_i32 = arith.constant 0 : i32
    %c0_i32_0 = arith.constant 0 : i32
    return %arg0, %c0_i32 : i32, i32
  }
  func.func @transform_1(%arg0: i32) -> (i32, i32) {
    %c0_i32 = arith.constant 0 : i32
    %c0_i32_0 = arith.constant 0 : i32
    return %arg0, %c0_i32 : i32, i32
  }
  func.func @transform_2(%arg0: i32) -> (i32, i32) {
    %c0_i32 = arith.constant 0 : i32
    %c0_i32_0 = arith.constant 0 : i32
    return %arg0, %c0_i32 : i32, i32
  }
  func.func @transform_5(%arg0: i32) -> (i32, i32) {
    %c0_i32 = arith.constant 0 : i32
    %c0_i32_0 = arith.constant 0 : i32
    return %arg0, %c0_i32 : i32, i32
  }
  func.func @transform_6(%arg0: i32) -> (i32, i32) {
    %c0_i32 = arith.constant 0 : i32
    %c0_i32_0 = arith.constant 0 : i32
    return %arg0, %c0_i32 : i32, i32
  }
  func.func @transform_7(%arg0: i32) -> (i32, i32) {
    %c0_i32 = arith.constant 0 : i32
    %c0_i32_0 = arith.constant 0 : i32
    %c0_i32_1 = arith.constant 0 : i32
    return %c0_i32, %c0_i32_0 : i32, i32
  }
  func.func @transform_8(%arg0: i32) -> (i32, i32) {
    %c0_i32 = arith.constant 0 : i32
    %c0_i32_0 = arith.constant 0 : i32
    %c0_i32_1 = arith.constant 0 : i32
    return %c0_i32, %c0_i32_0 : i32, i32
  }
  func.func @transform_9(%arg0: i32) -> (i32, i32) {
    %c0_i32 = arith.constant 0 : i32
    %c0_i32_0 = arith.constant 0 : i32
    %c0_i32_1 = arith.constant 0 : i32
    return %c0_i32, %c0_i32_0 : i32, i32
  }
  func.func @transform_10(%arg0: i32) -> (i32, i32) {
    %c0_i32 = arith.constant 0 : i32
    %c0_i32_0 = arith.constant 0 : i32
    %c0_i32_1 = arith.constant 0 : i32
    return %c0_i32, %c0_i32_0 : i32, i32
  }
  func.func @transform_11(%arg0: i32) -> (i32, i32) {
    %c0_i32 = arith.constant 0 : i32
    %c0_i32_0 = arith.constant 0 : i32
    %c0_i32_1 = arith.constant 0 : i32
    return %c0_i32, %c0_i32_0 : i32, i32
  }
  func.func @transform_12(%arg0: i32) -> (i32, i32) {
    %c0_i32 = arith.constant 0 : i32
    %c0_i32_0 = arith.constant 0 : i32
    %c0_i32_1 = arith.constant 0 : i32
    return %c0_i32, %c0_i32_0 : i32, i32
  }
  func.func @transform_13(%arg0: i32) -> (i32, i32) {
    %c0_i32 = arith.constant 0 : i32
    %c0_i32_0 = arith.constant 0 : i32
    %c0_i32_1 = arith.constant 0 : i32
    return %c0_i32, %c0_i32_0 : i32, i32
  }
  func.func @transform_14(%arg0: i32) -> (i32, i32) {
    %c0_i32 = arith.constant 0 : i32
    %c0_i32_0 = arith.constant 0 : i32
    %c0_i32_1 = arith.constant 0 : i32
    return %c0_i32, %c0_i32_0 : i32, i32
  }
  func.func @transform_15(%arg0: i32) -> (i32, i32) {
    %c0_i32 = arith.constant 0 : i32
    %c0_i32_0 = arith.constant 0 : i32
    %c0_i32_1 = arith.constant 0 : i32
    return %c0_i32, %c0_i32_0 : i32, i32
  }
  func.func @transform_16(%arg0: i32) -> (i32, i32) {
    %c0_i32 = arith.constant 0 : i32
    %c0_i32_0 = arith.constant 0 : i32
    %c0_i32_1 = arith.constant 0 : i32
    return %c0_i32, %c0_i32_0 : i32, i32
  }
  func.func @transform_17(%arg0: i32) -> (i32, i32) {
    %c0_i32 = arith.constant 0 : i32
    %c0_i32_0 = arith.constant 0 : i32
    %c0_i32_1 = arith.constant 0 : i32
    return %c0_i32, %c0_i32_0 : i32, i32
  }
  func.func @transform_18(%arg0: i32) -> (i32, i32) {
    %c0_i32 = arith.constant 0 : i32
    %c0_i32_0 = arith.constant 0 : i32
    return %arg0, %c0_i32 : i32, i32
  }
  func.func @transform_19(%arg0: i32) -> (i32, i32) {
    %c0_i32 = arith.constant 0 : i32
    %c0_i32_0 = arith.constant 0 : i32
    return %arg0, %c0_i32 : i32, i32
  }
  func.func @transform_20(%arg0: i32) -> (i32, i32) {
    %c0_i32 = arith.constant 0 : i32
    %c0_i32_0 = arith.constant 0 : i32
    return %arg0, %c0_i32 : i32, i32
  }
  func.func @transform_21(%arg0: i32) -> (i32, i32) {
    %c0_i32 = arith.constant 0 : i32
    %c0_i32_0 = arith.constant 0 : i32
    %c0_i32_1 = arith.constant 0 : i32
    return %c0_i32, %c0_i32_0 : i32, i32
  }
}

module attributes {stable_mosaic.version = 14 : i64} {
  func.func @_final_kernel(%arg0: i32, %arg1: memref<512x16x128xf32, #tpu.memory_space<vmem>>, %arg2: memref<128x2048xf32, #tpu.memory_space<vmem>>, %arg3: memref<1x2048xf32, #tpu.memory_space<vmem>>, %arg4: memref<512x128xf32, #tpu.memory_space<vmem>>, %arg5: memref<512x2048xf32, #tpu.memory_space<vmem>>) attributes {dimension_semantics = [#tpu.dimension_semantics<arbitrary>], iteration_bounds = array<i64: 16>, scalar_prefetch = 0 : i64, scratch_operands = 0 : i64, tpu.core_type = #tpu.core_type<tc>, window_params = [{transform_indices = @transform_0, window_bounds = array<i64: 512, 16, 128>}, {pipeline_mode = #tpu.pipeline_mode<synchronous>, transform_indices = @transform_1, window_bounds = array<i64: 128, 2048>}, {pipeline_mode = #tpu.pipeline_mode<synchronous>, transform_indices = @transform_2, window_bounds = array<i64: 1, 2048>}, {transform_indices = @transform_3, window_bounds = array<i64: 512, 128>}, {transform_indices = @transform_4, window_bounds = array<i64: 512, 2048>}]} {
    %get3A = arith.constant 0 : index
    %get3A_0 = arith.constant 0 : index
    %get3A_1 = arith.constant 0 : index
    %get3A_2 = vector.load %arg1[%get3A, %get3A_0, %get3A_1] : memref<512x16x128xf32, #tpu.memory_space<vmem>>, vector<512x16x128xf32>
    %reduce_sum3A = arith.constant dense<0.000000e+00> : vector<512x128xf32>
    %reduce_sum3A_3 = vector.multi_reduction <add>, %get3A_2, %reduce_sum3A [1] : vector<512x16x128xf32> to vector<512x128xf32>
    %div3A = arith.constant 1.600000e+01 : f32
    %div3A_4 = vector.broadcast %div3A : f32 to vector<512x128xf32>
    %div3A_5 = arith.divf %reduce_sum3A_3, %div3A_4 : vector<512x128xf32>
    %swap3A = arith.constant 0 : index
    %swap3A_6 = arith.constant 0 : index
    %swap3A_7 = vector.load %arg4[%swap3A, %swap3A_6] : memref<512x128xf32, #tpu.memory_space<vmem>>, vector<512x128xf32>
    tpu.vector_store %arg4[%swap3A, %swap3A_6], %div3A_5 {strides = array<i32>} : memref<512x128xf32, #tpu.memory_space<vmem>>, vector<512x128xf32>,
    %get3A_8 = arith.constant 0 : index
    %get3A_9 = arith.constant 0 : index
    %get3A_10 = vector.load %arg2[%get3A_8, %get3A_9] : memref<128x2048xf32, #tpu.memory_space<vmem>>, vector<128x2048xf32>
    %convert_element_type3A = arith.truncf %div3A_5 : vector<512x128xf32> to vector<512x128xbf16>
    %convert_element_type3A_11 = arith.truncf %get3A_10 : vector<128x2048xf32> to vector<128x2048xbf16>
    %dot_general3A = arith.constant dense<0.000000e+00> : vector<512x2048xf32>
    %dot_general3A_12 = tpu.matmul %convert_element_type3A, %convert_element_type3A_11, %dot_general3A {dimension_numbers = #tpu.dot_dimension_numbers<[1], [0], [0], [1], [0, 0, 1, 1], [], []>, transpose_lhs_hint = false} : vector<512x128xbf16>, vector<128x2048xbf16>, vector<512x2048xf32> -> vector<512x2048xf32>
    %get3A_13 = arith.constant 0 : index
    %get3A_14 = arith.constant 0 : index
    %get3A_15 = vector.load %arg3[%get3A_13, %get3A_14] : memref<1x2048xf32, #tpu.memory_space<vmem>>, vector<1x2048xf32>
    %add3A = vector.broadcast %get3A_15 : vector<1x2048xf32> to vector<512x2048xf32>
    %add3A_16 = arith.addf %dot_general3A_12, %add3A : vector<512x2048xf32>
    %swap3A_17 = arith.constant 0 : index
    %swap3A_18 = arith.constant 0 : index
    %swap3A_19 = vector.load %arg5[%swap3A_17, %swap3A_18] : memref<512x2048xf32, #tpu.memory_space<vmem>>, vector<512x2048xf32>
    tpu.vector_store %arg5[%swap3A_17, %swap3A_18], %add3A_16 {strides = array<i32>} : memref<512x2048xf32, #tpu.memory_space<vmem>>, vector<512x2048xf32>,
    return
  }
  func.func @transform_0(%arg0: i32) -> (i32, i32, i32) {
    %c0_i32 = arith.constant 0 : i32
    %c0_i32_0 = arith.constant 0 : i32
    %c0_i32_1 = arith.constant 0 : i32
    return %arg0, %c0_i32, %c0_i32_0 : i32, i32, i32
  }
  func.func @transform_1(%arg0: i32) -> (i32, i32) {
    %c0_i32 = arith.constant 0 : i32
    %c0_i32_0 = arith.constant 0 : i32
    %c0_i32_1 = arith.constant 0 : i32
    return %c0_i32, %c0_i32_0 : i32, i32
  }
  func.func @transform_2(%arg0: i32) -> (i32, i32) {
    %c0_i32 = arith.constant 0 : i32
    %c0_i32_0 = arith.constant 0 : i32
    %c0_i32_1 = arith.constant 0 : i32
    return %c0_i32, %c0_i32_0 : i32, i32
  }
  func.func @transform_3(%arg0: i32) -> (i32, i32) {
    %c0_i32 = arith.constant 0 : i32
    %c0_i32_0 = arith.constant 0 : i32
    return %arg0, %c0_i32 : i32, i32
  }
  func.func @transform_4(%arg0: i32) -> (i32, i32) {
    %c0_i32 = arith.constant 0 : i32
    %c0_i32_0 = arith.constant 0 : i32
    return %arg0, %c0_i32 : i32, i32
  }
}

</mosaic_0001>

<sc_bundles>
// kernel: gather_offload_async_start.1
scs
__scs_entry_jumppad:
0x0: {  	(pc) =	sbr.rel $0x88, $3  }
0x1: {  	(tag) =	ssettag $0x0;
	lr =	simm.s32 $0x1  }
0x2: {  	[smem:$0x3F91] =	sst lr;
	_ =	strace $0xD0000000  }
0x3: {  	_ = 	snop  }
0x4: {  	_ = 	snop  }
0x5: {  	_ = 	snop  }
0x6: {  	_ = 	snop  }
0x7: {  	_ = 	snop  }
__scs_overlays_trampoline_lowered:
0x8: {  	[smem:$0x3FA0] =	sst s0  }
0x9: {  	[smem:$0x3FA1] =	sst s1  }
0xa: {  	[smem:$0x3FA2] =	sst s2  }
0xb: {  	[smem:$0x3FA3] =	sst s3  }
0xc: {  	[smem:$0x3FA4] =	sst s4  }
0xd: {  	[smem:$0x3FA5] =	sst s5  }
0xe: {  	[smem:$0x3FA6] =	sst s6  }
0xf: {  	[smem:$0x3FA7] =	sst s7  }
0x10: {  	[smem:$0x3FA8] =	sst s8  }
0x11: {  	[smem:$0x3FA9] =	sst s9;
	s0 =	simm.s32 @!p0 $0x0  }
0x12: {  	s1 =	sld [smem:$0x3F8F];
	s0 =	simm.s32 @p0 $0x1  }
0x13: {  	[smem:$0x3FAA] =	sst s0;
	s0 =	simm.s32 @!p1 $0x0  }
0x14: {  	s2 =	sld [smem:$0x3F8E];
	s0 =	simm.s32 @p1 $0x1  }
0x15: {  	[smem:$0x3FAB] =	sst s0;
	s0 =	simm.s32 @!p2 $0x0  }
0x16: {  	s3 =	sld [smem:$0x3FDB];
	s0 =	simm.s32 @p2 $0x1  }
0x17: {  	s4 =	simm.s32 $0x1BF5;
	[smem:$0x3FAD] =	sst s0  }
0x18: {  	s0 =	sld [smem:$0x3F90];
	_ =	swait.ge [sflag:s4], $0x0  }
0x19: {  	s7 =	sld [smem:$0x3F91]  }
0x1a: {  	s8 =	sadd.s32 $0xFFFFE003, lr  }
0x1b: {  	s9 =	sadd.s32 $0xFFFFFEF7, lr;
	s5 =	simm.s32 $0xFFFFFFFF;
	p2 =	slt.u32 s8, $0xFFFFF086  }
0x1c: {  	p1 =	slt.u32 s9, $0xF7A;
	s5 =	simm.s32 @!p2 $0x0  }
0x1d: {  	s5 =	simm.s32 @p1 $0x1;
	p0 =	seq.s32 s7, s2  }
0x1e: {  	s7 =	smul.u32 @!p0 $0xF7A, s2;
	p2 =	seq.s32 @!p0 s5, $0x0  }
0x1f: {  	s9 =	smul.u32 $0xF7A, s1;
	s8 =	simm.s32 @!p0 $0x1BF5;
	p2 =	por !p2, p0  }
0x20: {  	[sflag:s8] =	ssyncset.s32 @!p0 $0xFFFFF086;
	s6 =	sadd.s32 @!p0 s3, s7;
	s7 =	simm.s32 @!p0 $0x108  }
0x21: {  	s3 =	sadd.s32 s3, s9;
	s6 =	sadd.s32 @!p0 $0x88, s6;
	s7 =	simm.s32 @p2 $0x1082  }
0x22: {  	[simem:s7], [sflag:s8] =	dma.local @!p0 [hbm:s6], $0xF7A  }
0x23: {  	s9 =	sor.u32 $0xD0000000, s2;
	s6 =	simm.s32 $0x108;
	_ =	swait.ge @!p0 [sflag:s8], $0x0  }
0x24: {  	s3 =	sadd.s32 $0x88, s3;
	s6 =	simm.s32 @!p1 $0x1082;
	[sflag:s4] =	ssyncset.s32 $0xFFFFF086  }
0x25: {  	[simem:s6], [sflag:s4] =	dma.local [hbm:s3], $0xF7A  }
0x26: {  	[smem:$0x3F91] =	sst s1;
	(tag) =	ssettag s2;
	_ =	strace s9  }
0x27: {  	s1 =	sld [smem:$0x3FA1]  }
0x28: {  	s2 =	sld [smem:$0x3FA2]  }
0x29: {  	s4 =	sld [smem:$0x3FA4]  }
0x2a: {  	p0 =	seq.s32 s5, $0x0;
	s5 =	sld [smem:$0x3FA5]  }
0x2b: {  	s6 =	sld [smem:$0x3FA6]  }
0x2c: {  	s7 =	sld [smem:$0x3FA7]  }
0x2d: {  	s3 =	simm.s32 $0x108;
	s8 =	sld [smem:$0x3FA8]  }
0x2e: {  	s3 =	simm.s32 @!p0 $0x1082;
	s9 =	sld [smem:$0x3FA9]  }
0x2f: {  	lr =	sadd.s32 s0, s3;
	s0 =	sld [smem:$0x3FA0]  }
0x30: {  	s3 =	sld [smem:$0x3FA3]  }
0x31: {  	[smem:$0x3FAC] =	sst s10  }
0x32: {  	s10 =	sld [smem:$0x3FAA];
	_ =	sdelay $0x3  }
0x33: {  	p0 =	seq.s32 s10, $0x1;
	s10 =	sld [smem:$0x3FAC];
	_ =	sdelay $0x3  }
0x34: {  	[smem:$0x3FAC] =	sst s10  }
0x35: {  	s10 =	sld [smem:$0x3FAB];
	_ =	sdelay $0x3  }
0x36: {  	p1 =	seq.s32 s10, $0x1;
	s10 =	sld [smem:$0x3FAC];
	_ =	sdelay $0x3  }
0x37: {  	[smem:$0x3FAC] =	sst s10  }
0x38: {  	s10 =	sld [smem:$0x3FAD]  }
0x39: {  	_ = 	snop;
	(pc) =	sbr.ind lr, $3  }
0x3a: {  	_ = 	snop  }
0x3b: {  	_ = 	snop  }
0x3c: {  	p2 =	seq.s32 s10, $0x1;
	s10 =	sld [smem:$0x3FAC]  }
0x3d: {  	_ =	shalt  }
0x3e: {  	_ =	shalt  }
0x3f: {  	_ =	shalt  }
0x40: {  	_ =	shalt  }
0x41: {  	_ =	shalt  }
0x42: {  	_ =	shalt  }
0x43: {  	_ =	shalt  }
0x44: {  	_ =	shalt  }
0x45: {  	_ =	shalt  }
0x46: {  	_ =	shalt  }
0x47: {  	_ =	shalt  }
0x48: {  	_ =	shalt  }
0x49: {  	_ =	shalt  }
0x4a: {  	_ =	shalt  }
0x4b: {  	_ =	shalt  }
0x4c: {  	_ =	shalt  }
0x4d: {  	_ =	shalt  }
0x4e: {  	_ =	shalt  }
0x4f: {  	_ =	shalt  }
0x50: {  	_ =	shalt  }
0x51: {  	_ =	shalt  }
0x52: {  	_ =	shalt  }
0x53: {  	_ =	shalt  }
0x54: {  	_ =	shalt  }
0x55: {  	_ =	shalt  }
0x56: {  	_ =	shalt  }
0x57: {  	_ =	shalt  }
0x58: {  	_ =	shalt  }
0x59: {  	_ =	shalt  }
0x5a: {  	_ =	shalt  }
0x5b: {  	_ =	shalt  }
0x5c: {  	_ =	shalt  }
0x5d: {  	_ =	shalt  }
0x5e: {  	_ =	shalt  }
0x5f: {  	_ =	shalt  }
0x60: {  	_ =	shalt  }
0x61: {  	_ =	shalt  }
0x62: {  	_ =	shalt  }
0x63: {  	_ =	shalt  }
0x64: {  	_ =	shalt  }
0x65: {  	_ =	shalt  }
0x66: {  	_ =	shalt  }
0x67: {  	_ =	shalt  }
0x68: {  	_ =	shalt  }
0x69: {  	_ =	shalt  }
0x6a: {  	_ =	shalt  }
0x6b: {  	_ =	shalt  }
0x6c: {  	_ =	shalt  }
0x6d: {  	_ =	shalt  }
0x6e: {  	_ =	shalt  }
0x6f: {  	_ =	shalt  }
0x70: {  	_ =	shalt  }
0x71: {  	_ =	shalt  }
0x72: {  	_ =	shalt  }
0x73: {  	_ =	shalt  }
0x74: {  	_ =	shalt  }
0x75: {  	_ =	shalt  }
0x76: {  	_ =	shalt  }
0x77: {  	_ =	shalt  }
0x78: {  	_ =	shalt  }
0x79: {  	_ =	shalt  }
0x7a: {  	_ =	shalt  }
0x7b: {  	_ =	shalt  }
0x7c: {  	_ =	shalt  }
0x7d: {  	_ =	shalt  }
0x7e: {  	_ =	shalt  }
0x7f: {  	_ =	shalt  }
0x80: {  	_ =	shalt  }
0x81: {  	_ =	shalt  }
0x82: {  	_ =	shalt  }
0x83: {  	_ =	shalt  }
0x84: {  	_ =	shalt  }
0x85: {  	_ =	shalt  }
0x86: {  	_ =	shalt  }
0x87: {  	_ =	shalt  }
.Lfunc_end0:
.L_simem_size_0:
called_computation.4_lowered:
.L_overlay_start_0:
0x88: {  	s2 =	sld [smem:$0x3FD9]  }
0x89: {  	s3 =	sld [smem:$0x3FFE];
	_ =	sdelay $0x1  }
0x8a: {  	s1 =	srdreg.scid  }
0x8b: {  	s0 =	sand.u32 $0x1, s1  }
0x8c: {  	s14 =	sshll.u32 s0, $0xA;
	s2 =	sadd.s32 s3, s2  }
0x8d: {  	s2 =	sadd.s32 s2, s14  }
0x8e: {  	[smem:$0x3FB8] =	sst s2  }
0x8f: {  	_ = 	snop  }
0x90: {  	s2 =	sld [smem:$0x3FD0];
	_ =	sdelay $0x2  }
0x91: {  	s15 =	simm.s32 $0xB;
	s4 =	simm.s32 $0x10  }
0x92: {  	[smem:s4], [sflag:s15] =	dma.local [hbm:s2], $0x1  }
0x93: {  	_ =	swait.eq [sflag:s15], $0x1  }
0x94: {  	[sflag:s15] =	ssyncset.done $0x0  }
0x95: {  	[sflag:s15] =	ssyncadd.s32 $0xFFFFFFFF  }
0x96: {  	s16 =	sld [smem:$0x11];
	(tm) =	ssettm $0x1  }
0x97: {  	s17 =	sld [smem:$0x3FFB];
	_ =	sdelay $0x3  }
0x98: {  	_ =	strace s17  }
0x99: {  	s3 =	sld [smem:$0x3FFC];
	_ =	sdelay $0x3  }
0x9a: {  	_ =	strace s3  }
0x9b: {  	s3 =	sld [smem:$0x3FFD];
	_ =	sdelay $0x3  }
0x9c: {  	_ =	strace s3  }
0x9d: {  	_ =	strace $0x8FFFFFFF  }
0x9e: {  	s18 =	sld [smem:$0x3FDB];
	_ =	sdelay $0x1  }
0x9f: {  	s19 =	simm.s32 $_scs_section_size  }
0xa0: {  	s5 =	simm.s32 $_size__tile_overlayer_lowered;
	s6 =	simm.s32 $_tile_overlayer_lowered  }
0xa1: {  	s22 =	simm.s32 $0x1BFF;
	s21 =	sshll.u32 s6, $0x1;
	s3 =	sadd.s32 s19, s18  }
0xa2: {  	s7 =	simm.s32 $0x0;
	s20 =	sshll.u32 s5, $0x1;
	s5 =	sadd.s32 s21, s3  }
0xa3: {  	[timem:s7], [sflag:s22] =	dma.local [hbm:s5], s20  }
0xa4: {  	_ =	swait.ge [sflag:s22], s20  }
0xa5: {  	s4 =	ssub.s32 $0x0, s20;
	[sflag:s22] =	ssyncset.done $0x0  }
0xa6: {  	[sflag:s22] =	ssyncadd.s32 s4;
	_ =	sdelay $0x1  }
0xa7: {  	s23 =	simm.s32 $0x1B8B  }
0xa8: {  	_ =	swait.ge [sflag:s23], $0x1  }
0xa9: {  	[sflag:s23] =	ssyncset.done $0x0  }
0xaa: {  	s25 =	simm.s32 $0x1B8E;
	s24 =	sld [smem:$0x3FFE];
	[sflag:s23] =	ssyncadd.s32 $0xFFFFFFFF  }
0xab: {  	s26 =	simm.s32 $execute0_lowered;
	[smem:$0x3FD2] =	sst s25  }
0xac: {  	s5 =	sshll.u32 s26, $0x1;
	_ =	strace $0x80000055;
	[dreg:$0x1] =	wrdreg $0xFFFFFFFF  }
0xad: {  	s28 =	simm.s32 $_size_execute0_lowered;
	s3 =	sadd.s32 s3, s5;
	[dreg:$0x0] =	wrdreg $0x0  }
0xae: {  	s5 =	sshll.u32 s28, $0x1;
	[dreg:$0x2] =	wrdreg s3  }
0xaf: {  	[dreg:$0x3] =	wrdreg s5  }
0xb0: {  	[dreg:$0x4] =	wrdreg $0xC0  }
0xb1: {  	_ =	task [dreg:s7], $0x5FFFF  }
0xb2: {  	[dreg:$0x1] =	wrdreg $0xFFFFFFFF  }
0xb3: {  	[dreg:$0x0] =	wrdreg $0x60  }
0xb4: {  	[dreg:$0x2] =	wrdreg s24  }
0xb5: {  	[dreg:$0x3] =	wrdreg s16  }
0xb6: {  	[dreg:$0x4] =	wrdreg $0x9  }
0xb7: {  	_ =	task.clear_ibuf [dreg:s7], $0x5FFFF;
	_ =	strace $0x90000055  }
0xb8: {  	s29 =	simm.s32 $0x9;
	_ =	strace $0x80000057  }
0xb9: {  	_ =	swait.ge [sflag:s29], $0x1  }
0xba: {  	[sflag:s29] =	ssyncadd.s32 $0xFFFFFFFF  }
0xbb: {  	_ =	strace $0x90000057  }
0xbc: {  	_ =	sfence  }
0xbd: {  	s30 =	sld [smem:$0x0];
	_ =	sdelay $0x2  }
0xbe: {  	s31 =	sshll.u32 s1, $0xD;
	s1 =	sshrl.u32 s1, $0x2  }
0xbf: {  	s3 =	sand.u32 $0x4000, s31;
	s1 =	sadd.s32 s1, s30  }
0xc0: {  	s0 =	sor.u32 s3, s0;
	s1 =	sshll.u32 s1, $0x11  }
0xc1: {  	s0 =	sor.u32 s1, s0  }
0xc2: {  	s0 =	sadd.s32 $0x8F2B, s0  }
0xc3: {  	[sflag:s0] =	ssyncadd.remote.s32 $0x1  }
0xc4: {  	_ =	sfence.sel $0xFFFF  }
0xc5: {  	[dreg:$0x0] =	wrdreg $0xFFFFFFFF;
	(pc) =	sbr.abs _section_cstart, $3  }
0xc6: {  	[dreg:$0x1] =	wrdreg $0xFFFFFFFF  }
0xc7: {  	_ =	task.clear_ibuf [dreg:s7], $0x2FFFF;
	_ =	strace $0x9FFFFFFF  }
0xc8: {  	(tm) =	ssettm $0x7FFFFFFF  }
0xc9: {  	_ =	shalt  }
tec
execute0_lowered:
.L_overlay_start_1:
0x0: {  	(tag) =	ssettag $0x1  }
0x1: {  	s5 =	rddreg [dreg:$0x0];
	s0 =	srdreg.scid  }
0x2: {  	s2 =	rddreg [dreg:$0x1];
	s1 =	stileid.u32;
	s6 =	simm.s32 $0x1  }
0x3: {  	s9 =	simm.s32 $0x1;
	s10 =	simm.s32 $0x3;
	s3 =	sshll.u32 s0, $0xB  }
0x4: {  	s13 =	simm.s32 $0x0;
	s4 =	sshll.u32 s1, $0xC;
	s3 =	sand.u32 $0x800, s3  }
0x5: {  	s0 =	rddreg [dreg:$0x2];
	_ =	strace $0x80000056;
	s3 =	sor.u32 s4, s3  }
0x6: {  	s12 =	simm.s32 $0x0;
	[sflag:s6] =	ssyncpa.u1 $0x0;
	s8 =	ssub.s32 $0x20000, s3  }
.Ltmp0:
0x7: {  	s4 =	sadd.s32 $0x1423400, s5;
	s7 =	sand.u32 $0xF800, s8;
	(pc) =	sbr.rel .LBB2_1-.Ltmp0, $4  }
0x8: {  	s5 =	sadd.s32 $0x1200, s5;
	s11 =	smov.u32 s3;
	p0 =	sne.s32 s7, $0x0  }
0x9: {  	s8 =	sshrl.u32 s8, $0x10;
	s7 =	simm.s32 $0x2;
	s9 =	simm.s32 @!p0 $0x0  }
0xa: {  	[sflag:s7] =	ssyncpa.u1 $0x0;
	p0 =	por $0x0, $0x0;
	s8 =	sadd.s32 s9, s8  }
0xb: {  	vm0 =	vmmov $0xffff;
	v0 =	vimm.s32 $0x0;
	[sflag:s10] =	ssyncpa.u1 $0x0;
	s10 =	simm.s32 $0x0;
	s9 =	sadd.s32 $0x1, s8  }
.LBB2_4:
0xc: {  	v6 =	vshll.u32 v2, $0x7  }
0xd: {  	vm1 =	veq.s32 v2, $0x80000000;
	v2 =	vand.u32 $0xFFFF80, v6  }
0xe: {  	v2 =	vsel vm1, $0xFFFFFF80, v2  }
0xf: {  	v4 =	vor.u32 v5, v4;
	v61 =	vsel vm1, $0xFFFFFC00, v0;
	v60 =	vand.u32 $0xFFFFFC00, v2  }
0x10: {  	v3 =	vor.u32 v3, v4;
	v2 =	vand.u32 $0x380, v2;
	v62 =	vadd.s32 v61, v60  }
0x11: {  	v63 =	vsel vm1, $0x7F, v0;
	v2 =	vor.u32 v2, v62  }
0x12: {  	v2 =	vor.u32 v63, v2  }
0x13: {  	[tilespmem:s15], [sflag:$0x1] =	stream.indirect_vreg.gather [hbm4b:s4+s10], $0x1, v1, vm0, $0x4038;
	[tilespmem:$0x2000] =	vst v63  }
0x14: {  	(ifvalue) =	ssetifvalue $0x7FFFFFFF  }
0x15: {  	[tilespmem:s16], [sflag:$0x1] =	stream.indirect_vreg.gather [hbm4b:s4+s10], $0x1, v3, vm0, $0x4038;
	[tilespmem:$0x2000] =	vst v63  }
0x16: {  	s29 =	sadd.s32 $0x10, s16;
	(ifvalue) =	ssetifvalue $0x7FFFFFFF  }
0x17: {  	[tilespmem:s29], [sflag:$0x1] =	stream.indirect_vreg.gather [hbm4b:s4+s10], $0x1, v2, vm0, $0x4038;
	[tilespmem:$0x2000] =	vst v63  }
0x18: {  	_ =	swait.ge [sflag:s6], $0x800  }
0x19: {  	s30 =	sshrl.u32 s13, $0x3;
	[sflag:s6] =	ssyncset.done $0x0  }
0x1a: {  	s31 =	sand.u32 $0x7, s13;
	s15 =	sadd.s32 s2, s30;
	[sflag:s6] =	ssyncadd.s32 $0xFFFFF800  }
0x1b: {  	[hbm4b:s15+s31] =	stream.linear.scatter [tilespmem:s14], [sflag:$0x3], $0x800, $0x38;
	[tilespmem:$0x2000] =	vst v63  }
.LBB2_5:
0x1c: {  	s15 =	sadd.s32 $0x10000, s11  }
0x1d: {  	p2 =	sgt.s32 s15, $0x1FFFF  }
0x1e: {  	s15 =	smov.u32 @p2 s3;
	p2 =	sne.s32 s12, s9  }
.Ltmp1:
0x1f: {  	p1 =	slt.u32 s12, $0x2;
	(pc) =	sbr.rel @!p2 .LBB2_6-.Ltmp1, $4  }
0x20: {  	s14 =	simm.s32 @!p1 $0x3  }
0x21: {  	s16 =	sadd.s32 $0x1, s12;
	_ =	swait.ge @!p1 [sflag:s14], $0x800  }
0x22: {  	s13 =	smov.u32 s11;
	p0 =	por !p0, !p0;
	[sflag:s14] =	ssyncset.done @!p1 $0x0  }
0x23: {  	s12 =	smov.u32 s16;
	s11 =	smov.u32 s15;
	[sflag:s14] =	ssyncadd.s32 @!p1 $0xFFFFF800  }
.LBB2_1:
0x24: {  	p1 =	sge.u32 s12, s8  }
0x25: {  	s14 =	sxor.u32 @!p1 $0xFFFFFFFF, s12  }
0x26: {  	s31 =	sadd.s32 $0xFFFFFFFF, s12;
	s15 =	sshrl.u32 @!p1 s11, $0x3;
	s14 =	sshll.u32 @!p1 s14, $0xB  }
0x27: {  	s16 =	sand.u32 @!p1 $0x7, s11;
	s15 =	sadd.s32 @!p1 s5, s15;
	s14 =	sand.u32 @!p1 $0x800, s14  }
0x28: {  	[tilespmem:s14], [sflag:$0x2] =	stream.linear.gather @!p1 [hbm4b:s15+s16], $0x800, $0x38;
	[tilespmem:$0x2000] =	vst v63  }
0x29: {  	p1 =	sge.u32 s31, s8  }
.Ltmp2:
0x2a: {  	_ = 	snop;
	(pc) =	sbr.rel @p1 .LBB2_5-.Ltmp2, $1  }
0x2b: {  	_ =	sdelay $0x3  }
0x2c: {  	s14 =	simm.s32 $0x1  }
0x2d: {  	_ =	swait.ge [sflag:s7], $0x800;
	s14 =	simm.s32 @!p0 $0x0  }
0x2e: {  	[sflag:s7] =	ssyncset.done $0x0;
	s14 =	sshll.u32 s14, $0xB  }
0x2f: {  	[sflag:s7] =	ssyncadd.s32 $0xFFFFF800;
	(ifvalue) =	ssetifvalue $0x7FFFFFFF;
	v1 =	vld.msk [tilespmem:s14+$0x0 ss:$0x1], $0xffff;
	_ =	sdelay $0x1  }
0x30: {  	s15 =	sadd.s32 $0x10, s14  }
0x31: {  	v2 =	vld.msk [tilespmem:s15+$0x0 ss:$0x1], $0xffff;
	_ =	sdelay $0x1  }
0x32: {  	v3 =	vshll.u32 v1, $0x7  }
0x33: {  	vm1 =	veq.s32 v1, $0x80000000;
	v1 =	vand.u32 $0xFFFF80, v3  }
0x34: {  	v1 =	vsel vm1, $0xFFFFFF80, v1  }
0x35: {  	v4 =	vsel vm1, $0xFFFFFC00, v0;
	vm2 =	veq.s32 v2, $0x80000000;
	v3 =	vand.u32 $0xFFFFFC00, v1  }
0x36: {  	v1 =	vand.u32 $0x380, v1;
	v3 =	vadd.s32 v4, v3;
	v4 =	vshll.u32 v2, $0x7  }
0x37: {  	v2 =	vand.u32 $0xFFFF80, v4;
	v4 =	vsel vm1, $0x7F, v0;
	v1 =	vor.u32 v1, v3  }
0x38: {  	v1 =	vor.u32 v4, v1  }
0x39: {  	s16 =	sshll.u32 s12, $0xB  }
0x3a: {  	s16 =	sand.u32 $0x800, s16;
	s18 =	sadd.s32 $0x10, s15;
	v5 =	vsel vm2, $0xFFFFFF80, v2  }
0x3b: {  	s17 =	simm.s32 $0x20;
	s15 =	sor.u32 $0x1000, s14;
	s14 =	sor.u32 $0x1000, s16;
	v6 =	vsel vm2, $0xFFFFFC00, v0;
	v2 =	vld.msk [tilespmem:s18+$0x0 ss:$0x1], $0xffff;
	v4 =	vand.u32 $0xFFFFFC00, v5  }
0x3c: {  	s16 =	sadd.s32 $0x10, s15;
	v3 =	vsel vm2, $0x7F, v0;
	s18 =	sadd.s32 $0x10, s18;
	(ifvalue) =	ssetifvalue $0x7FFFFFFF;
	v5 =	vand.u32 $0x380, v5;
	v4 =	vadd.s32 v6, v4  }
.LBB2_3:
0x3d: {  	[tilespmem:s15], [sflag:$0x1] =	stream.indirect_vreg.gather [hbm4b:s4+s10], $0x1, v1, vm0, $0x4038;
	[tilespmem:$0x2000] =	vst v63  }
0x3e: {  	s17 =	sadd.s32 $0x10, s17  }
0x3f: {  	v4 =	vor.u32 v5, v4;
	p1 =	slt.u32 s17, $0x7F0  }
.Ltmp3:
0x40: {  	v5 =	vshll.u32 v2, $0x7;
	s15 =	smov.u32 s16;
	v1 =	vor.u32 v3, v4;
	v3 =	vmov v2;
	v2 =	vld.msk [tilespmem:s18+$0x0 ss:$0x1], $0xffff;
	(pc) =	sbr.rel @p1 .LBB2_3-.Ltmp3, $4  }
0x41: {  	v4 =	vand.u32 $0xFFFF80, v5;
	vm1 =	veq.s32 v3, $0x80000000  }
0x42: {  	v3 =	vsel vm1, $0x7F, v0;
	v5 =	vsel vm1, $0xFFFFFF80, v4  }
0x43: {  	v6 =	vsel vm1, $0xFFFFFC00, v0;
	v4 =	vand.u32 $0xFFFFFC00, v5  }
0x44: {  	s16 =	sadd.s32 $0x10, s16;
	s18 =	sadd.s32 $0x10, s18;
	v5 =	vand.u32 $0x380, v5;
	v4 =	vadd.s32 v6, v4;
	(ifvalue) =	ssetifvalue $0x7FFFFFFF  }
.Ltmp4:
0x45: {  	_ = 	snop;
	(pc) =	sbr.rel .LBB2_4-.Ltmp4, $1  }
0x46: {  	_ =	sdelay $0x3  }
.LBB2_6:
0x47: {  	_ =	sfence.sel $0x180000  }
0x48: {  	s2 =	simm.s32 $0x2;
	[bflag:$0x0] =	sbarrier.arrive $0xFFFF  }
0x49: {  	s30 =	simm.s32 $0x3;
	[sflag:s2] =	ssyncpa.u1 $0x1  }
0x4a: {  	s31 =	simm.s32 $0x1;
	[sflag:s30] =	ssyncpa.u1 $0x1  }
0x4b: {  	[sflag:s31] =	ssyncpa.u1 $0x1  }
0x4c: {  	p0 =	sne.s32 s1, $0x0;
	_ =	strace $0x90000056  }
0x4d: {  	s0 =	sadd.s32 @!p0 $0x100000, s0;
	[bflag:$0x2] =	sbarrier.arrive $0xFFFF  }
0x4e: {  	[sflag:s0] =	ssyncadd.tile.s32 @!p0 $0x1;
	_ =	shalt  }
.Lfunc_end2:
_tile_overlayer_lowered:
.L_overlay_start_2:
0x4f: {  	(tag) =	ssettag $0x2  }
0x50: {  	s0 =	rddreg [dreg:$0x0];
	s2 =	stileid.u32  }
0x51: {  	s1 =	rddreg [dreg:$0x1];
	p0 =	sne.s32 s2, $0x0  }
0x52: {  	s3 =	rddreg [dreg:$0x2];
	[bflag:$0x3] =	sbarrier.arrive $0xFFFF;
	s2 =	simm.s32 @!p0 $0x1C01  }
0x53: {  	[timem:s3], [sflag:s2] =	dma.local @!p0 [hbm:s0], s1  }
0x54: {  	s0 =	simm.s32 @!p0 $0x1  }
0x55: {  	_ =	swait.ge @!p0 [sflag:s0], s1  }
0x56: {  	s1 =	ssub.s32 @!p0 $0x0, s1;
	[sflag:s0] =	ssyncset.done @!p0 $0x0  }
0x57: {  	[sflag:s0] =	ssyncadd.s32 @!p0 s1  }
0x58: {  	[bflag:$0x3] =	sbarrier.arrive $0xFFFF  }
0x59: {  	_ =	shalt  }

// kernel: gather_offload_async_start.2
scs
__scs_entry_jumppad:
0x0: {  	(pc) =	sbr.rel $0x88, $3  }
0x1: {  	(tag) =	ssettag $0x0;
	lr =	simm.s32 $0x1  }
0x2: {  	[smem:$0x3F91] =	sst lr;
	_ =	strace $0xD0000000  }
0x3: {  	_ = 	snop  }
0x4: {  	_ = 	snop  }
0x5: {  	_ = 	snop  }
0x6: {  	_ = 	snop  }
0x7: {  	_ = 	snop  }
__scs_overlays_trampoline_lowered:
0x8: {  	[smem:$0x3FA0] =	sst s0  }
0x9: {  	[smem:$0x3FA1] =	sst s1  }
0xa: {  	[smem:$0x3FA2] =	sst s2  }
0xb: {  	[smem:$0x3FA3] =	sst s3  }
0xc: {  	[smem:$0x3FA4] =	sst s4  }
0xd: {  	[smem:$0x3FA5] =	sst s5  }
0xe: {  	[smem:$0x3FA6] =	sst s6  }
0xf: {  	[smem:$0x3FA7] =	sst s7  }
0x10: {  	[smem:$0x3FA8] =	sst s8  }
0x11: {  	[smem:$0x3FA9] =	sst s9;
	s0 =	simm.s32 @!p0 $0x0  }
0x12: {  	s1 =	sld [smem:$0x3F8F];
	s0 =	simm.s32 @p0 $0x1  }
0x13: {  	[smem:$0x3FAA] =	sst s0;
	s0 =	simm.s32 @!p1 $0x0  }
0x14: {  	s2 =	sld [smem:$0x3F8E];
	s0 =	simm.s32 @p1 $0x1  }
0x15: {  	[smem:$0x3FAB] =	sst s0;
	s0 =	simm.s32 @!p2 $0x0  }
0x16: {  	s3 =	sld [smem:$0x3FDB];
	s0 =	simm.s32 @p2 $0x1  }
0x17: {  	s4 =	simm.s32 $0x1BF5;
	[smem:$0x3FAD] =	sst s0  }
0x18: {  	s0 =	sld [smem:$0x3F90];
	_ =	swait.ge [sflag:s4], $0x0  }
0x19: {  	s7 =	sld [smem:$0x3F91]  }
0x1a: {  	s8 =	sadd.s32 $0xFFFFE003, lr  }
0x1b: {  	s9 =	sadd.s32 $0xFFFFFEF7, lr;
	s5 =	simm.s32 $0xFFFFFFFF;
	p2 =	slt.u32 s8, $0xFFFFF086  }
0x1c: {  	p1 =	slt.u32 s9, $0xF7A;
	s5 =	simm.s32 @!p2 $0x0  }
0x1d: {  	s5 =	simm.s32 @p1 $0x1;
	p0 =	seq.s32 s7, s2  }
0x1e: {  	s7 =	smul.u32 @!p0 $0xF7A, s2;
	p2 =	seq.s32 @!p0 s5, $0x0  }
0x1f: {  	s9 =	smul.u32 $0xF7A, s1;
	s8 =	simm.s32 @!p0 $0x1BF5;
	p2 =	por !p2, p0  }
0x20: {  	[sflag:s8] =	ssyncset.s32 @!p0 $0xFFFFF086;
	s6 =	sadd.s32 @!p0 s3, s7;
	s7 =	simm.s32 @!p0 $0x108  }
0x21: {  	s3 =	sadd.s32 s3, s9;
	s6 =	sadd.s32 @!p0 $0x88, s6;
	s7 =	simm.s32 @p2 $0x1082  }
0x22: {  	[simem:s7], [sflag:s8] =	dma.local @!p0 [hbm:s6], $0xF7A  }
0x23: {  	s9 =	sor.u32 $0xD0000000, s2;
	s6 =	simm.s32 $0x108;
	_ =	swait.ge @!p0 [sflag:s8], $0x0  }
0x24: {  	s3 =	sadd.s32 $0x88, s3;
	s6 =	simm.s32 @!p1 $0x1082;
	[sflag:s4] =	ssyncset.s32 $0xFFFFF086  }
0x25: {  	[simem:s6], [sflag:s4] =	dma.local [hbm:s3], $0xF7A  }
0x26: {  	[smem:$0x3F91] =	sst s1;
	(tag) =	ssettag s2;
	_ =	strace s9  }
0x27: {  	s1 =	sld [smem:$0x3FA1]  }
0x28: {  	s2 =	sld [smem:$0x3FA2]  }
0x29: {  	s4 =	sld [smem:$0x3FA4]  }
0x2a: {  	p0 =	seq.s32 s5, $0x0;
	s5 =	sld [smem:$0x3FA5]  }
0x2b: {  	s6 =	sld [smem:$0x3FA6]  }
0x2c: {  	s7 =	sld [smem:$0x3FA7]  }
0x2d: {  	s3 =	simm.s32 $0x108;
	s8 =	sld [smem:$0x3FA8]  }
0x2e: {  	s3 =	simm.s32 @!p0 $0x1082;
	s9 =	sld [smem:$0x3FA9]  }
0x2f: {  	lr =	sadd.s32 s0, s3;
	s0 =	sld [smem:$0x3FA0]  }
0x30: {  	s3 =	sld [smem:$0x3FA3]  }
0x31: {  	[smem:$0x3FAC] =	sst s10  }
0x32: {  	s10 =	sld [smem:$0x3FAA];
	_ =	sdelay $0x3  }
0x33: {  	p0 =	seq.s32 s10, $0x1;
	s10 =	sld [smem:$0x3FAC];
	_ =	sdelay $0x3  }
0x34: {  	[smem:$0x3FAC] =	sst s10  }
0x35: {  	s10 =	sld [smem:$0x3FAB];
	_ =	sdelay $0x3  }
0x36: {  	p1 =	seq.s32 s10, $0x1;
	s10 =	sld [smem:$0x3FAC];
	_ =	sdelay $0x3  }
0x37: {  	[smem:$0x3FAC] =	sst s10  }
0x38: {  	s10 =	sld [smem:$0x3FAD]  }
0x39: {  	_ = 	snop;
	(pc) =	sbr.ind lr, $3  }
0x3a: {  	_ = 	snop  }
0x3b: {  	_ = 	snop  }
0x3c: {  	p2 =	seq.s32 s10, $0x1;
	s10 =	sld [smem:$0x3FAC]  }
0x3d: {  	_ =	shalt  }
0x3e: {  	_ =	shalt  }
0x3f: {  	_ =	shalt  }
0x40: {  	_ =	shalt  }
0x41: {  	_ =	shalt  }
0x42: {  	_ =	shalt  }
0x43: {  	_ =	shalt  }
0x44: {  	_ =	shalt  }
0x45: {  	_ =	shalt  }
0x46: {  	_ =	shalt  }
0x47: {  	_ =	shalt  }
0x48: {  	_ =	shalt  }
0x49: {  	_ =	shalt  }
0x4a: {  	_ =	shalt  }
0x4b: {  	_ =	shalt  }
0x4c: {  	_ =	shalt  }
0x4d: {  	_ =	shalt  }
0x4e: {  	_ =	shalt  }
0x4f: {  	_ =	shalt  }
0x50: {  	_ =	shalt  }
0x51: {  	_ =	shalt  }
0x52: {  	_ =	shalt  }
0x53: {  	_ =	shalt  }
0x54: {  	_ =	shalt  }
0x55: {  	_ =	shalt  }
0x56: {  	_ =	shalt  }
0x57: {  	_ =	shalt  }
0x58: {  	_ =	shalt  }
0x59: {  	_ =	shalt  }
0x5a: {  	_ =	shalt  }
0x5b: {  	_ =	shalt  }
0x5c: {  	_ =	shalt  }
0x5d: {  	_ =	shalt  }
0x5e: {  	_ =	shalt  }
0x5f: {  	_ =	shalt  }
0x60: {  	_ =	shalt  }
0x61: {  	_ =	shalt  }
0x62: {  	_ =	shalt  }
0x63: {  	_ =	shalt  }
0x64: {  	_ =	shalt  }
0x65: {  	_ =	shalt  }
0x66: {  	_ =	shalt  }
0x67: {  	_ =	shalt  }
0x68: {  	_ =	shalt  }
0x69: {  	_ =	shalt  }
0x6a: {  	_ =	shalt  }
0x6b: {  	_ =	shalt  }
0x6c: {  	_ =	shalt  }
0x6d: {  	_ =	shalt  }
0x6e: {  	_ =	shalt  }
0x6f: {  	_ =	shalt  }
0x70: {  	_ =	shalt  }
0x71: {  	_ =	shalt  }
0x72: {  	_ =	shalt  }
0x73: {  	_ =	shalt  }
0x74: {  	_ =	shalt  }
0x75: {  	_ =	shalt  }
0x76: {  	_ =	shalt  }
0x77: {  	_ =	shalt  }
0x78: {  	_ =	shalt  }
0x79: {  	_ =	shalt  }
0x7a: {  	_ =	shalt  }
0x7b: {  	_ =	shalt  }
0x7c: {  	_ =	shalt  }
0x7d: {  	_ =	shalt  }
0x7e: {  	_ =	shalt  }
0x7f: {  	_ =	shalt  }
0x80: {  	_ =	shalt  }
0x81: {  	_ =	shalt  }
0x82: {  	_ =	shalt  }
0x83: {  	_ =	shalt  }
0x84: {  	_ =	shalt  }
0x85: {  	_ =	shalt  }
0x86: {  	_ =	shalt  }
0x87: {  	_ =	shalt  }
.Lfunc_end0:
.L_simem_size_0:
called_computation.5_lowered:
.L_overlay_start_0:
0x88: {  	s2 =	sld [smem:$0x3FD9]  }
0x89: {  	s3 =	sld [smem:$0x3FFE];
	_ =	sdelay $0x1  }
0x8a: {  	s1 =	srdreg.scid  }
0x8b: {  	s0 =	sand.u32 $0x1, s1  }
0x8c: {  	s14 =	sshll.u32 s0, $0xA;
	s2 =	sadd.s32 s3, s2  }
0x8d: {  	s2 =	sadd.s32 s2, s14  }
0x8e: {  	[smem:$0x3FB8] =	sst s2  }
0x8f: {  	_ = 	snop  }
0x90: {  	s2 =	sld [smem:$0x3FD0];
	_ =	sdelay $0x2  }
0x91: {  	s15 =	simm.s32 $0xB;
	s4 =	simm.s32 $0x10  }
0x92: {  	[smem:s4], [sflag:s15] =	dma.local [hbm:s2], $0x1  }
0x93: {  	_ =	swait.eq [sflag:s15], $0x1  }
0x94: {  	[sflag:s15] =	ssyncset.done $0x0  }
0x95: {  	[sflag:s15] =	ssyncadd.s32 $0xFFFFFFFF  }
0x96: {  	s16 =	sld [smem:$0x11];
	(tm) =	ssettm $0x1  }
0x97: {  	s17 =	sld [smem:$0x3FFB];
	_ =	sdelay $0x3  }
0x98: {  	_ =	strace s17  }
0x99: {  	s3 =	sld [smem:$0x3FFC];
	_ =	sdelay $0x3  }
0x9a: {  	_ =	strace s3  }
0x9b: {  	s3 =	sld [smem:$0x3FFD];
	_ =	sdelay $0x3  }
0x9c: {  	_ =	strace s3  }
0x9d: {  	_ =	strace $0x8FFFFFFF  }
0x9e: {  	s18 =	sld [smem:$0x3FDB];
	_ =	sdelay $0x1  }
0x9f: {  	s19 =	simm.s32 $_scs_section_size  }
0xa0: {  	s5 =	simm.s32 $_size__tile_overlayer_lowered;
	s6 =	simm.s32 $_tile_overlayer_lowered  }
0xa1: {  	s22 =	simm.s32 $0x1BFF;
	s21 =	sshll.u32 s6, $0x1;
	s3 =	sadd.s32 s19, s18  }
0xa2: {  	s7 =	simm.s32 $0x0;
	s20 =	sshll.u32 s5, $0x1;
	s5 =	sadd.s32 s21, s3  }
0xa3: {  	[timem:s7], [sflag:s22] =	dma.local [hbm:s5], s20  }
0xa4: {  	_ =	swait.ge [sflag:s22], s20  }
0xa5: {  	s4 =	ssub.s32 $0x0, s20;
	[sflag:s22] =	ssyncset.done $0x0  }
0xa6: {  	[sflag:s22] =	ssyncadd.s32 s4;
	_ =	sdelay $0x1  }
0xa7: {  	s23 =	simm.s32 $0x1B8B  }
0xa8: {  	_ =	swait.ge [sflag:s23], $0x1  }
0xa9: {  	[sflag:s23] =	ssyncset.done $0x0  }
0xaa: {  	s25 =	simm.s32 $0x1B8E;
	s24 =	sld [smem:$0x3FFE];
	[sflag:s23] =	ssyncadd.s32 $0xFFFFFFFF  }
0xab: {  	s26 =	simm.s32 $execute0_lowered;
	[smem:$0x3FD2] =	sst s25  }
0xac: {  	s5 =	sshll.u32 s26, $0x1;
	_ =	strace $0x8000005B;
	[dreg:$0x1] =	wrdreg $0xFFFFFFFF  }
0xad: {  	s28 =	simm.s32 $_size_execute0_lowered;
	s3 =	sadd.s32 s3, s5;
	[dreg:$0x0] =	wrdreg $0x0  }
0xae: {  	s5 =	sshll.u32 s28, $0x1;
	[dreg:$0x2] =	wrdreg s3  }
0xaf: {  	[dreg:$0x3] =	wrdreg s5  }
0xb0: {  	[dreg:$0x4] =	wrdreg $0xC0  }
0xb1: {  	_ =	task [dreg:s7], $0x5FFFF  }
0xb2: {  	[dreg:$0x1] =	wrdreg $0xFFFFFFFF  }
0xb3: {  	[dreg:$0x0] =	wrdreg $0x60  }
0xb4: {  	[dreg:$0x2] =	wrdreg s24  }
0xb5: {  	[dreg:$0x3] =	wrdreg s16  }
0xb6: {  	[dreg:$0x4] =	wrdreg $0x9  }
0xb7: {  	_ =	task.clear_ibuf [dreg:s7], $0x5FFFF;
	_ =	strace $0x9000005B  }
0xb8: {  	s29 =	simm.s32 $0x9;
	_ =	strace $0x8000005D  }
0xb9: {  	_ =	swait.ge [sflag:s29], $0x1  }
0xba: {  	[sflag:s29] =	ssyncadd.s32 $0xFFFFFFFF  }
0xbb: {  	_ =	strace $0x9000005D  }
0xbc: {  	_ =	sfence  }
0xbd: {  	s30 =	sld [smem:$0x0];
	_ =	sdelay $0x2  }
0xbe: {  	s31 =	sshll.u32 s1, $0xD;
	s1 =	sshrl.u32 s1, $0x2  }
0xbf: {  	s3 =	sand.u32 $0x4000, s31;
	s1 =	sadd.s32 s1, s30  }
0xc0: {  	s0 =	sor.u32 s3, s0;
	s1 =	sshll.u32 s1, $0x11  }
0xc1: {  	s0 =	sor.u32 s1, s0  }
0xc2: {  	s0 =	sadd.s32 $0x8F2B, s0  }
0xc3: {  	[sflag:s0] =	ssyncadd.remote.s32 $0x1  }
0xc4: {  	_ =	sfence.sel $0xFFFF  }
0xc5: {  	[dreg:$0x0] =	wrdreg $0xFFFFFFFF;
	(pc) =	sbr.abs _section_cstart, $3  }
0xc6: {  	[dreg:$0x1] =	wrdreg $0xFFFFFFFF  }
0xc7: {  	_ =	task.clear_ibuf [dreg:s7], $0x2FFFF;
	_ =	strace $0x9FFFFFFF  }
0xc8: {  	(tm) =	ssettm $0x7FFFFFFF  }
0xc9: {  	_ =	shalt  }
tec
execute0_lowered:
.L_overlay_start_1:
0x0: {  	(tag) =	ssettag $0x1  }
0x1: {  	s5 =	rddreg [dreg:$0x0];
	s0 =	srdreg.scid  }
0x2: {  	s2 =	rddreg [dreg:$0x1];
	s1 =	stileid.u32;
	s6 =	simm.s32 $0x1  }
0x3: {  	s9 =	simm.s32 $0x1;
	s10 =	simm.s32 $0x3;
	s3 =	sshll.u32 s0, $0xB  }
0x4: {  	s13 =	simm.s32 $0x0;
	s4 =	sshll.u32 s1, $0xC;
	s3 =	sand.u32 $0x800, s3  }
0x5: {  	s0 =	rddreg [dreg:$0x2];
	_ =	strace $0x8000005C;
	s3 =	sor.u32 s4, s3  }
0x6: {  	s12 =	simm.s32 $0x0;
	[sflag:s6] =	ssyncpa.u1 $0x0;
	s8 =	ssub.s32 $0x20000, s3  }
.Ltmp0:
0x7: {  	s4 =	sadd.s32 $0x101F400, s5;
	s7 =	sand.u32 $0xF800, s8;
	(pc) =	sbr.rel .LBB2_1-.Ltmp0, $4  }
0x8: {  	s5 =	sadd.s32 $0x80F400, s5;
	s11 =	smov.u32 s3;
	p0 =	sne.s32 s7, $0x0  }
0x9: {  	s8 =	sshrl.u32 s8, $0x10;
	s7 =	simm.s32 $0x2;
	s9 =	simm.s32 @!p0 $0x0  }
0xa: {  	[sflag:s7] =	ssyncpa.u1 $0x0;
	p0 =	por $0x0, $0x0;
	s8 =	sadd.s32 s9, s8  }
0xb: {  	vm0 =	vmmov $0xffff;
	v0 =	vimm.s32 $0x0;
	[sflag:s10] =	ssyncpa.u1 $0x0;
	s10 =	simm.s32 $0x0;
	s9 =	sadd.s32 $0x1, s8  }
.LBB2_4:
0xc: {  	v6 =	vshll.u32 v2, $0x7  }
0xd: {  	vm1 =	veq.s32 v2, $0x80000000;
	v2 =	vand.u32 $0xFFFF80, v6  }
0xe: {  	v2 =	vsel vm1, $0xFFFFFF80, v2  }
0xf: {  	v4 =	vor.u32 v5, v4;
	v61 =	vsel vm1, $0xFFFFFC00, v0;
	v60 =	vand.u32 $0xFFFFFC00, v2  }
0x10: {  	v3 =	vor.u32 v3, v4;
	v2 =	vand.u32 $0x380, v2;
	v62 =	vadd.s32 v61, v60  }
0x11: {  	v63 =	vsel vm1, $0x7F, v0;
	v2 =	vor.u32 v2, v62  }
0x12: {  	v2 =	vor.u32 v63, v2  }
0x13: {  	[tilespmem:s15], [sflag:$0x1] =	stream.indirect_vreg.gather [hbm4b:s4+s10], $0x1, v1, vm0, $0x4038;
	[tilespmem:$0x2000] =	vst v63  }
0x14: {  	(ifvalue) =	ssetifvalue $0x7FFFFFFF  }
0x15: {  	[tilespmem:s16], [sflag:$0x1] =	stream.indirect_vreg.gather [hbm4b:s4+s10], $0x1, v3, vm0, $0x4038;
	[tilespmem:$0x2000] =	vst v63  }
0x16: {  	s29 =	sadd.s32 $0x10, s16;
	(ifvalue) =	ssetifvalue $0x7FFFFFFF  }
0x17: {  	[tilespmem:s29], [sflag:$0x1] =	stream.indirect_vreg.gather [hbm4b:s4+s10], $0x1, v2, vm0, $0x4038;
	[tilespmem:$0x2000] =	vst v63  }
0x18: {  	_ =	swait.ge [sflag:s6], $0x800  }
0x19: {  	s30 =	sshrl.u32 s13, $0x3;
	[sflag:s6] =	ssyncset.done $0x0  }
0x1a: {  	s31 =	sand.u32 $0x7, s13;
	s15 =	sadd.s32 s2, s30;
	[sflag:s6] =	ssyncadd.s32 $0xFFFFF800  }
0x1b: {  	[hbm4b:s15+s31] =	stream.linear.scatter [tilespmem:s14], [sflag:$0x3], $0x800, $0x38;
	[tilespmem:$0x2000] =	vst v63  }
.LBB2_5:
0x1c: {  	s15 =	sadd.s32 $0x10000, s11  }
0x1d: {  	p2 =	sgt.s32 s15, $0x1FFFF  }
0x1e: {  	s15 =	smov.u32 @p2 s3;
	p2 =	sne.s32 s12, s9  }
.Ltmp1:
0x1f: {  	p1 =	slt.u32 s12, $0x2;
	(pc) =	sbr.rel @!p2 .LBB2_6-.Ltmp1, $4  }
0x20: {  	s14 =	simm.s32 @!p1 $0x3  }
0x21: {  	s16 =	sadd.s32 $0x1, s12;
	_ =	swait.ge @!p1 [sflag:s14], $0x800  }
0x22: {  	s13 =	smov.u32 s11;
	p0 =	por !p0, !p0;
	[sflag:s14] =	ssyncset.done @!p1 $0x0  }
0x23: {  	s12 =	smov.u32 s16;
	s11 =	smov.u32 s15;
	[sflag:s14] =	ssyncadd.s32 @!p1 $0xFFFFF800  }
.LBB2_1:
0x24: {  	p1 =	sge.u32 s12, s8  }
0x25: {  	s14 =	sxor.u32 @!p1 $0xFFFFFFFF, s12  }
0x26: {  	s31 =	sadd.s32 $0xFFFFFFFF, s12;
	s15 =	sshrl.u32 @!p1 s11, $0x3;
	s14 =	sshll.u32 @!p1 s14, $0xB  }
0x27: {  	s16 =	sand.u32 @!p1 $0x7, s11;
	s15 =	sadd.s32 @!p1 s5, s15;
	s14 =	sand.u32 @!p1 $0x800, s14  }
0x28: {  	[tilespmem:s14], [sflag:$0x2] =	stream.linear.gather @!p1 [hbm4b:s15+s16], $0x800, $0x38;
	[tilespmem:$0x2000] =	vst v63  }
0x29: {  	p1 =	sge.u32 s31, s8  }
.Ltmp2:
0x2a: {  	_ = 	snop;
	(pc) =	sbr.rel @p1 .LBB2_5-.Ltmp2, $1  }
0x2b: {  	_ =	sdelay $0x3  }
0x2c: {  	s14 =	simm.s32 $0x1  }
0x2d: {  	_ =	swait.ge [sflag:s7], $0x800;
	s14 =	simm.s32 @!p0 $0x0  }
0x2e: {  	[sflag:s7] =	ssyncset.done $0x0;
	s14 =	sshll.u32 s14, $0xB  }
0x2f: {  	[sflag:s7] =	ssyncadd.s32 $0xFFFFF800;
	(ifvalue) =	ssetifvalue $0x7FFFFFFF;
	v1 =	vld.msk [tilespmem:s14+$0x0 ss:$0x1], $0xffff;
	_ =	sdelay $0x1  }
0x30: {  	s15 =	sadd.s32 $0x10, s14  }
0x31: {  	v2 =	vld.msk [tilespmem:s15+$0x0 ss:$0x1], $0xffff;
	_ =	sdelay $0x1  }
0x32: {  	v3 =	vshll.u32 v1, $0x7  }
0x33: {  	vm1 =	veq.s32 v1, $0x80000000;
	v1 =	vand.u32 $0xFFFF80, v3  }
0x34: {  	v1 =	vsel vm1, $0xFFFFFF80, v1  }
0x35: {  	v4 =	vsel vm1, $0xFFFFFC00, v0;
	vm2 =	veq.s32 v2, $0x80000000;
	v3 =	vand.u32 $0xFFFFFC00, v1  }
0x36: {  	v1 =	vand.u32 $0x380, v1;
	v3 =	vadd.s32 v4, v3;
	v4 =	vshll.u32 v2, $0x7  }
0x37: {  	v2 =	vand.u32 $0xFFFF80, v4;
	v4 =	vsel vm1, $0x7F, v0;
	v1 =	vor.u32 v1, v3  }
0x38: {  	v1 =	vor.u32 v4, v1  }
0x39: {  	s16 =	sshll.u32 s12, $0xB  }
0x3a: {  	s16 =	sand.u32 $0x800, s16;
	s18 =	sadd.s32 $0x10, s15;
	v5 =	vsel vm2, $0xFFFFFF80, v2  }
0x3b: {  	s17 =	simm.s32 $0x20;
	s15 =	sor.u32 $0x1000, s14;
	s14 =	sor.u32 $0x1000, s16;
	v6 =	vsel vm2, $0xFFFFFC00, v0;
	v2 =	vld.msk [tilespmem:s18+$0x0 ss:$0x1], $0xffff;
	v4 =	vand.u32 $0xFFFFFC00, v5  }
0x3c: {  	s16 =	sadd.s32 $0x10, s15;
	v3 =	vsel vm2, $0x7F, v0;
	s18 =	sadd.s32 $0x10, s18;
	(ifvalue) =	ssetifvalue $0x7FFFFFFF;
	v5 =	vand.u32 $0x380, v5;
	v4 =	vadd.s32 v6, v4  }
.LBB2_3:
0x3d: {  	[tilespmem:s15], [sflag:$0x1] =	stream.indirect_vreg.gather [hbm4b:s4+s10], $0x1, v1, vm0, $0x4038;
	[tilespmem:$0x2000] =	vst v63  }
0x3e: {  	s17 =	sadd.s32 $0x10, s17  }
0x3f: {  	v4 =	vor.u32 v5, v4;
	p1 =	slt.u32 s17, $0x7F0  }
.Ltmp3:
0x40: {  	v5 =	vshll.u32 v2, $0x7;
	s15 =	smov.u32 s16;
	v1 =	vor.u32 v3, v4;
	v3 =	vmov v2;
	v2 =	vld.msk [tilespmem:s18+$0x0 ss:$0x1], $0xffff;
	(pc) =	sbr.rel @p1 .LBB2_3-.Ltmp3, $4  }
0x41: {  	v4 =	vand.u32 $0xFFFF80, v5;
	vm1 =	veq.s32 v3, $0x80000000  }
0x42: {  	v3 =	vsel vm1, $0x7F, v0;
	v5 =	vsel vm1, $0xFFFFFF80, v4  }
0x43: {  	v6 =	vsel vm1, $0xFFFFFC00, v0;
	v4 =	vand.u32 $0xFFFFFC00, v5  }
0x44: {  	s16 =	sadd.s32 $0x10, s16;
	s18 =	sadd.s32 $0x10, s18;
	v5 =	vand.u32 $0x380, v5;
	v4 =	vadd.s32 v6, v4;
	(ifvalue) =	ssetifvalue $0x7FFFFFFF  }
.Ltmp4:
0x45: {  	_ = 	snop;
	(pc) =	sbr.rel .LBB2_4-.Ltmp4, $1  }
0x46: {  	_ =	sdelay $0x3  }
.LBB2_6:
0x47: {  	_ =	sfence.sel $0x180000  }
0x48: {  	s2 =	simm.s32 $0x2;
	[bflag:$0x0] =	sbarrier.arrive $0xFFFF  }
0x49: {  	s30 =	simm.s32 $0x3;
	[sflag:s2] =	ssyncpa.u1 $0x1  }
0x4a: {  	s31 =	simm.s32 $0x1;
	[sflag:s30] =	ssyncpa.u1 $0x1  }
0x4b: {  	[sflag:s31] =	ssyncpa.u1 $0x1  }
0x4c: {  	p0 =	sne.s32 s1, $0x0;
	_ =	strace $0x9000005C  }
0x4d: {  	s0 =	sadd.s32 @!p0 $0x100000, s0;
	[bflag:$0x2] =	sbarrier.arrive $0xFFFF  }
0x4e: {  	[sflag:s0] =	ssyncadd.tile.s32 @!p0 $0x1;
	_ =	shalt  }
.Lfunc_end2:
_tile_overlayer_lowered:
.L_overlay_start_2:
0x4f: {  	(tag) =	ssettag $0x2  }
0x50: {  	s0 =	rddreg [dreg:$0x0];
	s2 =	stileid.u32  }
0x51: {  	s1 =	rddreg [dreg:$0x1];
	p0 =	sne.s32 s2, $0x0  }
0x52: {  	s3 =	rddreg [dreg:$0x2];
	[bflag:$0x3] =	sbarrier.arrive $0xFFFF;
	s2 =	simm.s32 @!p0 $0x1C01  }
0x53: {  	[timem:s3], [sflag:s2] =	dma.local @!p0 [hbm:s0], s1  }
0x54: {  	s0 =	simm.s32 @!p0 $0x1  }
0x55: {  	_ =	swait.ge @!p0 [sflag:s0], s1  }
0x56: {  	s1 =	ssub.s32 @!p0 $0x0, s1;
	[sflag:s0] =	ssyncset.done @!p0 $0x0  }
0x57: {  	[sflag:s0] =	ssyncadd.s32 @!p0 s1  }
0x58: {  	[bflag:$0x3] =	sbarrier.arrive $0xFFFF  }
0x59: {  	_ =	shalt  }

// kernel: gather_offload_async_start
scs
__scs_entry_jumppad:
0x0: {  	(pc) =	sbr.rel $0x88, $3  }
0x1: {  	(tag) =	ssettag $0x0;
	lr =	simm.s32 $0x1  }
0x2: {  	[smem:$0x3F91] =	sst lr;
	_ =	strace $0xD0000000  }
0x3: {  	_ = 	snop  }
0x4: {  	_ = 	snop  }
0x5: {  	_ = 	snop  }
0x6: {  	_ = 	snop  }
0x7: {  	_ = 	snop  }
__scs_overlays_trampoline_lowered:
0x8: {  	[smem:$0x3FA0] =	sst s0  }
0x9: {  	[smem:$0x3FA1] =	sst s1  }
0xa: {  	[smem:$0x3FA2] =	sst s2  }
0xb: {  	[smem:$0x3FA3] =	sst s3  }
0xc: {  	[smem:$0x3FA4] =	sst s4  }
0xd: {  	[smem:$0x3FA5] =	sst s5  }
0xe: {  	[smem:$0x3FA6] =	sst s6  }
0xf: {  	[smem:$0x3FA7] =	sst s7  }
0x10: {  	[smem:$0x3FA8] =	sst s8  }
0x11: {  	[smem:$0x3FA9] =	sst s9;
	s0 =	simm.s32 @!p0 $0x0  }
0x12: {  	s1 =	sld [smem:$0x3F8F];
	s0 =	simm.s32 @p0 $0x1  }
0x13: {  	[smem:$0x3FAA] =	sst s0;
	s0 =	simm.s32 @!p1 $0x0  }
0x14: {  	s2 =	sld [smem:$0x3F8E];
	s0 =	simm.s32 @p1 $0x1  }
0x15: {  	[smem:$0x3FAB] =	sst s0;
	s0 =	simm.s32 @!p2 $0x0  }
0x16: {  	s3 =	sld [smem:$0x3FDB];
	s0 =	simm.s32 @p2 $0x1  }
0x17: {  	s4 =	simm.s32 $0x1BF5;
	[smem:$0x3FAD] =	sst s0  }
0x18: {  	s0 =	sld [smem:$0x3F90];
	_ =	swait.ge [sflag:s4], $0x0  }
0x19: {  	s7 =	sld [smem:$0x3F91]  }
0x1a: {  	s8 =	sadd.s32 $0xFFFFE003, lr  }
0x1b: {  	s9 =	sadd.s32 $0xFFFFFEF7, lr;
	s5 =	simm.s32 $0xFFFFFFFF;
	p2 =	slt.u32 s8, $0xFFFFF086  }
0x1c: {  	p1 =	slt.u32 s9, $0xF7A;
	s5 =	simm.s32 @!p2 $0x0  }
0x1d: {  	s5 =	simm.s32 @p1 $0x1;
	p0 =	seq.s32 s7, s2  }
0x1e: {  	s7 =	smul.u32 @!p0 $0xF7A, s2;
	p2 =	seq.s32 @!p0 s5, $0x0  }
0x1f: {  	s9 =	smul.u32 $0xF7A, s1;
	s8 =	simm.s32 @!p0 $0x1BF5;
	p2 =	por !p2, p0  }
0x20: {  	[sflag:s8] =	ssyncset.s32 @!p0 $0xFFFFF086;
	s6 =	sadd.s32 @!p0 s3, s7;
	s7 =	simm.s32 @!p0 $0x108  }
0x21: {  	s3 =	sadd.s32 s3, s9;
	s6 =	sadd.s32 @!p0 $0x88, s6;
	s7 =	simm.s32 @p2 $0x1082  }
0x22: {  	[simem:s7], [sflag:s8] =	dma.local @!p0 [hbm:s6], $0xF7A  }
0x23: {  	s9 =	sor.u32 $0xD0000000, s2;
	s6 =	simm.s32 $0x108;
	_ =	swait.ge @!p0 [sflag:s8], $0x0  }
0x24: {  	s3 =	sadd.s32 $0x88, s3;
	s6 =	simm.s32 @!p1 $0x1082;
	[sflag:s4] =	ssyncset.s32 $0xFFFFF086  }
0x25: {  	[simem:s6], [sflag:s4] =	dma.local [hbm:s3], $0xF7A  }
0x26: {  	[smem:$0x3F91] =	sst s1;
	(tag) =	ssettag s2;
	_ =	strace s9  }
0x27: {  	s1 =	sld [smem:$0x3FA1]  }
0x28: {  	s2 =	sld [smem:$0x3FA2]  }
0x29: {  	s4 =	sld [smem:$0x3FA4]  }
0x2a: {  	p0 =	seq.s32 s5, $0x0;
	s5 =	sld [smem:$0x3FA5]  }
0x2b: {  	s6 =	sld [smem:$0x3FA6]  }
0x2c: {  	s7 =	sld [smem:$0x3FA7]  }
0x2d: {  	s3 =	simm.s32 $0x108;
	s8 =	sld [smem:$0x3FA8]  }
0x2e: {  	s3 =	simm.s32 @!p0 $0x1082;
	s9 =	sld [smem:$0x3FA9]  }
0x2f: {  	lr =	sadd.s32 s0, s3;
	s0 =	sld [smem:$0x3FA0]  }
0x30: {  	s3 =	sld [smem:$0x3FA3]  }
0x31: {  	[smem:$0x3FAC] =	sst s10  }
0x32: {  	s10 =	sld [smem:$0x3FAA];
	_ =	sdelay $0x3  }
0x33: {  	p0 =	seq.s32 s10, $0x1;
	s10 =	sld [smem:$0x3FAC];
	_ =	sdelay $0x3  }
0x34: {  	[smem:$0x3FAC] =	sst s10  }
0x35: {  	s10 =	sld [smem:$0x3FAB];
	_ =	sdelay $0x3  }
0x36: {  	p1 =	seq.s32 s10, $0x1;
	s10 =	sld [smem:$0x3FAC];
	_ =	sdelay $0x3  }
0x37: {  	[smem:$0x3FAC] =	sst s10  }
0x38: {  	s10 =	sld [smem:$0x3FAD]  }
0x39: {  	_ = 	snop;
	(pc) =	sbr.ind lr, $3  }
0x3a: {  	_ = 	snop  }
0x3b: {  	_ = 	snop  }
0x3c: {  	p2 =	seq.s32 s10, $0x1;
	s10 =	sld [smem:$0x3FAC]  }
0x3d: {  	_ =	shalt  }
0x3e: {  	_ =	shalt  }
0x3f: {  	_ =	shalt  }
0x40: {  	_ =	shalt  }
0x41: {  	_ =	shalt  }
0x42: {  	_ =	shalt  }
0x43: {  	_ =	shalt  }
0x44: {  	_ =	shalt  }
0x45: {  	_ =	shalt  }
0x46: {  	_ =	shalt  }
0x47: {  	_ =	shalt  }
0x48: {  	_ =	shalt  }
0x49: {  	_ =	shalt  }
0x4a: {  	_ =	shalt  }
0x4b: {  	_ =	shalt  }
0x4c: {  	_ =	shalt  }
0x4d: {  	_ =	shalt  }
0x4e: {  	_ =	shalt  }
0x4f: {  	_ =	shalt  }
0x50: {  	_ =	shalt  }
0x51: {  	_ =	shalt  }
0x52: {  	_ =	shalt  }
0x53: {  	_ =	shalt  }
0x54: {  	_ =	shalt  }
0x55: {  	_ =	shalt  }
0x56: {  	_ =	shalt  }
0x57: {  	_ =	shalt  }
0x58: {  	_ =	shalt  }
0x59: {  	_ =	shalt  }
0x5a: {  	_ =	shalt  }
0x5b: {  	_ =	shalt  }
0x5c: {  	_ =	shalt  }
0x5d: {  	_ =	shalt  }
0x5e: {  	_ =	shalt  }
0x5f: {  	_ =	shalt  }
0x60: {  	_ =	shalt  }
0x61: {  	_ =	shalt  }
0x62: {  	_ =	shalt  }
0x63: {  	_ =	shalt  }
0x64: {  	_ =	shalt  }
0x65: {  	_ =	shalt  }
0x66: {  	_ =	shalt  }
0x67: {  	_ =	shalt  }
0x68: {  	_ =	shalt  }
0x69: {  	_ =	shalt  }
0x6a: {  	_ =	shalt  }
0x6b: {  	_ =	shalt  }
0x6c: {  	_ =	shalt  }
0x6d: {  	_ =	shalt  }
0x6e: {  	_ =	shalt  }
0x6f: {  	_ =	shalt  }
0x70: {  	_ =	shalt  }
0x71: {  	_ =	shalt  }
0x72: {  	_ =	shalt  }
0x73: {  	_ =	shalt  }
0x74: {  	_ =	shalt  }
0x75: {  	_ =	shalt  }
0x76: {  	_ =	shalt  }
0x77: {  	_ =	shalt  }
0x78: {  	_ =	shalt  }
0x79: {  	_ =	shalt  }
0x7a: {  	_ =	shalt  }
0x7b: {  	_ =	shalt  }
0x7c: {  	_ =	shalt  }
0x7d: {  	_ =	shalt  }
0x7e: {  	_ =	shalt  }
0x7f: {  	_ =	shalt  }
0x80: {  	_ =	shalt  }
0x81: {  	_ =	shalt  }
0x82: {  	_ =	shalt  }
0x83: {  	_ =	shalt  }
0x84: {  	_ =	shalt  }
0x85: {  	_ =	shalt  }
0x86: {  	_ =	shalt  }
0x87: {  	_ =	shalt  }
.Lfunc_end0:
.L_simem_size_0:
called_computation.3_lowered:
.L_overlay_start_0:
0x88: {  	s2 =	sld [smem:$0x3FD9]  }
0x89: {  	s3 =	sld [smem:$0x3FFE];
	_ =	sdelay $0x1  }
0x8a: {  	s1 =	srdreg.scid  }
0x8b: {  	s0 =	sand.u32 $0x1, s1  }
0x8c: {  	s14 =	sshll.u32 s0, $0xA;
	s2 =	sadd.s32 s3, s2  }
0x8d: {  	s2 =	sadd.s32 s2, s14  }
0x8e: {  	[smem:$0x3FB8] =	sst s2  }
0x8f: {  	_ = 	snop  }
0x90: {  	s2 =	sld [smem:$0x3FD0];
	_ =	sdelay $0x2  }
0x91: {  	s15 =	simm.s32 $0xB;
	s4 =	simm.s32 $0x10  }
0x92: {  	[smem:s4], [sflag:s15] =	dma.local [hbm:s2], $0x1  }
0x93: {  	_ =	swait.eq [sflag:s15], $0x1  }
0x94: {  	[sflag:s15] =	ssyncset.done $0x0  }
0x95: {  	s16 =	sld [smem:$0x10];
	[sflag:s15] =	ssyncadd.s32 $0xFFFFFFFF  }
0x96: {  	s17 =	sld [smem:$0x11];
	(tm) =	ssettm $0x1  }
0x97: {  	s18 =	sld [smem:$0x3FFB];
	_ =	sdelay $0x3  }
0x98: {  	_ =	strace s18  }
0x99: {  	s4 =	sld [smem:$0x3FFC];
	_ =	sdelay $0x3  }
0x9a: {  	_ =	strace s4  }
0x9b: {  	s4 =	sld [smem:$0x3FFD];
	_ =	sdelay $0x3  }
0x9c: {  	_ =	strace s4  }
0x9d: {  	_ =	strace $0x8FFFFFFF  }
0x9e: {  	s19 =	sld [smem:$0x3FDB];
	_ =	sdelay $0x1  }
0x9f: {  	s5 =	simm.s32 $_scs_section_size  }
0xa0: {  	s6 =	simm.s32 $_size__tile_overlayer_lowered;
	s7 =	simm.s32 $_tile_overlayer_lowered  }
0xa1: {  	s22 =	simm.s32 $0x1BFF;
	s21 =	sshll.u32 s7, $0x1;
	s4 =	sadd.s32 s5, s19  }
0xa2: {  	s8 =	simm.s32 $0x0;
	s20 =	sshll.u32 s6, $0x1;
	s6 =	sadd.s32 s21, s4  }
0xa3: {  	[timem:s8], [sflag:s22] =	dma.local [hbm:s6], s20  }
0xa4: {  	_ =	swait.ge [sflag:s22], s20  }
0xa5: {  	s5 =	ssub.s32 $0x0, s20;
	[sflag:s22] =	ssyncset.done $0x0  }
0xa6: {  	[sflag:s22] =	ssyncadd.s32 s5;
	_ =	sdelay $0x1  }
0xa7: {  	s23 =	simm.s32 $0x1B8B  }
0xa8: {  	_ =	swait.ge [sflag:s23], $0x1  }
0xa9: {  	[sflag:s23] =	ssyncset.done $0x0  }
0xaa: {  	s25 =	simm.s32 $0x1B8E;
	s24 =	sld [smem:$0x3FFE];
	[sflag:s23] =	ssyncadd.s32 $0xFFFFFFFF  }
0xab: {  	s26 =	simm.s32 $execute0_lowered;
	[smem:$0x3FD2] =	sst s25  }
0xac: {  	s6 =	sshll.u32 s26, $0x1;
	_ =	strace $0x8000004C;
	[dreg:$0x1] =	wrdreg $0xFFFFFFFF  }
0xad: {  	s28 =	simm.s32 $_size_execute0_lowered;
	s4 =	sadd.s32 s4, s6;
	[dreg:$0x0] =	wrdreg $0x0  }
0xae: {  	s6 =	sshll.u32 s28, $0x1;
	[dreg:$0x2] =	wrdreg s4  }
0xaf: {  	[dreg:$0x3] =	wrdreg s6  }
0xb0: {  	[dreg:$0x4] =	wrdreg $0xC0  }
0xb1: {  	_ =	task [dreg:s8], $0x5FFFF  }
0xb2: {  	[dreg:$0x1] =	wrdreg $0xFFFFFFFF  }
0xb3: {  	[dreg:$0x0] =	wrdreg $0x60  }
0xb4: {  	[dreg:$0x2] =	wrdreg s24  }
0xb5: {  	[dreg:$0x3] =	wrdreg s16  }
0xb6: {  	[dreg:$0x4] =	wrdreg s17  }
0xb7: {  	[dreg:$0x5] =	wrdreg $0x9  }
0xb8: {  	_ =	task.clear_ibuf [dreg:s8], $0x6FFFF;
	_ =	strace $0x9000004C  }
0xb9: {  	s29 =	simm.s32 $0x9;
	_ =	strace $0x8000004E  }
0xba: {  	_ =	swait.ge [sflag:s29], $0x1  }
0xbb: {  	[sflag:s29] =	ssyncadd.s32 $0xFFFFFFFF  }
0xbc: {  	_ =	strace $0x9000004E  }
0xbd: {  	_ =	sfence  }
0xbe: {  	s30 =	sld [smem:$0x0];
	_ =	sdelay $0x2  }
0xbf: {  	s31 =	sshll.u32 s1, $0xD;
	s1 =	sshrl.u32 s1, $0x2  }
0xc0: {  	s3 =	sand.u32 $0x4000, s31;
	s1 =	sadd.s32 s1, s30  }
0xc1: {  	s0 =	sor.u32 s3, s0;
	s1 =	sshll.u32 s1, $0x11  }
0xc2: {  	s0 =	sor.u32 s1, s0  }
0xc3: {  	s0 =	sadd.s32 $0x8F2B, s0  }
0xc4: {  	[sflag:s0] =	ssyncadd.remote.s32 $0x1  }
0xc5: {  	_ =	sfence.sel $0xFFFF  }
0xc6: {  	[dreg:$0x0] =	wrdreg $0xFFFFFFFF;
	(pc) =	sbr.abs _section_cstart, $3  }
0xc7: {  	[dreg:$0x1] =	wrdreg $0xFFFFFFFF  }
0xc8: {  	_ =	task.clear_ibuf [dreg:s8], $0x2FFFF;
	_ =	strace $0x9FFFFFFF  }
0xc9: {  	(tm) =	ssettm $0x7FFFFFFF  }
tec
execute0_lowered:
.L_overlay_start_1:
0x0: {  	(tag) =	ssettag $0x1  }
0x1: {  	s5 =	rddreg [dreg:$0x0]  }
0x2: {  	s1 =	srdreg.scid;
	s2 =	rddreg [dreg:$0x1]  }
0x3: {  	s0 =	stileid.u32;
	s3 =	rddreg [dreg:$0x2]  }
0x4: {  	s9 =	simm.s32 $0x1;
	s10 =	simm.s32 $0x3;
	s1 =	sshll.u32 s1, $0xB  }
0x5: {  	s13 =	simm.s32 $0x0;
	s4 =	sshll.u32 s0, $0xC;
	s6 =	sand.u32 $0x800, s1  }
0x6: {  	s12 =	simm.s32 $0x0;
	s5 =	sadd.s32 $0x1223400, s5;
	s4 =	sor.u32 s4, s6  }
0x7: {  	s1 =	rddreg [dreg:$0x3];
	_ =	strace $0x8000004D;
	s8 =	ssub.s32 $0x20000, s4  }
.Ltmp0:
0x8: {  	s6 =	simm.s32 $0x1;
	s7 =	sand.u32 $0xF800, s8;
	(pc) =	sbr.rel .LBB2_1-.Ltmp0, $4  }
0x9: {  	[sflag:s6] =	ssyncpa.u1 $0x0;
	s11 =	smov.u32 s4;
	p0 =	sne.s32 s7, $0x0  }
0xa: {  	s8 =	sshrl.u32 s8, $0x10;
	s7 =	simm.s32 $0x2;
	s9 =	simm.s32 @!p0 $0x0  }
0xb: {  	[sflag:s7] =	ssyncpa.u1 $0x0;
	p0 =	por $0x0, $0x0;
	s8 =	sadd.s32 s9, s8  }
0xc: {  	vm0 =	vmmov $0xffff;
	v0 =	vimm.s32 $0x0;
	[sflag:s10] =	ssyncpa.u1 $0x0;
	s10 =	simm.s32 $0x0;
	s9 =	sadd.s32 $0x1, s8  }
.LBB2_4:
0xd: {  	v6 =	vshll.u32 v2, $0x7  }
0xe: {  	vm1 =	veq.s32 v2, $0x80000000;
	v2 =	vand.u32 $0xFFFF80, v6  }
0xf: {  	v2 =	vsel vm1, $0xFFFFFF80, v2  }
0x10: {  	v4 =	vor.u32 v5, v4;
	v61 =	vsel vm1, $0xFFFFFC00, v0;
	v60 =	vand.u32 $0xFFFFFC00, v2  }
0x11: {  	v3 =	vor.u32 v3, v4;
	v2 =	vand.u32 $0x380, v2;
	v62 =	vadd.s32 v61, v60  }
0x12: {  	v63 =	vsel vm1, $0x7F, v0;
	v2 =	vor.u32 v2, v62  }
0x13: {  	v2 =	vor.u32 v63, v2  }
0x14: {  	[tilespmem:s15], [sflag:$0x1] =	stream.indirect_vreg.gather [hbm4b:s5+s10], $0x1, v1, vm0, $0x4038;
	[tilespmem:$0x2000] =	vst v63  }
0x15: {  	(ifvalue) =	ssetifvalue $0x7FFFFFFF  }
0x16: {  	[tilespmem:s16], [sflag:$0x1] =	stream.indirect_vreg.gather [hbm4b:s5+s10], $0x1, v3, vm0, $0x4038;
	[tilespmem:$0x2000] =	vst v63  }
0x17: {  	s29 =	sadd.s32 $0x10, s16;
	(ifvalue) =	ssetifvalue $0x7FFFFFFF  }
0x18: {  	[tilespmem:s29], [sflag:$0x1] =	stream.indirect_vreg.gather [hbm4b:s5+s10], $0x1, v2, vm0, $0x4038;
	[tilespmem:$0x2000] =	vst v63  }
0x19: {  	_ =	swait.ge [sflag:s6], $0x800  }
0x1a: {  	s30 =	sshrl.u32 s13, $0x3;
	[sflag:s6] =	ssyncset.done $0x0  }
0x1b: {  	s31 =	sand.u32 $0x7, s13;
	s15 =	sadd.s32 s3, s30;
	[sflag:s6] =	ssyncadd.s32 $0xFFFFF800  }
0x1c: {  	[hbm4b:s15+s31] =	stream.linear.scatter [tilespmem:s14], [sflag:$0x3], $0x800, $0x38;
	[tilespmem:$0x2000] =	vst v63  }
.LBB2_5:
0x1d: {  	s15 =	sadd.s32 $0x10000, s11  }
0x1e: {  	p2 =	sgt.s32 s15, $0x1FFFF  }
0x1f: {  	s15 =	smov.u32 @p2 s4;
	p2 =	sne.s32 s12, s9  }
.Ltmp1:
0x20: {  	p1 =	slt.u32 s12, $0x2;
	(pc) =	sbr.rel @!p2 .LBB2_6-.Ltmp1, $4  }
0x21: {  	s14 =	simm.s32 @!p1 $0x3  }
0x22: {  	s16 =	sadd.s32 $0x1, s12;
	_ =	swait.ge @!p1 [sflag:s14], $0x800  }
0x23: {  	s13 =	smov.u32 s11;
	p0 =	por !p0, !p0;
	[sflag:s14] =	ssyncset.done @!p1 $0x0  }
0x24: {  	s12 =	smov.u32 s16;
	s11 =	smov.u32 s15;
	[sflag:s14] =	ssyncadd.s32 @!p1 $0xFFFFF800  }
.LBB2_1:
0x25: {  	p1 =	sge.u32 s12, s8  }
0x26: {  	s14 =	sxor.u32 @!p1 $0xFFFFFFFF, s12  }
0x27: {  	s31 =	sadd.s32 $0xFFFFFFFF, s12;
	s15 =	sshrl.u32 @!p1 s11, $0x3;
	s14 =	sshll.u32 @!p1 s14, $0xB  }
0x28: {  	s16 =	sand.u32 @!p1 $0x7, s11;
	s15 =	sadd.s32 @!p1 s2, s15;
	s14 =	sand.u32 @!p1 $0x800, s14  }
0x29: {  	[tilespmem:s14], [sflag:$0x2] =	stream.linear.gather @!p1 [hbm4b:s15+s16], $0x800, $0x38;
	[tilespmem:$0x2000] =	vst v63  }
0x2a: {  	p1 =	sge.u32 s31, s8  }
.Ltmp2:
0x2b: {  	_ = 	snop;
	(pc) =	sbr.rel @p1 .LBB2_5-.Ltmp2, $1  }
0x2c: {  	_ =	sdelay $0x3  }
0x2d: {  	s14 =	simm.s32 $0x1  }
0x2e: {  	_ =	swait.ge [sflag:s7], $0x800;
	s14 =	simm.s32 @!p0 $0x0  }
0x2f: {  	[sflag:s7] =	ssyncset.done $0x0;
	s14 =	sshll.u32 s14, $0xB  }
0x30: {  	[sflag:s7] =	ssyncadd.s32 $0xFFFFF800;
	(ifvalue) =	ssetifvalue $0x7FFFFFFF;
	v1 =	vld.msk [tilespmem:s14+$0x0 ss:$0x1], $0xffff;
	_ =	sdelay $0x1  }
0x31: {  	s15 =	sadd.s32 $0x10, s14  }
0x32: {  	v2 =	vld.msk [tilespmem:s15+$0x0 ss:$0x1], $0xffff;
	_ =	sdelay $0x1  }
0x33: {  	v3 =	vshll.u32 v1, $0x7  }
0x34: {  	vm1 =	veq.s32 v1, $0x80000000;
	v1 =	vand.u32 $0xFFFF80, v3  }
0x35: {  	v1 =	vsel vm1, $0xFFFFFF80, v1  }
0x36: {  	v4 =	vsel vm1, $0xFFFFFC00, v0;
	vm2 =	veq.s32 v2, $0x80000000;
	v3 =	vand.u32 $0xFFFFFC00, v1  }
0x37: {  	v1 =	vand.u32 $0x380, v1;
	v3 =	vadd.s32 v4, v3;
	v4 =	vshll.u32 v2, $0x7  }
0x38: {  	v2 =	vand.u32 $0xFFFF80, v4;
	v4 =	vsel vm1, $0x7F, v0;
	v1 =	vor.u32 v1, v3  }
0x39: {  	v1 =	vor.u32 v4, v1  }
0x3a: {  	s16 =	sshll.u32 s12, $0xB  }
0x3b: {  	s16 =	sand.u32 $0x800, s16;
	s18 =	sadd.s32 $0x10, s15;
	v5 =	vsel vm2, $0xFFFFFF80, v2  }
0x3c: {  	s17 =	simm.s32 $0x20;
	s15 =	sor.u32 $0x1000, s14;
	s14 =	sor.u32 $0x1000, s16;
	v6 =	vsel vm2, $0xFFFFFC00, v0;
	v2 =	vld.msk [tilespmem:s18+$0x0 ss:$0x1], $0xffff;
	v4 =	vand.u32 $0xFFFFFC00, v5  }
0x3d: {  	s16 =	sadd.s32 $0x10, s15;
	v3 =	vsel vm2, $0x7F, v0;
	s18 =	sadd.s32 $0x10, s18;
	(ifvalue) =	ssetifvalue $0x7FFFFFFF;
	v5 =	vand.u32 $0x380, v5;
	v4 =	vadd.s32 v6, v4  }
.LBB2_3:
0x3e: {  	[tilespmem:s15], [sflag:$0x1] =	stream.indirect_vreg.gather [hbm4b:s5+s10], $0x1, v1, vm0, $0x4038;
	[tilespmem:$0x2000] =	vst v63  }
0x3f: {  	s17 =	sadd.s32 $0x10, s17  }
0x40: {  	v4 =	vor.u32 v5, v4;
	p1 =	slt.u32 s17, $0x7F0  }
.Ltmp3:
0x41: {  	v5 =	vshll.u32 v2, $0x7;
	s15 =	smov.u32 s16;
	v1 =	vor.u32 v3, v4;
	v3 =	vmov v2;
	v2 =	vld.msk [tilespmem:s18+$0x0 ss:$0x1], $0xffff;
	(pc) =	sbr.rel @p1 .LBB2_3-.Ltmp3, $4  }
0x42: {  	v4 =	vand.u32 $0xFFFF80, v5;
	vm1 =	veq.s32 v3, $0x80000000  }
0x43: {  	v3 =	vsel vm1, $0x7F, v0;
	v5 =	vsel vm1, $0xFFFFFF80, v4  }
0x44: {  	v6 =	vsel vm1, $0xFFFFFC00, v0;
	v4 =	vand.u32 $0xFFFFFC00, v5  }
0x45: {  	s16 =	sadd.s32 $0x10, s16;
	s18 =	sadd.s32 $0x10, s18;
	v5 =	vand.u32 $0x380, v5;
	v4 =	vadd.s32 v6, v4;
	(ifvalue) =	ssetifvalue $0x7FFFFFFF  }
.Ltmp4:
0x46: {  	_ = 	snop;
	(pc) =	sbr.rel .LBB2_4-.Ltmp4, $1  }
0x47: {  	_ =	sdelay $0x3  }
.LBB2_6:
0x48: {  	_ =	sfence.sel $0x180000  }
0x49: {  	s2 =	simm.s32 $0x2;
	[bflag:$0x0] =	sbarrier.arrive $0xFFFF  }
0x4a: {  	s30 =	simm.s32 $0x3;
	[sflag:s2] =	ssyncpa.u1 $0x1  }
0x4b: {  	s31 =	simm.s32 $0x1;
	[sflag:s30] =	ssyncpa.u1 $0x1  }
0x4c: {  	[sflag:s31] =	ssyncpa.u1 $0x1  }
0x4d: {  	p0 =	sne.s32 s0, $0x0;
	_ =	strace $0x9000004D  }
0x4e: {  	s0 =	sadd.s32 @!p0 $0x100000, s1;
	[bflag:$0x2] =	sbarrier.arrive $0xFFFF  }
0x4f: {  	[sflag:s0] =	ssyncadd.tile.s32 @!p0 $0x1;
	_ =	shalt  }
.Lfunc_end2:
_tile_overlayer_lowered:
.L_overlay_start_2:
0x50: {  	(tag) =	ssettag $0x2  }
0x51: {  	s0 =	rddreg [dreg:$0x0];
	s2 =	stileid.u32  }
0x52: {  	s1 =	rddreg [dreg:$0x1];
	p0 =	sne.s32 s2, $0x0  }
0x53: {  	s3 =	rddreg [dreg:$0x2];
	[bflag:$0x3] =	sbarrier.arrive $0xFFFF;
	s2 =	simm.s32 @!p0 $0x1C01  }
0x54: {  	[timem:s3], [sflag:s2] =	dma.local @!p0 [hbm:s0], s1  }
0x55: {  	s0 =	simm.s32 @!p0 $0x1  }
0x56: {  	_ =	swait.ge @!p0 [sflag:s0], s1  }
0x57: {  	s1 =	ssub.s32 @!p0 $0x0, s1;
	[sflag:s0] =	ssyncset.done @!p0 $0x0  }
0x58: {  	[sflag:s0] =	ssyncadd.s32 @!p0 s1  }
0x59: {  	[bflag:$0x3] =	sbarrier.arrive $0xFFFF  }
0x5a: {  	_ =	shalt  }

// kernel: scatter_offload_async_start.1
scs
__scs_entry_jumppad:
0x0: {  	(pc) =	sbr.rel $0x88, $3  }
0x1: {  	(tag) =	ssettag $0x0;
	lr =	simm.s32 $0x1  }
0x2: {  	[smem:$0x3F91] =	sst lr;
	_ =	strace $0xD0000000  }
0x3: {  	_ = 	snop  }
0x4: {  	_ = 	snop  }
0x5: {  	_ = 	snop  }
0x6: {  	_ = 	snop  }
0x7: {  	_ = 	snop  }
__scs_overlays_trampoline_lowered:
0x8: {  	[smem:$0x3FA0] =	sst s0  }
0x9: {  	[smem:$0x3FA1] =	sst s1  }
0xa: {  	[smem:$0x3FA2] =	sst s2  }
0xb: {  	[smem:$0x3FA3] =	sst s3  }
0xc: {  	[smem:$0x3FA4] =	sst s4  }
0xd: {  	[smem:$0x3FA5] =	sst s5  }
0xe: {  	[smem:$0x3FA6] =	sst s6  }
0xf: {  	[smem:$0x3FA7] =	sst s7  }
0x10: {  	[smem:$0x3FA8] =	sst s8  }
0x11: {  	[smem:$0x3FA9] =	sst s9;
	s0 =	simm.s32 @!p0 $0x0  }
0x12: {  	s1 =	sld [smem:$0x3F8F];
	s0 =	simm.s32 @p0 $0x1  }
0x13: {  	[smem:$0x3FAA] =	sst s0;
	s0 =	simm.s32 @!p1 $0x0  }
0x14: {  	s2 =	sld [smem:$0x3F8E];
	s0 =	simm.s32 @p1 $0x1  }
0x15: {  	[smem:$0x3FAB] =	sst s0;
	s0 =	simm.s32 @!p2 $0x0  }
0x16: {  	s3 =	sld [smem:$0x3FDB];
	s0 =	simm.s32 @p2 $0x1  }
0x17: {  	s4 =	simm.s32 $0x1BF5;
	[smem:$0x3FAD] =	sst s0  }
0x18: {  	s0 =	sld [smem:$0x3F90];
	_ =	swait.ge [sflag:s4], $0x0  }
0x19: {  	s7 =	sld [smem:$0x3F91]  }
0x1a: {  	s8 =	sadd.s32 $0xFFFFE003, lr  }
0x1b: {  	s9 =	sadd.s32 $0xFFFFFEF7, lr;
	s5 =	simm.s32 $0xFFFFFFFF;
	p2 =	slt.u32 s8, $0xFFFFF086  }
0x1c: {  	p1 =	slt.u32 s9, $0xF7A;
	s5 =	simm.s32 @!p2 $0x0  }
0x1d: {  	s5 =	simm.s32 @p1 $0x1;
	p0 =	seq.s32 s7, s2  }
0x1e: {  	s7 =	smul.u32 @!p0 $0xF7A, s2;
	p2 =	seq.s32 @!p0 s5, $0x0  }
0x1f: {  	s9 =	smul.u32 $0xF7A, s1;
	s8 =	simm.s32 @!p0 $0x1BF5;
	p2 =	por !p2, p0  }
0x20: {  	[sflag:s8] =	ssyncset.s32 @!p0 $0xFFFFF086;
	s6 =	sadd.s32 @!p0 s3, s7;
	s7 =	simm.s32 @!p0 $0x108  }
0x21: {  	s3 =	sadd.s32 s3, s9;
	s6 =	sadd.s32 @!p0 $0x88, s6;
	s7 =	simm.s32 @p2 $0x1082  }
0x22: {  	[simem:s7], [sflag:s8] =	dma.local @!p0 [hbm:s6], $0xF7A  }
0x23: {  	s9 =	sor.u32 $0xD0000000, s2;
	s6 =	simm.s32 $0x108;
	_ =	swait.ge @!p0 [sflag:s8], $0x0  }
0x24: {  	s3 =	sadd.s32 $0x88, s3;
	s6 =	simm.s32 @!p1 $0x1082;
	[sflag:s4] =	ssyncset.s32 $0xFFFFF086  }
0x25: {  	[simem:s6], [sflag:s4] =	dma.local [hbm:s3], $0xF7A  }
0x26: {  	[smem:$0x3F91] =	sst s1;
	(tag) =	ssettag s2;
	_ =	strace s9  }
0x27: {  	s1 =	sld [smem:$0x3FA1]  }
0x28: {  	s2 =	sld [smem:$0x3FA2]  }
0x29: {  	s4 =	sld [smem:$0x3FA4]  }
0x2a: {  	p0 =	seq.s32 s5, $0x0;
	s5 =	sld [smem:$0x3FA5]  }
0x2b: {  	s6 =	sld [smem:$0x3FA6]  }
0x2c: {  	s7 =	sld [smem:$0x3FA7]  }
0x2d: {  	s3 =	simm.s32 $0x108;
	s8 =	sld [smem:$0x3FA8]  }
0x2e: {  	s3 =	simm.s32 @!p0 $0x1082;
	s9 =	sld [smem:$0x3FA9]  }
0x2f: {  	lr =	sadd.s32 s0, s3;
	s0 =	sld [smem:$0x3FA0]  }
0x30: {  	s3 =	sld [smem:$0x3FA3]  }
0x31: {  	[smem:$0x3FAC] =	sst s10  }
0x32: {  	s10 =	sld [smem:$0x3FAA];
	_ =	sdelay $0x3  }
0x33: {  	p0 =	seq.s32 s10, $0x1;
	s10 =	sld [smem:$0x3FAC];
	_ =	sdelay $0x3  }
0x34: {  	[smem:$0x3FAC] =	sst s10  }
0x35: {  	s10 =	sld [smem:$0x3FAB];
	_ =	sdelay $0x3  }
0x36: {  	p1 =	seq.s32 s10, $0x1;
	s10 =	sld [smem:$0x3FAC];
	_ =	sdelay $0x3  }
0x37: {  	[smem:$0x3FAC] =	sst s10  }
0x38: {  	s10 =	sld [smem:$0x3FAD]  }
0x39: {  	_ = 	snop;
	(pc) =	sbr.ind lr, $3  }
0x3a: {  	_ = 	snop  }
0x3b: {  	_ = 	snop  }
0x3c: {  	p2 =	seq.s32 s10, $0x1;
	s10 =	sld [smem:$0x3FAC]  }
0x3d: {  	_ =	shalt  }
0x3e: {  	_ =	shalt  }
0x3f: {  	_ =	shalt  }
0x40: {  	_ =	shalt  }
0x41: {  	_ =	shalt  }
0x42: {  	_ =	shalt  }
0x43: {  	_ =	shalt  }
0x44: {  	_ =	shalt  }
0x45: {  	_ =	shalt  }
0x46: {  	_ =	shalt  }
0x47: {  	_ =	shalt  }
0x48: {  	_ =	shalt  }
0x49: {  	_ =	shalt  }
0x4a: {  	_ =	shalt  }
0x4b: {  	_ =	shalt  }
0x4c: {  	_ =	shalt  }
0x4d: {  	_ =	shalt  }
0x4e: {  	_ =	shalt  }
0x4f: {  	_ =	shalt  }
0x50: {  	_ =	shalt  }
0x51: {  	_ =	shalt  }
0x52: {  	_ =	shalt  }
0x53: {  	_ =	shalt  }
0x54: {  	_ =	shalt  }
0x55: {  	_ =	shalt  }
0x56: {  	_ =	shalt  }
0x57: {  	_ =	shalt  }
0x58: {  	_ =	shalt  }
0x59: {  	_ =	shalt  }
0x5a: {  	_ =	shalt  }
0x5b: {  	_ =	shalt  }
0x5c: {  	_ =	shalt  }
0x5d: {  	_ =	shalt  }
0x5e: {  	_ =	shalt  }
0x5f: {  	_ =	shalt  }
0x60: {  	_ =	shalt  }
0x61: {  	_ =	shalt  }
0x62: {  	_ =	shalt  }
0x63: {  	_ =	shalt  }
0x64: {  	_ =	shalt  }
0x65: {  	_ =	shalt  }
0x66: {  	_ =	shalt  }
0x67: {  	_ =	shalt  }
0x68: {  	_ =	shalt  }
0x69: {  	_ =	shalt  }
0x6a: {  	_ =	shalt  }
0x6b: {  	_ =	shalt  }
0x6c: {  	_ =	shalt  }
0x6d: {  	_ =	shalt  }
0x6e: {  	_ =	shalt  }
0x6f: {  	_ =	shalt  }
0x70: {  	_ =	shalt  }
0x71: {  	_ =	shalt  }
0x72: {  	_ =	shalt  }
0x73: {  	_ =	shalt  }
0x74: {  	_ =	shalt  }
0x75: {  	_ =	shalt  }
0x76: {  	_ =	shalt  }
0x77: {  	_ =	shalt  }
0x78: {  	_ =	shalt  }
0x79: {  	_ =	shalt  }
0x7a: {  	_ =	shalt  }
0x7b: {  	_ =	shalt  }
0x7c: {  	_ =	shalt  }
0x7d: {  	_ =	shalt  }
0x7e: {  	_ =	shalt  }
0x7f: {  	_ =	shalt  }
0x80: {  	_ =	shalt  }
0x81: {  	_ =	shalt  }
0x82: {  	_ =	shalt  }
0x83: {  	_ =	shalt  }
0x84: {  	_ =	shalt  }
0x85: {  	_ =	shalt  }
0x86: {  	_ =	shalt  }
0x87: {  	_ =	shalt  }
.Lfunc_end0:
.L_simem_size_0:
called_computation.1_lowered:
.L_overlay_start_0:
0x88: {  	s0 =	sld [smem:$0x3FD9]  }
0x89: {  	s1 =	sld [smem:$0x3FFE];
	_ =	sdelay $0x3  }
0x8a: {  	s0 =	sadd.s32 s1, s0  }
0x8b: {  	[smem:$0x3FB8] =	sst s0  }
0x8c: {  	_ = 	snop  }
0x8d: {  	s0 =	sld [smem:$0x3FD0];
	_ =	sdelay $0x2  }
0x8e: {  	s12 =	simm.s32 $0xB;
	s2 =	simm.s32 $0x10  }
0x8f: {  	[smem:s2], [sflag:s12] =	dma.local [hbm:s0], $0x1  }
0x90: {  	_ =	swait.eq [sflag:s12], $0x1  }
0x91: {  	[sflag:s12] =	ssyncset.done $0x0  }
0x92: {  	[sflag:s12] =	ssyncadd.s32 $0xFFFFFFFF  }
0x93: {  	s13 =	sld [smem:$0x11];
	(tm) =	ssettm $0x1  }
0x94: {  	s14 =	sld [smem:$0x3FFB];
	_ =	sdelay $0x3  }
0x95: {  	_ =	strace s14  }
0x96: {  	s0 =	sld [smem:$0x3FFC];
	_ =	sdelay $0x3  }
0x97: {  	_ =	strace s0  }
0x98: {  	s0 =	sld [smem:$0x3FFD];
	_ =	sdelay $0x3  }
0x99: {  	_ =	strace s0  }
0x9a: {  	_ =	strace $0x8FFFFFFF  }
0x9b: {  	s15 =	sld [smem:$0x3FDB];
	_ =	sdelay $0x1  }
0x9c: {  	s16 =	simm.s32 $_scs_section_size  }
0x9d: {  	s3 =	simm.s32 $_size__tile_overlayer_lowered;
	s4 =	simm.s32 $_tile_overlayer_lowered  }
0x9e: {  	s5 =	simm.s32 $0x1BFF;
	s17 =	sshll.u32 s4, $0x1;
	s2 =	sadd.s32 s16, s15  }
0x9f: {  	s18 =	simm.s32 $0x0;
	s3 =	sshll.u32 s3, $0x1;
	s4 =	sadd.s32 s17, s2  }
0xa0: {  	[timem:s18], [sflag:s5] =	dma.local [hbm:s4], s3  }
0xa1: {  	_ =	swait.ge [sflag:s5], s3  }
0xa2: {  	s3 =	ssub.s32 $0x0, s3;
	[sflag:s5] =	ssyncset.done $0x0  }
0xa3: {  	[sflag:s5] =	ssyncadd.s32 s3;
	_ =	sdelay $0x1  }
0xa4: {  	s19 =	simm.s32 $0x1B8B  }
0xa5: {  	_ =	swait.ge [sflag:s19], $0x1  }
0xa6: {  	[sflag:s19] =	ssyncset.done $0x0  }
0xa7: {  	s21 =	simm.s32 $0x1B8E;
	s20 =	sld [smem:$0x3FFE];
	[sflag:s19] =	ssyncadd.s32 $0xFFFFFFFF  }
0xa8: {  	s22 =	simm.s32 $execute0_lowered;
	[smem:$0x3FD2] =	sst s21  }
0xa9: {  	s4 =	sshll.u32 s22, $0x1;
	_ =	strace $0x8000004F;
	[dreg:$0x1] =	wrdreg $0xFFFFFFFF  }
0xaa: {  	s23 =	simm.s32 $_size_execute0_lowered;
	s4 =	sadd.s32 s2, s4;
	[dreg:$0x0] =	wrdreg $0x0  }
0xab: {  	s5 =	sshll.u32 s23, $0x1;
	[dreg:$0x2] =	wrdreg s4  }
0xac: {  	[dreg:$0x3] =	wrdreg s5  }
0xad: {  	[dreg:$0x4] =	wrdreg $0xC0  }
0xae: {  	s24 =	simm.s32 $execute1_lowered;
	_ =	task [dreg:s18], $0x5FFFF  }
0xaf: {  	s4 =	sshll.u32 s24, $0x1;
	[dreg:$0x1] =	wrdreg $0xFFFFFFFF  }
0xb0: {  	s2 =	sadd.s32 s2, s4;
	[dreg:$0x0] =	wrdreg $0x60  }
0xb1: {  	[dreg:$0x2] =	wrdreg s2  }
0xb2: {  	[dreg:$0x3] =	wrdreg s20  }
0xb3: {  	[dreg:$0x4] =	wrdreg s13  }
0xb4: {  	[dreg:$0x5] =	wrdreg $0x9  }
0xb5: {  	_ =	task.clear_ibuf [dreg:s18], $0x6FFFF;
	_ =	strace $0x9000004F  }
0xb6: {  	s25 =	simm.s32 $0x9;
	_ =	strace $0x80000051  }
0xb7: {  	_ =	swait.ge [sflag:s25], $0x1  }
0xb8: {  	[sflag:s25] =	ssyncadd.s32 $0xFFFFFFFF  }
0xb9: {  	_ =	strace $0x90000051  }
0xba: {  	_ =	strace $0x80000052;
	[dreg:$0x1] =	wrdreg $0xFFFFFFFF  }
0xbb: {  	[dreg:$0x0] =	wrdreg $0x2030  }
0xbc: {  	[dreg:$0x2] =	wrdreg s13  }
0xbd: {  	[dreg:$0x3] =	wrdreg s20  }
0xbe: {  	[dreg:$0x4] =	wrdreg $0xA  }
0xbf: {  	_ =	task.clear_ibuf [dreg:s18], $0x5FFFF;
	_ =	strace $0x90000052  }
0xc0: {  	s26 =	simm.s32 $0xA;
	_ =	strace $0x80000054  }
0xc1: {  	_ =	swait.ge [sflag:s26], $0x1  }
0xc2: {  	[sflag:s26] =	ssyncadd.s32 $0xFFFFFFFF  }
0xc3: {  	_ =	strace $0x90000054  }
0xc4: {  	_ =	sfence  }
0xc5: {  	s28 =	sld [smem:$0x0];
	_ =	sdelay $0x1  }
0xc6: {  	s29 =	srdreg.scid  }
0xc7: {  	s30 =	sshll.u32 s29, $0xD;
	s31 =	sshrl.u32 s29, $0x2  }
0xc8: {  	s3 =	sand.u32 $0x4000, s30;
	s2 =	sand.u32 $0x1, s29;
	s1 =	sadd.s32 s31, s28  }
0xc9: {  	s2 =	sor.u32 s3, s2;
	s1 =	sshll.u32 s1, $0x11  }
0xca: {  	s1 =	sor.u32 s1, s2  }
0xcb: {  	s1 =	sadd.s32 $0x8F2B, s1  }
0xcc: {  	[sflag:s1] =	ssyncadd.remote.s32 $0x1  }
0xcd: {  	_ =	sfence.sel $0xFFFF  }
0xce: {  	[dreg:$0x0] =	wrdreg $0xFFFFFFFF;
	(pc) =	sbr.abs _section_cstart, $3  }
0xcf: {  	[dreg:$0x1] =	wrdreg $0xFFFFFFFF  }
0xd0: {  	_ =	task.clear_ibuf [dreg:s18], $0x2FFFF;
	_ =	strace $0x9FFFFFFF  }
0xd1: {  	(tm) =	ssettm $0x7FFFFFFF  }
tec
execute0_lowered:
.L_overlay_start_1:
0x0: {  	(tag) =	ssettag $0x1  }
0x1: {  	s3 =	rddreg [dreg:$0x0]  }
0x2: {  	s6 =	rddreg [dreg:$0x1]  }
0x3: {  	s2 =	rddreg [dreg:$0x2]  }
0x4: {  	s0 =	rddreg [dreg:$0x3];
	s4 =	stileid.u32  }
0x5: {  	[bflag:$0x3] =	sbarrier.arrive $0xFFFF;
	s1 =	simm.s32 $_size_execute1_lowered;
	p0 =	sne.s32 s4, $0x0  }
0x6: {  	s1 =	sshll.u32 s1, $0x1;
	s5 =	simm.s32 @!p0 $0x1C3F;
	s7 =	simm.s32 @!p0 $0x4060  }
0x7: {  	[timem:s7], [sflag:s5] =	dma.local @!p0 [hbm:s3], s1  }
0x8: {  	s8 =	simm.s32 $0x2;
	s3 =	sshll.u32 s4, $0xC  }
0x9: {  	s10 =	simm.s32 $0x0;
	s9 =	simm.s32 $0x0;
	s30 =	ssub.s32 $0x20000, s3  }
.Ltmp0:
0xa: {  	s7 =	simm.s32 $0x1;
	s31 =	sand.u32 $0xF000, s30;
	(pc) =	sbr.rel .LBB2_1-.Ltmp0, $4  }
0xb: {  	s4 =	simm.s32 $0x1;
	_ =	strace $0x80000050;
	p1 =	sne.s32 s31, $0x0  }
0xc: {  	s5 =	sshrl.u32 s30, $0x10;
	[sflag:s4] =	ssyncpa.u1 $0x0;
	s7 =	simm.s32 @!p1 $0x0  }
0xd: {  	s6 =	sadd.s32 $0x80F400, s6;
	[sflag:s8] =	ssyncpa.u1 $0x0;
	s5 =	sadd.s32 s7, s5  }
0xe: {  	s8 =	smov.u32 s3;
	p1 =	por $0x0, $0x0;
	s7 =	sadd.s32 $0x1, s5  }
.LBB2_4:
0xf: {  	[tilespmem:s11+$0xB0] =	vst v0  }
0x10: {  	[tilespmem:s11+$0xC0] =	vst v1  }
0x11: {  	[tilespmem:s11+$0xD0] =	vst v2  }
0x12: {  	[tilespmem:s11+$0xE0] =	vst v3;
	s13 =	sshrl.u32 s10, $0x3  }
0x13: {  	[tilespmem:s11+$0xFFFFFF00] =	vst v4;
	s31 =	sand.u32 $0x7, s10;
	s30 =	sadd.s32 s2, s13  }
0x14: {  	[hbm4b:s30+s31] =	stream.linear.scatter [tilespmem:s12], [sflag:$0x2], $0x1000, $0x38;
	[tilespmem:$0x4000] =	vst v63  }
.LBB2_5:
0x15: {  	s12 =	sadd.s32 $0x10000, s8  }
0x16: {  	p3 =	sgt.s32 s12, $0x1FFFF  }
0x17: {  	s12 =	smov.u32 @p3 s3;
	p3 =	sne.s32 s9, s7  }
.Ltmp1:
0x18: {  	p2 =	slt.u32 s9, $0x2;
	(pc) =	sbr.rel @!p3 .LBB2_6-.Ltmp1, $4  }
0x19: {  	s11 =	simm.s32 @!p2 $0x2  }
0x1a: {  	s13 =	sadd.s32 $0x1, s9;
	_ =	swait.ge @!p2 [sflag:s11], $0x1000  }
0x1b: {  	s10 =	smov.u32 s8;
	p1 =	por !p1, !p1;
	[sflag:s11] =	ssyncset.done @!p2 $0x0  }
0x1c: {  	s9 =	smov.u32 s13;
	s8 =	smov.u32 s12;
	[sflag:s11] =	ssyncadd.s32 @!p2 $0xFFFFF000  }
.LBB2_1:
0x1d: {  	p2 =	sge.u32 s9, s5  }
0x1e: {  	s11 =	sxor.u32 @!p2 $0xFFFFFFFF, s9  }
0x1f: {  	s31 =	sadd.s32 $0xFFFFFFFF, s9;
	s12 =	sshrl.u32 @!p2 s8, $0x3;
	s11 =	sshll.u32 @!p2 s11, $0xC  }
0x20: {  	s13 =	sand.u32 @!p2 $0x7, s8;
	s12 =	sadd.s32 @!p2 s6, s12;
	s11 =	sand.u32 @!p2 $0x1000, s11  }
0x21: {  	[tilespmem:s11], [sflag:$0x1] =	stream.linear.gather @!p2 [hbm4b:s12+s13], $0x1000, $0x38;
	[tilespmem:$0x4000] =	vst v63  }
0x22: {  	p2 =	sge.u32 s31, s5  }
.Ltmp2:
0x23: {  	_ = 	snop;
	(pc) =	sbr.rel @p2 .LBB2_5-.Ltmp2, $1  }
0x24: {  	_ =	sdelay $0x3  }
0x25: {  	s11 =	simm.s32 $0x1  }
0x26: {  	_ =	swait.ge [sflag:s4], $0x1000;
	s11 =	simm.s32 @!p1 $0x0  }
0x27: {  	[sflag:s4] =	ssyncset.done $0x0;
	s11 =	sshll.u32 s11, $0xC  }
0x28: {  	[sflag:s4] =	ssyncadd.s32 $0xFFFFF000;
	s14 =	sor.u32 $0x100, s11  }
0x29: {  	v0 =	vld [tilespmem:s14+$0xF0]  }
0x2a: {  	v1 =	vld [tilespmem:s14+$0xFFFFFF10]  }
0x2b: {  	v2 =	vld [tilespmem:s14+$0xFFFFFF20]  }
0x2c: {  	v3 =	vld [tilespmem:s14+$0xFFFFFF30]  }
0x2d: {  	s11 =	sor.u32 $0x2100, s11;
	v4 =	vld [tilespmem:s14+$0xFFFFFF40]  }
0x2e: {  	v5 =	vld [tilespmem:s14+$0xFFFFFF50];
	[tilespmem:s11+$0xF0] =	vst v0  }
0x2f: {  	[tilespmem:s11+$0xFFFFFF10] =	vst v1;
	v0 =	vld [tilespmem:s14+$0xFFFFFF60]  }
0x30: {  	[tilespmem:s11+$0xFFFFFF20] =	vst v2;
	v1 =	vld [tilespmem:s14+$0xFFFFFF70]  }
0x31: {  	[tilespmem:s11+$0xFFFFFF30] =	vst v3;
	v2 =	vld [tilespmem:s14+$0xFFFFFF80]  }
0x32: {  	[tilespmem:s11+$0xFFFFFF40] =	vst v4;
	v3 =	vld [tilespmem:s14+$0xFFFFFF90]  }
0x33: {  	[tilespmem:s11+$0xFFFFFF50] =	vst v5;
	v4 =	vld [tilespmem:s14+$0xFFFFFFA0]  }
0x34: {  	v5 =	vld [tilespmem:s14+$0xA0];
	[tilespmem:s11+$0xFFFFFF60] =	vst v0  }
0x35: {  	v0 =	vld [tilespmem:s14+$0xFFFFFFB0];
	[tilespmem:s11+$0xFFFFFF70] =	vst v1  }
0x36: {  	v1 =	vld [tilespmem:s14+$0xFFFFFFC0];
	[tilespmem:s11+$0xFFFFFF80] =	vst v2  }
0x37: {  	v2 =	vld [tilespmem:s14+$0xFFFFFFD0];
	[tilespmem:s11+$0xFFFFFF90] =	vst v3  }
0x38: {  	v3 =	vld [tilespmem:s14+$0xFFFFFFE0];
	[tilespmem:s11+$0xFFFFFFA0] =	vst v4  }
0x39: {  	v4 =	vld [tilespmem:s14+$0xFFFFFFF0];
	[tilespmem:s11+$0xA0] =	vst v5  }
0x3a: {  	[tilespmem:s11+$0xFFFFFFB0] =	vst v0;
	v0 =	vld [tilespmem:s14+$0x0]  }
0x3b: {  	[tilespmem:s11+$0xFFFFFFC0] =	vst v1;
	v1 =	vld [tilespmem:s14+$0x10]  }
0x3c: {  	[tilespmem:s11+$0xFFFFFFD0] =	vst v2;
	v2 =	vld [tilespmem:s14+$0x20]  }
0x3d: {  	[tilespmem:s11+$0xFFFFFFE0] =	vst v3;
	v3 =	vld [tilespmem:s14+$0x30]  }
0x3e: {  	[tilespmem:s11+$0xFFFFFFF0] =	vst v4;
	v4 =	vld [tilespmem:s14+$0x40]  }
0x3f: {  	[tilespmem:s11+$0x0] =	vst v0;
	v0 =	vld [tilespmem:s14+$0x50]  }
0x40: {  	[tilespmem:s11+$0x10] =	vst v1;
	v1 =	vld [tilespmem:s14+$0x60]  }
0x41: {  	[tilespmem:s11+$0x20] =	vst v2;
	v2 =	vld [tilespmem:s14+$0x70]  }
0x42: {  	[tilespmem:s11+$0x30] =	vst v3;
	v3 =	vld [tilespmem:s14+$0x80]  }
0x43: {  	[tilespmem:s11+$0x40] =	vst v4;
	v4 =	vld [tilespmem:s14+$0x90]  }
0x44: {  	[tilespmem:s11+$0x50] =	vst v0;
	v0 =	vld [tilespmem:s14+$0xB0]  }
0x45: {  	[tilespmem:s11+$0x60] =	vst v1;
	v1 =	vld [tilespmem:s14+$0xC0]  }
0x46: {  	s12 =	sshll.u32 s9, $0xC;
	[tilespmem:s11+$0x70] =	vst v2;
	v2 =	vld [tilespmem:s14+$0xD0]  }
0x47: {  	s12 =	sand.u32 $0x1000, s12;
	[tilespmem:s11+$0x80] =	vst v3;
	v3 =	vld [tilespmem:s14+$0xE0]  }
0x48: {  	s13 =	simm.s32 $0x0;
	s12 =	sor.u32 $0x2000, s12;
	[tilespmem:s11+$0x90] =	vst v4;
	v4 =	vld [tilespmem:s14+$0xFFFFFF00];
	s14 =	sadd.s32 $0x200, s14  }
.LBB2_3:
0x49: {  	v5 =	vld [tilespmem:s14+$0xF0];
	s13 =	sadd.s32 $0x200, s13;
	[tilespmem:s11+$0xB0] =	vst v0  }
0x4a: {  	v0 =	vld [tilespmem:s14+$0xFFFFFF10];
	p2 =	slt.u32 s13, $0xE00;
	[tilespmem:s11+$0xC0] =	vst v1  }
0x4b: {  	v1 =	vld [tilespmem:s14+$0xFFFFFF20];
	[tilespmem:s11+$0xD0] =	vst v2  }
0x4c: {  	v2 =	vld [tilespmem:s14+$0xFFFFFF30];
	[tilespmem:s11+$0xE0] =	vst v3  }
0x4d: {  	v3 =	vld [tilespmem:s14+$0xFFFFFF40];
	[tilespmem:s11+$0xFFFFFF00] =	vst v4;
	s11 =	sadd.s32 $0x200, s11  }
0x4e: {  	v4 =	vld [tilespmem:s14+$0xFFFFFF50];
	[tilespmem:s11+$0xF0] =	vst v5  }
0x4f: {  	[tilespmem:s11+$0xFFFFFF10] =	vst v0;
	v0 =	vld [tilespmem:s14+$0xFFFFFF60]  }
0x50: {  	[tilespmem:s11+$0xFFFFFF20] =	vst v1;
	v1 =	vld [tilespmem:s14+$0xFFFFFF70]  }
0x51: {  	[tilespmem:s11+$0xFFFFFF30] =	vst v2;
	v2 =	vld [tilespmem:s14+$0xFFFFFF80]  }
0x52: {  	[tilespmem:s11+$0xFFFFFF40] =	vst v3;
	v3 =	vld [tilespmem:s14+$0xFFFFFF90]  }
0x53: {  	[tilespmem:s11+$0xFFFFFF50] =	vst v4;
	v4 =	vld [tilespmem:s14+$0xFFFFFFA0]  }
0x54: {  	[tilespmem:s11+$0xFFFFFF60] =	vst v0;
	v0 =	vld [tilespmem:s14+$0xFFFFFFB0]  }
0x55: {  	[tilespmem:s11+$0xFFFFFF70] =	vst v1;
	v1 =	vld [tilespmem:s14+$0xFFFFFFC0]  }
0x56: {  	[tilespmem:s11+$0xFFFFFF80] =	vst v2;
	v2 =	vld [tilespmem:s14+$0xFFFFFFD0]  }
0x57: {  	[tilespmem:s11+$0xFFFFFF90] =	vst v3;
	v3 =	vld [tilespmem:s14+$0xFFFFFFE0]  }
0x58: {  	[tilespmem:s11+$0xFFFFFFA0] =	vst v4;
	v4 =	vld [tilespmem:s14+$0xFFFFFFF0]  }
0x59: {  	[tilespmem:s11+$0xFFFFFFB0] =	vst v0;
	v0 =	vld [tilespmem:s14+$0x0]  }
0x5a: {  	[tilespmem:s11+$0xFFFFFFC0] =	vst v1;
	v1 =	vld [tilespmem:s14+$0x10]  }
0x5b: {  	[tilespmem:s11+$0xFFFFFFD0] =	vst v2;
	v2 =	vld [tilespmem:s14+$0x20]  }
0x5c: {  	[tilespmem:s11+$0xFFFFFFE0] =	vst v3;
	v3 =	vld [tilespmem:s14+$0x30]  }
0x5d: {  	[tilespmem:s11+$0xFFFFFFF0] =	vst v4;
	v4 =	vld [tilespmem:s14+$0x40]  }
0x5e: {  	[tilespmem:s11+$0x0] =	vst v0;
	v0 =	vld [tilespmem:s14+$0x50]  }
0x5f: {  	[tilespmem:s11+$0x10] =	vst v1;
	v1 =	vld [tilespmem:s14+$0x60]  }
0x60: {  	[tilespmem:s11+$0x20] =	vst v2;
	v2 =	vld [tilespmem:s14+$0x70]  }
0x61: {  	[tilespmem:s11+$0x30] =	vst v3;
	v3 =	vld [tilespmem:s14+$0x80]  }
0x62: {  	[tilespmem:s11+$0x40] =	vst v4;
	v4 =	vld [tilespmem:s14+$0x90]  }
0x63: {  	[tilespmem:s11+$0x50] =	vst v0;
	v5 =	vld [tilespmem:s14+$0xA0]  }
.Ltmp3:
0x64: {  	[tilespmem:s11+$0x60] =	vst v1;
	v0 =	vld [tilespmem:s14+$0xB0];
	(pc) =	sbr.rel @p2 .LBB2_3-.Ltmp3, $4  }
0x65: {  	[tilespmem:s11+$0x70] =	vst v2;
	v1 =	vld [tilespmem:s14+$0xC0]  }
0x66: {  	[tilespmem:s11+$0x80] =	vst v3;
	v2 =	vld [tilespmem:s14+$0xD0]  }
0x67: {  	[tilespmem:s11+$0x90] =	vst v4;
	v3 =	vld [tilespmem:s14+$0xE0]  }
0x68: {  	v4 =	vld [tilespmem:s14+$0xFFFFFF00];
	[tilespmem:s11+$0xA0] =	vst v5;
	s14 =	sadd.s32 $0x200, s14  }
.Ltmp4:
0x69: {  	_ = 	snop;
	(pc) =	sbr.rel .LBB2_4-.Ltmp4, $1  }
0x6a: {  	_ =	sdelay $0x3  }
.LBB2_6:
0x6b: {  	_ =	sfence.sel $0x180000  }
0x6c: {  	s2 =	simm.s32 $0x1;
	[bflag:$0x0] =	sbarrier.arrive $0xFFFF  }
0x6d: {  	s31 =	simm.s32 $0x2;
	[sflag:s2] =	ssyncpa.u1 $0x1  }
0x6e: {  	[sflag:s31] =	ssyncpa.u1 $0x1  }
0x6f: {  	_ =	strace $0x90000050  }
0x70: {  	s0 =	sadd.s32 @!p0 $0x100000, s0;
	[bflag:$0x2] =	sbarrier.arrive $0xFFFF  }
0x71: {  	[sflag:s0] =	ssyncadd.tile.s32 @!p0 $0x1;
	s0 =	simm.s32 @!p0 $0x3F  }
0x72: {  	_ =	swait.ge @!p0 [sflag:s0], s1  }
0x73: {  	s1 =	ssub.s32 @!p0 $0x0, s1;
	[sflag:s0] =	ssyncset.done @!p0 $0x0  }
0x74: {  	[sflag:s0] =	ssyncadd.s32 @!p0 s1  }
0x75: {  	[bflag:$0x3] =	sbarrier.arrive $0xFFFF  }
0x76: {  	_ =	shalt  }
.Lfunc_end2:
execute1_lowered:
.L_overlay_start_2:
0x77: {  	(tag) =	ssettag $0x2  }
0x78: {  	s1 =	rddreg [dreg:$0x0]  }
0x79: {  	s2 =	rddreg [dreg:$0x1]  }
0x7a: {  	s0 =	rddreg [dreg:$0x2];
	s3 =	stileid.u32  }
0x7b: {  	_ =	strace $0x80000053;
	s4 =	simm.s32 $0x3E;
	p0 =	sne.s32 s3, $0x0  }
0x7c: {  	[sflag:s4] =	ssyncpa.u1 $0x0;
	s5 =	simm.s32 @!p0 $0x1C3E;
	s6 =	simm.s32 @!p0 $0x0  }
0x7d: {  	[spmem:s6], [sflag:s5] =	dma.local @!p0 [hbm:s1], $0x4000  }
0x7e: {  	s5 =	simm.s32 @!p0 $0x3E  }
0x7f: {  	_ =	swait.ge @!p0 [sflag:s5], $0x4000  }
0x80: {  	[sflag:s5] =	ssyncset.done @!p0 $0x0  }
0x81: {  	s26 =	simm.s32 $0x1;
	[sflag:s5] =	ssyncadd.s32 @!p0 $0xFFFFC000  }
0x82: {  	s29 =	simm.s32 $0x2;
	s7 =	simm.s32 $0x4000;
	[bflag:$0x0] =	sbarrier.arrive $0xFFFF  }
0x83: {  	s28 =	sadd.s32 $0x1200, s2;
	s30 =	sadd.s32 $0x813400, s2;
	[sflag:s4] =	ssyncpa.u1 $0x1  }
0x84: {  	s3 =	sshll.u32 s3, $0xA;
	s2 =	simm.s32 $0x0;
	[sflag:s26] =	ssyncpa.u1 $0x0  }
0x85: {  	s4 =	sadd.s32 s28, s3;
	(ifvalue) =	ssetifvalue $0x20000;
	[sflag:s29] =	ssyncpa.u1 $0x0  }
0x86: {  	[tilespmem:s7], [sflag:$0x2] =	stream.linear.gather [hbm4b:s4+s2], $0x2000, $0x38;
	[tilespmem:$0xA000] =	vst v63  }
0x87: {  	s31 =	sadd.s32 s30, s3;
	s3 =	simm.s32 $0x8000  }
0x88: {  	[tilespmem:s3], [sflag:$0x2] =	stream.linear.gather [hbm4b:s31+s2], $0x2000, $0x38;
	[tilespmem:$0xA000] =	vst v63  }
0x89: {  	_ =	swait.ge [sflag:s29], $0x4000  }
0x8a: {  	[sflag:s29] =	ssyncset.done $0x0  }
0x8b: {  	[sflag:s29] =	ssyncadd.s32 $0xFFFFC000  }
0x8c: {  	v0 =	vld.msk [tilespmem:s7+$0x0 ss:$0x1], $0xffff;
	_ =	sdelay $0x4  }
0x8d: {  	v0 =	vmin.u32 v0, $0x20000;
	_ =	sdelay $0x3  }
0x8e: {  	vm0 =	vmmov $0xffff;
	s5 =	simm.s32 $0x4010;
	s4 =	simm.s32 $0x0  }
0x8f: {  	[spmem:s2] =	stream.indirect_vreg.scatter.add.s32 [tilespmem:s3], [sflag:$0x1], $0x1, v0, vm0, $0x4038;
	[tilespmem:$0xA000] =	vst v63  }
.LBB3_1:
0x90: {  	v0 =	vld.msk [tilespmem:s5+$0x0 ss:$0x1], $0xffff;
	s4 =	sadd.s32 $0x10, s4  }
0x91: {  	p1 =	slt.u32 s4, $0x1FF0;
	_ =	sdelay $0x4  }
0x92: {  	v0 =	vmin.u32 v0, $0x20000  }
.Ltmp5:
0x93: {  	(pc) =	sbr.rel @p1 .LBB3_1-.Ltmp5, $3  }
0x94: {  	_ =	sdelay $0x1  }
0x95: {  	s5 =	sadd.s32 $0x10, s5;
	s3 =	sadd.s32 $0x10, s3  }
0x96: {  	[spmem:s2] =	stream.indirect_vreg.scatter.add.s32 [tilespmem:s3], [sflag:$0x1], $0x1, v0, vm0, $0x4038;
	[tilespmem:$0xA000] =	vst v63  }
0x97: {  	s2 =	simm.s32 $0x1  }
0x98: {  	_ =	swait.ge [sflag:s2], $0x2000  }
0x99: {  	[sflag:s2] =	ssyncset.done $0x0  }
0x9a: {  	[sflag:s2] =	ssyncadd.s32 $0xFFFFE000  }
0x9b: {  	_ =	sfence.sel $0x180000  }
0x9c: {  	s3 =	simm.s32 $0x2;
	[bflag:$0x0] =	sbarrier.arrive $0xFFFF  }
0x9d: {  	[sflag:s3] =	ssyncpa.u1 $0x1  }
0x9e: {  	[sflag:s2] =	ssyncpa.u1 $0x1  }
0x9f: {  	_ =	sfence.stream.spmem  }
0xa0: {  	s31 =	simm.s32 $0x3D;
	[bflag:$0x0] =	sbarrier.arrive $0xFFFF  }
0xa1: {  	s2 =	simm.s32 @p0 $0x3D;
	[sflag:s31] =	ssyncpa.u1 $0x0  }
0xa2: {  	[sflag:s2] =	ssyncpa.u1 @p0 $0x1  }
0xa3: {  	[bflag:$0x0] =	sbarrier.arrive @p0 $0xFFFF  }
0xa4: {  	_ =	strace @p0 $0x90000053  }
0xa5: {  	s3 =	simm.s32 @!p0 $0x1C3D;
	s2 =	simm.s32 @!p0 $0x0;
	[bflag:$0x2] =	sbarrier.arrive @p0 $0xFFFF  }
0xa6: {  	[hbm:s1], [sflag:s3] =	dma.local @!p0 [spmem:s2], $0x4000  }
0xa7: {  	s1 =	simm.s32 @!p0 $0x3D  }
0xa8: {  	_ =	swait.ge @!p0 [sflag:s1], $0x4000  }
0xa9: {  	[sflag:s1] =	ssyncset.done @!p0 $0x0  }
0xaa: {  	[sflag:s1] =	ssyncadd.s32 @!p0 $0xFFFFC000  }
0xab: {  	[sflag:s1] =	ssyncpa.u1 @!p0 $0x1  }
0xac: {  	[bflag:$0x0] =	sbarrier.arrive @!p0 $0xFFFF  }
0xad: {  	_ =	strace @!p0 $0x90000053  }
0xae: {  	s0 =	sadd.s32 @!p0 $0x100000, s0;
	[bflag:$0x2] =	sbarrier.arrive @!p0 $0xFFFF  }
0xaf: {  	[sflag:s0] =	ssyncadd.tile.s32 @!p0 $0x1;
	_ =	shalt  }
.Lfunc_end3:
_tile_overlayer_lowered:
.L_overlay_start_3:
0xb0: {  	(tag) =	ssettag $0x3  }
0xb1: {  	s0 =	rddreg [dreg:$0x0];
	s2 =	stileid.u32  }
0xb2: {  	s1 =	rddreg [dreg:$0x1];
	p0 =	sne.s32 s2, $0x0  }
0xb3: {  	s3 =	rddreg [dreg:$0x2];
	[bflag:$0x3] =	sbarrier.arrive $0xFFFF;
	s2 =	simm.s32 @!p0 $0x1C01  }
0xb4: {  	[timem:s3], [sflag:s2] =	dma.local @!p0 [hbm:s0], s1  }
0xb5: {  	s0 =	simm.s32 @!p0 $0x1  }
0xb6: {  	_ =	swait.ge @!p0 [sflag:s0], s1  }
0xb7: {  	s1 =	ssub.s32 @!p0 $0x0, s1;
	[sflag:s0] =	ssyncset.done @!p0 $0x0  }
0xb8: {  	[sflag:s0] =	ssyncadd.s32 @!p0 s1  }
0xb9: {  	[bflag:$0x3] =	sbarrier.arrive $0xFFFF  }
0xba: {  	_ =	shalt  }

// kernel: scatter_offload_async_start.2
scs
__scs_entry_jumppad:
0x0: {  	(pc) =	sbr.rel $0x88, $3  }
0x1: {  	(tag) =	ssettag $0x0;
	lr =	simm.s32 $0x1  }
0x2: {  	[smem:$0x3F91] =	sst lr;
	_ =	strace $0xD0000000  }
0x3: {  	_ = 	snop  }
0x4: {  	_ = 	snop  }
0x5: {  	_ = 	snop  }
0x6: {  	_ = 	snop  }
0x7: {  	_ = 	snop  }
__scs_overlays_trampoline_lowered:
0x8: {  	[smem:$0x3FA0] =	sst s0  }
0x9: {  	[smem:$0x3FA1] =	sst s1  }
0xa: {  	[smem:$0x3FA2] =	sst s2  }
0xb: {  	[smem:$0x3FA3] =	sst s3  }
0xc: {  	[smem:$0x3FA4] =	sst s4  }
0xd: {  	[smem:$0x3FA5] =	sst s5  }
0xe: {  	[smem:$0x3FA6] =	sst s6  }
0xf: {  	[smem:$0x3FA7] =	sst s7  }
0x10: {  	[smem:$0x3FA8] =	sst s8  }
0x11: {  	[smem:$0x3FA9] =	sst s9;
	s0 =	simm.s32 @!p0 $0x0  }
0x12: {  	s1 =	sld [smem:$0x3F8F];
	s0 =	simm.s32 @p0 $0x1  }
0x13: {  	[smem:$0x3FAA] =	sst s0;
	s0 =	simm.s32 @!p1 $0x0  }
0x14: {  	s2 =	sld [smem:$0x3F8E];
	s0 =	simm.s32 @p1 $0x1  }
0x15: {  	[smem:$0x3FAB] =	sst s0;
	s0 =	simm.s32 @!p2 $0x0  }
0x16: {  	s3 =	sld [smem:$0x3FDB];
	s0 =	simm.s32 @p2 $0x1  }
0x17: {  	s4 =	simm.s32 $0x1BF5;
	[smem:$0x3FAD] =	sst s0  }
0x18: {  	s0 =	sld [smem:$0x3F90];
	_ =	swait.ge [sflag:s4], $0x0  }
0x19: {  	s7 =	sld [smem:$0x3F91]  }
0x1a: {  	s8 =	sadd.s32 $0xFFFFE003, lr  }
0x1b: {  	s9 =	sadd.s32 $0xFFFFFEF7, lr;
	s5 =	simm.s32 $0xFFFFFFFF;
	p2 =	slt.u32 s8, $0xFFFFF086  }
0x1c: {  	p1 =	slt.u32 s9, $0xF7A;
	s5 =	simm.s32 @!p2 $0x0  }
0x1d: {  	s5 =	simm.s32 @p1 $0x1;
	p0 =	seq.s32 s7, s2  }
0x1e: {  	s7 =	smul.u32 @!p0 $0xF7A, s2;
	p2 =	seq.s32 @!p0 s5, $0x0  }
0x1f: {  	s9 =	smul.u32 $0xF7A, s1;
	s8 =	simm.s32 @!p0 $0x1BF5;
	p2 =	por !p2, p0  }
0x20: {  	[sflag:s8] =	ssyncset.s32 @!p0 $0xFFFFF086;
	s6 =	sadd.s32 @!p0 s3, s7;
	s7 =	simm.s32 @!p0 $0x108  }
0x21: {  	s3 =	sadd.s32 s3, s9;
	s6 =	sadd.s32 @!p0 $0x88, s6;
	s7 =	simm.s32 @p2 $0x1082  }
0x22: {  	[simem:s7], [sflag:s8] =	dma.local @!p0 [hbm:s6], $0xF7A  }
0x23: {  	s9 =	sor.u32 $0xD0000000, s2;
	s6 =	simm.s32 $0x108;
	_ =	swait.ge @!p0 [sflag:s8], $0x0  }
0x24: {  	s3 =	sadd.s32 $0x88, s3;
	s6 =	simm.s32 @!p1 $0x1082;
	[sflag:s4] =	ssyncset.s32 $0xFFFFF086  }
0x25: {  	[simem:s6], [sflag:s4] =	dma.local [hbm:s3], $0xF7A  }
0x26: {  	[smem:$0x3F91] =	sst s1;
	(tag) =	ssettag s2;
	_ =	strace s9  }
0x27: {  	s1 =	sld [smem:$0x3FA1]  }
0x28: {  	s2 =	sld [smem:$0x3FA2]  }
0x29: {  	s4 =	sld [smem:$0x3FA4]  }
0x2a: {  	p0 =	seq.s32 s5, $0x0;
	s5 =	sld [smem:$0x3FA5]  }
0x2b: {  	s6 =	sld [smem:$0x3FA6]  }
0x2c: {  	s7 =	sld [smem:$0x3FA7]  }
0x2d: {  	s3 =	simm.s32 $0x108;
	s8 =	sld [smem:$0x3FA8]  }
0x2e: {  	s3 =	simm.s32 @!p0 $0x1082;
	s9 =	sld [smem:$0x3FA9]  }
0x2f: {  	lr =	sadd.s32 s0, s3;
	s0 =	sld [smem:$0x3FA0]  }
0x30: {  	s3 =	sld [smem:$0x3FA3]  }
0x31: {  	[smem:$0x3FAC] =	sst s10  }
0x32: {  	s10 =	sld [smem:$0x3FAA];
	_ =	sdelay $0x3  }
0x33: {  	p0 =	seq.s32 s10, $0x1;
	s10 =	sld [smem:$0x3FAC];
	_ =	sdelay $0x3  }
0x34: {  	[smem:$0x3FAC] =	sst s10  }
0x35: {  	s10 =	sld [smem:$0x3FAB];
	_ =	sdelay $0x3  }
0x36: {  	p1 =	seq.s32 s10, $0x1;
	s10 =	sld [smem:$0x3FAC];
	_ =	sdelay $0x3  }
0x37: {  	[smem:$0x3FAC] =	sst s10  }
0x38: {  	s10 =	sld [smem:$0x3FAD]  }
0x39: {  	_ = 	snop;
	(pc) =	sbr.ind lr, $3  }
0x3a: {  	_ = 	snop  }
0x3b: {  	_ = 	snop  }
0x3c: {  	p2 =	seq.s32 s10, $0x1;
	s10 =	sld [smem:$0x3FAC]  }
0x3d: {  	_ =	shalt  }
0x3e: {  	_ =	shalt  }
0x3f: {  	_ =	shalt  }
0x40: {  	_ =	shalt  }
0x41: {  	_ =	shalt  }
0x42: {  	_ =	shalt  }
0x43: {  	_ =	shalt  }
0x44: {  	_ =	shalt  }
0x45: {  	_ =	shalt  }
0x46: {  	_ =	shalt  }
0x47: {  	_ =	shalt  }
0x48: {  	_ =	shalt  }
0x49: {  	_ =	shalt  }
0x4a: {  	_ =	shalt  }
0x4b: {  	_ =	shalt  }
0x4c: {  	_ =	shalt  }
0x4d: {  	_ =	shalt  }
0x4e: {  	_ =	shalt  }
0x4f: {  	_ =	shalt  }
0x50: {  	_ =	shalt  }
0x51: {  	_ =	shalt  }
0x52: {  	_ =	shalt  }
0x53: {  	_ =	shalt  }
0x54: {  	_ =	shalt  }
0x55: {  	_ =	shalt  }
0x56: {  	_ =	shalt  }
0x57: {  	_ =	shalt  }
0x58: {  	_ =	shalt  }
0x59: {  	_ =	shalt  }
0x5a: {  	_ =	shalt  }
0x5b: {  	_ =	shalt  }
0x5c: {  	_ =	shalt  }
0x5d: {  	_ =	shalt  }
0x5e: {  	_ =	shalt  }
0x5f: {  	_ =	shalt  }
0x60: {  	_ =	shalt  }
0x61: {  	_ =	shalt  }
0x62: {  	_ =	shalt  }
0x63: {  	_ =	shalt  }
0x64: {  	_ =	shalt  }
0x65: {  	_ =	shalt  }
0x66: {  	_ =	shalt  }
0x67: {  	_ =	shalt  }
0x68: {  	_ =	shalt  }
0x69: {  	_ =	shalt  }
0x6a: {  	_ =	shalt  }
0x6b: {  	_ =	shalt  }
0x6c: {  	_ =	shalt  }
0x6d: {  	_ =	shalt  }
0x6e: {  	_ =	shalt  }
0x6f: {  	_ =	shalt  }
0x70: {  	_ =	shalt  }
0x71: {  	_ =	shalt  }
0x72: {  	_ =	shalt  }
0x73: {  	_ =	shalt  }
0x74: {  	_ =	shalt  }
0x75: {  	_ =	shalt  }
0x76: {  	_ =	shalt  }
0x77: {  	_ =	shalt  }
0x78: {  	_ =	shalt  }
0x79: {  	_ =	shalt  }
0x7a: {  	_ =	shalt  }
0x7b: {  	_ =	shalt  }
0x7c: {  	_ =	shalt  }
0x7d: {  	_ =	shalt  }
0x7e: {  	_ =	shalt  }
0x7f: {  	_ =	shalt  }
0x80: {  	_ =	shalt  }
0x81: {  	_ =	shalt  }
0x82: {  	_ =	shalt  }
0x83: {  	_ =	shalt  }
0x84: {  	_ =	shalt  }
0x85: {  	_ =	shalt  }
0x86: {  	_ =	shalt  }
0x87: {  	_ =	shalt  }
.Lfunc_end0:
.L_simem_size_0:
called_computation.2_lowered:
.L_overlay_start_0:
0x88: {  	s0 =	sld [smem:$0x3FD9]  }
0x89: {  	s1 =	sld [smem:$0x3FFE];
	_ =	sdelay $0x3  }
0x8a: {  	s0 =	sadd.s32 s1, s0  }
0x8b: {  	[smem:$0x3FB8] =	sst s0  }
0x8c: {  	_ = 	snop  }
0x8d: {  	s0 =	sld [smem:$0x3FD0];
	_ =	sdelay $0x2  }
0x8e: {  	s13 =	simm.s32 $0xB;
	s2 =	simm.s32 $0x10  }
0x8f: {  	[smem:s2], [sflag:s13] =	dma.local [hbm:s0], $0x1  }
0x90: {  	_ =	swait.eq [sflag:s13], $0x1  }
0x91: {  	[sflag:s13] =	ssyncset.done $0x0  }
0x92: {  	[sflag:s13] =	ssyncadd.s32 $0xFFFFFFFF  }
0x93: {  	s14 =	sld [smem:$0x11];
	(tm) =	ssettm $0x1  }
0x94: {  	s15 =	sld [smem:$0x3FFB];
	_ =	sdelay $0x3  }
0x95: {  	_ =	strace s15  }
0x96: {  	s1 =	sld [smem:$0x3FFC];
	_ =	sdelay $0x3  }
0x97: {  	_ =	strace s1  }
0x98: {  	s1 =	sld [smem:$0x3FFD];
	_ =	sdelay $0x3  }
0x99: {  	_ =	strace s1  }
0x9a: {  	_ =	strace $0x8FFFFFFF  }
0x9b: {  	s16 =	sld [smem:$0x3FDB];
	_ =	sdelay $0x1  }
0x9c: {  	s17 =	simm.s32 $_scs_section_size  }
0x9d: {  	s3 =	simm.s32 $_size__tile_overlayer_lowered;
	s4 =	simm.s32 $_tile_overlayer_lowered  }
0x9e: {  	s20 =	simm.s32 $0x1BFF;
	s19 =	sshll.u32 s4, $0x1;
	s1 =	sadd.s32 s17, s16  }
0x9f: {  	s5 =	simm.s32 $0x0;
	s18 =	sshll.u32 s3, $0x1;
	s3 =	sadd.s32 s19, s1  }
0xa0: {  	[timem:s5], [sflag:s20] =	dma.local [hbm:s3], s18  }
0xa1: {  	_ =	swait.ge [sflag:s20], s18  }
0xa2: {  	s2 =	ssub.s32 $0x0, s18;
	[sflag:s20] =	ssyncset.done $0x0  }
0xa3: {  	[sflag:s20] =	ssyncadd.s32 s2;
	_ =	sdelay $0x1  }
0xa4: {  	s21 =	simm.s32 $0x1B8B  }
0xa5: {  	_ =	swait.ge [sflag:s21], $0x1  }
0xa6: {  	[sflag:s21] =	ssyncset.done $0x0  }
0xa7: {  	s23 =	simm.s32 $0x1B8E;
	s22 =	sld [smem:$0x3FFE];
	[sflag:s21] =	ssyncadd.s32 $0xFFFFFFFF  }
0xa8: {  	s24 =	simm.s32 $execute0_lowered;
	[smem:$0x3FD2] =	sst s23  }
0xa9: {  	s3 =	sshll.u32 s24, $0x1;
	_ =	strace $0x80000058;
	[dreg:$0x1] =	wrdreg $0xFFFFFFFF  }
0xaa: {  	s25 =	simm.s32 $_size_execute0_lowered;
	s1 =	sadd.s32 s1, s3;
	[dreg:$0x0] =	wrdreg $0x0  }
0xab: {  	s3 =	sshll.u32 s25, $0x1;
	[dreg:$0x2] =	wrdreg s1  }
0xac: {  	[dreg:$0x3] =	wrdreg s3  }
0xad: {  	[dreg:$0x4] =	wrdreg $0xC0  }
0xae: {  	_ =	task [dreg:s5], $0x5FFFF  }
0xaf: {  	[dreg:$0x1] =	wrdreg $0xFFFFFFFF  }
0xb0: {  	[dreg:$0x0] =	wrdreg $0x60  }
0xb1: {  	[dreg:$0x2] =	wrdreg s22  }
0xb2: {  	[dreg:$0x3] =	wrdreg s14  }
0xb3: {  	[dreg:$0x4] =	wrdreg $0x9  }
0xb4: {  	_ =	task.clear_ibuf [dreg:s5], $0x5FFFF;
	_ =	strace $0x90000058  }
0xb5: {  	s26 =	simm.s32 $0x9;
	_ =	strace $0x8000005A  }
0xb6: {  	_ =	swait.ge [sflag:s26], $0x1  }
0xb7: {  	[sflag:s26] =	ssyncadd.s32 $0xFFFFFFFF  }
0xb8: {  	_ =	strace $0x9000005A  }
0xb9: {  	_ =	sfence  }
0xba: {  	s28 =	sld [smem:$0x0];
	_ =	sdelay $0x1  }
0xbb: {  	s29 =	srdreg.scid  }
0xbc: {  	s30 =	sshll.u32 s29, $0xD;
	s31 =	sshrl.u32 s29, $0x2  }
0xbd: {  	s2 =	sand.u32 $0x4000, s30;
	s1 =	sand.u32 $0x1, s29;
	s0 =	sadd.s32 s31, s28  }
0xbe: {  	s1 =	sor.u32 s2, s1;
	s0 =	sshll.u32 s0, $0x11  }
0xbf: {  	s0 =	sor.u32 s0, s1  }
0xc0: {  	s0 =	sadd.s32 $0x8F2B, s0  }
0xc1: {  	[sflag:s0] =	ssyncadd.remote.s32 $0x1  }
0xc2: {  	_ =	sfence.sel $0xFFFF  }
0xc3: {  	[dreg:$0x0] =	wrdreg $0xFFFFFFFF;
	(pc) =	sbr.abs _section_cstart, $3  }
0xc4: {  	[dreg:$0x1] =	wrdreg $0xFFFFFFFF  }
0xc5: {  	_ =	task.clear_ibuf [dreg:s5], $0x2FFFF;
	_ =	strace $0x9FFFFFFF  }
0xc6: {  	(tm) =	ssettm $0x7FFFFFFF  }
0xc7: {  	_ =	shalt  }
tec
execute0_lowered:
.L_overlay_start_1:
0x0: {  	(tag) =	ssettag $0x1  }
0x1: {  	s2 =	rddreg [dreg:$0x0]  }
0x2: {  	s3 =	rddreg [dreg:$0x1]  }
0x3: {  	s0 =	rddreg [dreg:$0x2];
	_ =	strace $0x80000059;
	s4 =	stileid.u32  }
0x4: {  	s5 =	simm.s32 $0x3E;
	s1 =	sadd.s32 $0x80F400, s2;
	p0 =	sne.s32 s4, $0x0  }
0x5: {  	[sflag:s5] =	ssyncpa.u1 $0x0;
	s6 =	simm.s32 @!p0 $0x1C3E;
	s7 =	simm.s32 @!p0 $0x0  }
0x6: {  	[spmem:s7], [sflag:s6] =	dma.local @!p0 [hbm:s1], $0x4000  }
0x7: {  	s6 =	simm.s32 @!p0 $0x3E  }
0x8: {  	_ =	swait.ge @!p0 [sflag:s6], $0x4000  }
0x9: {  	[sflag:s6] =	ssyncset.done @!p0 $0x0  }
0xa: {  	[sflag:s6] =	ssyncadd.s32 @!p0 $0xFFFFC000  }
0xb: {  	s28 =	simm.s32 $0x1;
	s29 =	simm.s32 $0x2;
	[bflag:$0x0] =	sbarrier.arrive $0xFFFF  }
0xc: {  	s31 =	simm.s32 $0x4000;
	s30 =	sadd.s32 $0x813400, s2;
	[sflag:s5] =	ssyncpa.u1 $0x1  }
0xd: {  	s4 =	sshll.u32 s4, $0xA;
	s2 =	simm.s32 $0x0;
	[sflag:s28] =	ssyncpa.u1 $0x0  }
0xe: {  	s3 =	sadd.s32 s3, s4;
	(ifvalue) =	ssetifvalue $0x20000;
	[sflag:s29] =	ssyncpa.u1 $0x0  }
0xf: {  	[tilespmem:s31], [sflag:$0x2] =	stream.linear.gather [hbm4b:s3+s2], $0x2000, $0x38;
	[tilespmem:$0xA000] =	vst v63  }
0x10: {  	s4 =	sadd.s32 s30, s4;
	s3 =	simm.s32 $0x8000  }
0x11: {  	[tilespmem:s3], [sflag:$0x2] =	stream.linear.gather [hbm4b:s4+s2], $0x2000, $0x38;
	[tilespmem:$0xA000] =	vst v63  }
0x12: {  	_ =	swait.ge [sflag:s29], $0x4000  }
0x13: {  	[sflag:s29] =	ssyncset.done $0x0  }
0x14: {  	[sflag:s29] =	ssyncadd.s32 $0xFFFFC000  }
0x15: {  	v0 =	vld.msk [tilespmem:s31+$0x0 ss:$0x1], $0xffff;
	_ =	sdelay $0x4  }
0x16: {  	v0 =	vmin.u32 v0, $0x20000;
	_ =	sdelay $0x3  }
0x17: {  	vm0 =	vmmov $0xffff;
	s5 =	simm.s32 $0x4010;
	s4 =	simm.s32 $0x0  }
0x18: {  	[spmem:s2] =	stream.indirect_vreg.scatter.add.s32 [tilespmem:s3], [sflag:$0x1], $0x1, v0, vm0, $0x4038;
	[tilespmem:$0xA000] =	vst v63  }
.LBB2_1:
0x19: {  	v0 =	vld.msk [tilespmem:s5+$0x0 ss:$0x1], $0xffff;
	s4 =	sadd.s32 $0x10, s4  }
0x1a: {  	p1 =	slt.u32 s4, $0x1FF0;
	_ =	sdelay $0x4  }
0x1b: {  	v0 =	vmin.u32 v0, $0x20000  }
.Ltmp0:
0x1c: {  	(pc) =	sbr.rel @p1 .LBB2_1-.Ltmp0, $3  }
0x1d: {  	_ =	sdelay $0x1  }
0x1e: {  	s5 =	sadd.s32 $0x10, s5;
	s3 =	sadd.s32 $0x10, s3  }
0x1f: {  	[spmem:s2] =	stream.indirect_vreg.scatter.add.s32 [tilespmem:s3], [sflag:$0x1], $0x1, v0, vm0, $0x4038;
	[tilespmem:$0xA000] =	vst v63  }
0x20: {  	s2 =	simm.s32 $0x1  }
0x21: {  	_ =	swait.ge [sflag:s2], $0x2000  }
0x22: {  	[sflag:s2] =	ssyncset.done $0x0  }
0x23: {  	[sflag:s2] =	ssyncadd.s32 $0xFFFFE000  }
0x24: {  	_ =	sfence.sel $0x180000  }
0x25: {  	s3 =	simm.s32 $0x2;
	[bflag:$0x0] =	sbarrier.arrive $0xFFFF  }
0x26: {  	[sflag:s3] =	ssyncpa.u1 $0x1  }
0x27: {  	[sflag:s2] =	ssyncpa.u1 $0x1  }
0x28: {  	_ =	sfence.stream.spmem  }
0x29: {  	s31 =	simm.s32 $0x3D;
	[bflag:$0x0] =	sbarrier.arrive $0xFFFF  }
0x2a: {  	s2 =	simm.s32 @p0 $0x3D;
	[sflag:s31] =	ssyncpa.u1 $0x0  }
0x2b: {  	[sflag:s2] =	ssyncpa.u1 @p0 $0x1  }
0x2c: {  	[bflag:$0x0] =	sbarrier.arrive @p0 $0xFFFF  }
0x2d: {  	_ =	strace @p0 $0x90000059  }
0x2e: {  	s3 =	simm.s32 @!p0 $0x1C3D;
	s2 =	simm.s32 @!p0 $0x0;
	[bflag:$0x2] =	sbarrier.arrive @p0 $0xFFFF  }
0x2f: {  	[hbm:s1], [sflag:s3] =	dma.local @!p0 [spmem:s2], $0x4000  }
0x30: {  	s1 =	simm.s32 @!p0 $0x3D  }
0x31: {  	_ =	swait.ge @!p0 [sflag:s1], $0x4000  }
0x32: {  	[sflag:s1] =	ssyncset.done @!p0 $0x0  }
0x33: {  	[sflag:s1] =	ssyncadd.s32 @!p0 $0xFFFFC000  }
0x34: {  	[sflag:s1] =	ssyncpa.u1 @!p0 $0x1  }
0x35: {  	[bflag:$0x0] =	sbarrier.arrive @!p0 $0xFFFF  }
0x36: {  	_ =	strace @!p0 $0x90000059  }
0x37: {  	s0 =	sadd.s32 @!p0 $0x100000, s0;
	[bflag:$0x2] =	sbarrier.arrive @!p0 $0xFFFF  }
0x38: {  	[sflag:s0] =	ssyncadd.tile.s32 @!p0 $0x1;
	_ =	shalt  }
.Lfunc_end2:
_tile_overlayer_lowered:
.L_overlay_start_2:
0x39: {  	(tag) =	ssettag $0x2  }
0x3a: {  	s0 =	rddreg [dreg:$0x0];
	s2 =	stileid.u32  }
0x3b: {  	s1 =	rddreg [dreg:$0x1];
	p0 =	sne.s32 s2, $0x0  }
0x3c: {  	s3 =	rddreg [dreg:$0x2];
	[bflag:$0x3] =	sbarrier.arrive $0xFFFF;
	s2 =	simm.s32 @!p0 $0x1C01  }
0x3d: {  	[timem:s3], [sflag:s2] =	dma.local @!p0 [hbm:s0], s1  }
0x3e: {  	s0 =	simm.s32 @!p0 $0x1  }
0x3f: {  	_ =	swait.ge @!p0 [sflag:s0], s1  }
0x40: {  	s1 =	ssub.s32 @!p0 $0x0, s1;
	[sflag:s0] =	ssyncset.done @!p0 $0x0  }
0x41: {  	[sflag:s0] =	ssyncadd.s32 @!p0 s1  }
0x42: {  	[bflag:$0x3] =	sbarrier.arrive $0xFFFF  }
0x43: {  	_ =	shalt  }

// kernel: scatter_offload_async_start
scs
__scs_entry_jumppad:
0x0: {  	(pc) =	sbr.rel $0x88, $3  }
0x1: {  	(tag) =	ssettag $0x0;
	lr =	simm.s32 $0x1  }
0x2: {  	[smem:$0x3F91] =	sst lr;
	_ =	strace $0xD0000000  }
0x3: {  	_ = 	snop  }
0x4: {  	_ = 	snop  }
0x5: {  	_ = 	snop  }
0x6: {  	_ = 	snop  }
0x7: {  	_ = 	snop  }
__scs_overlays_trampoline_lowered:
0x8: {  	[smem:$0x3FA0] =	sst s0  }
0x9: {  	[smem:$0x3FA1] =	sst s1  }
0xa: {  	[smem:$0x3FA2] =	sst s2  }
0xb: {  	[smem:$0x3FA3] =	sst s3  }
0xc: {  	[smem:$0x3FA4] =	sst s4  }
0xd: {  	[smem:$0x3FA5] =	sst s5  }
0xe: {  	[smem:$0x3FA6] =	sst s6  }
0xf: {  	[smem:$0x3FA7] =	sst s7  }
0x10: {  	[smem:$0x3FA8] =	sst s8  }
0x11: {  	[smem:$0x3FA9] =	sst s9;
	s0 =	simm.s32 @!p0 $0x0  }
0x12: {  	s1 =	sld [smem:$0x3F8F];
	s0 =	simm.s32 @p0 $0x1  }
0x13: {  	[smem:$0x3FAA] =	sst s0;
	s0 =	simm.s32 @!p1 $0x0  }
0x14: {  	s2 =	sld [smem:$0x3F8E];
	s0 =	simm.s32 @p1 $0x1  }
0x15: {  	[smem:$0x3FAB] =	sst s0;
	s0 =	simm.s32 @!p2 $0x0  }
0x16: {  	s3 =	sld [smem:$0x3FDB];
	s0 =	simm.s32 @p2 $0x1  }
0x17: {  	s4 =	simm.s32 $0x1BF5;
	[smem:$0x3FAD] =	sst s0  }
0x18: {  	s0 =	sld [smem:$0x3F90];
	_ =	swait.ge [sflag:s4], $0x0  }
0x19: {  	s7 =	sld [smem:$0x3F91]  }
0x1a: {  	s8 =	sadd.s32 $0xFFFFE003, lr  }
0x1b: {  	s9 =	sadd.s32 $0xFFFFFEF7, lr;
	s5 =	simm.s32 $0xFFFFFFFF;
	p2 =	slt.u32 s8, $0xFFFFF086  }
0x1c: {  	p1 =	slt.u32 s9, $0xF7A;
	s5 =	simm.s32 @!p2 $0x0  }
0x1d: {  	s5 =	simm.s32 @p1 $0x1;
	p0 =	seq.s32 s7, s2  }
0x1e: {  	s7 =	smul.u32 @!p0 $0xF7A, s2;
	p2 =	seq.s32 @!p0 s5, $0x0  }
0x1f: {  	s9 =	smul.u32 $0xF7A, s1;
	s8 =	simm.s32 @!p0 $0x1BF5;
	p2 =	por !p2, p0  }
0x20: {  	[sflag:s8] =	ssyncset.s32 @!p0 $0xFFFFF086;
	s6 =	sadd.s32 @!p0 s3, s7;
	s7 =	simm.s32 @!p0 $0x108  }
0x21: {  	s3 =	sadd.s32 s3, s9;
	s6 =	sadd.s32 @!p0 $0x88, s6;
	s7 =	simm.s32 @p2 $0x1082  }
0x22: {  	[simem:s7], [sflag:s8] =	dma.local @!p0 [hbm:s6], $0xF7A  }
0x23: {  	s9 =	sor.u32 $0xD0000000, s2;
	s6 =	simm.s32 $0x108;
	_ =	swait.ge @!p0 [sflag:s8], $0x0  }
0x24: {  	s3 =	sadd.s32 $0x88, s3;
	s6 =	simm.s32 @!p1 $0x1082;
	[sflag:s4] =	ssyncset.s32 $0xFFFFF086  }
0x25: {  	[simem:s6], [sflag:s4] =	dma.local [hbm:s3], $0xF7A  }
0x26: {  	[smem:$0x3F91] =	sst s1;
	(tag) =	ssettag s2;
	_ =	strace s9  }
0x27: {  	s1 =	sld [smem:$0x3FA1]  }
0x28: {  	s2 =	sld [smem:$0x3FA2]  }
0x29: {  	s4 =	sld [smem:$0x3FA4]  }
0x2a: {  	p0 =	seq.s32 s5, $0x0;
	s5 =	sld [smem:$0x3FA5]  }
0x2b: {  	s6 =	sld [smem:$0x3FA6]  }
0x2c: {  	s7 =	sld [smem:$0x3FA7]  }
0x2d: {  	s3 =	simm.s32 $0x108;
	s8 =	sld [smem:$0x3FA8]  }
0x2e: {  	s3 =	simm.s32 @!p0 $0x1082;
	s9 =	sld [smem:$0x3FA9]  }
0x2f: {  	lr =	sadd.s32 s0, s3;
	s0 =	sld [smem:$0x3FA0]  }
0x30: {  	s3 =	sld [smem:$0x3FA3]  }
0x31: {  	[smem:$0x3FAC] =	sst s10  }
0x32: {  	s10 =	sld [smem:$0x3FAA];
	_ =	sdelay $0x3  }
0x33: {  	p0 =	seq.s32 s10, $0x1;
	s10 =	sld [smem:$0x3FAC];
	_ =	sdelay $0x3  }
0x34: {  	[smem:$0x3FAC] =	sst s10  }
0x35: {  	s10 =	sld [smem:$0x3FAB];
	_ =	sdelay $0x3  }
0x36: {  	p1 =	seq.s32 s10, $0x1;
	s10 =	sld [smem:$0x3FAC];
	_ =	sdelay $0x3  }
0x37: {  	[smem:$0x3FAC] =	sst s10  }
0x38: {  	s10 =	sld [smem:$0x3FAD]  }
0x39: {  	_ = 	snop;
	(pc) =	sbr.ind lr, $3  }
0x3a: {  	_ = 	snop  }
0x3b: {  	_ = 	snop  }
0x3c: {  	p2 =	seq.s32 s10, $0x1;
	s10 =	sld [smem:$0x3FAC]  }
0x3d: {  	_ =	shalt  }
0x3e: {  	_ =	shalt  }
0x3f: {  	_ =	shalt  }
0x40: {  	_ =	shalt  }
0x41: {  	_ =	shalt  }
0x42: {  	_ =	shalt  }
0x43: {  	_ =	shalt  }
0x44: {  	_ =	shalt  }
0x45: {  	_ =	shalt  }
0x46: {  	_ =	shalt  }
0x47: {  	_ =	shalt  }
0x48: {  	_ =	shalt  }
0x49: {  	_ =	shalt  }
0x4a: {  	_ =	shalt  }
0x4b: {  	_ =	shalt  }
0x4c: {  	_ =	shalt  }
0x4d: {  	_ =	shalt  }
0x4e: {  	_ =	shalt  }
0x4f: {  	_ =	shalt  }
0x50: {  	_ =	shalt  }
0x51: {  	_ =	shalt  }
0x52: {  	_ =	shalt  }
0x53: {  	_ =	shalt  }
0x54: {  	_ =	shalt  }
0x55: {  	_ =	shalt  }
0x56: {  	_ =	shalt  }
0x57: {  	_ =	shalt  }
0x58: {  	_ =	shalt  }
0x59: {  	_ =	shalt  }
0x5a: {  	_ =	shalt  }
0x5b: {  	_ =	shalt  }
0x5c: {  	_ =	shalt  }
0x5d: {  	_ =	shalt  }
0x5e: {  	_ =	shalt  }
0x5f: {  	_ =	shalt  }
0x60: {  	_ =	shalt  }
0x61: {  	_ =	shalt  }
0x62: {  	_ =	shalt  }
0x63: {  	_ =	shalt  }
0x64: {  	_ =	shalt  }
0x65: {  	_ =	shalt  }
0x66: {  	_ =	shalt  }
0x67: {  	_ =	shalt  }
0x68: {  	_ =	shalt  }
0x69: {  	_ =	shalt  }
0x6a: {  	_ =	shalt  }
0x6b: {  	_ =	shalt  }
0x6c: {  	_ =	shalt  }
0x6d: {  	_ =	shalt  }
0x6e: {  	_ =	shalt  }
0x6f: {  	_ =	shalt  }
0x70: {  	_ =	shalt  }
0x71: {  	_ =	shalt  }
0x72: {  	_ =	shalt  }
0x73: {  	_ =	shalt  }
0x74: {  	_ =	shalt  }
0x75: {  	_ =	shalt  }
0x76: {  	_ =	shalt  }
0x77: {  	_ =	shalt  }
0x78: {  	_ =	shalt  }
0x79: {  	_ =	shalt  }
0x7a: {  	_ =	shalt  }
0x7b: {  	_ =	shalt  }
0x7c: {  	_ =	shalt  }
0x7d: {  	_ =	shalt  }
0x7e: {  	_ =	shalt  }
0x7f: {  	_ =	shalt  }
0x80: {  	_ =	shalt  }
0x81: {  	_ =	shalt  }
0x82: {  	_ =	shalt  }
0x83: {  	_ =	shalt  }
0x84: {  	_ =	shalt  }
0x85: {  	_ =	shalt  }
0x86: {  	_ =	shalt  }
0x87: {  	_ =	shalt  }
.Lfunc_end0:
.L_simem_size_0:
called_computation_lowered:
.L_overlay_start_0:
0x88: {  	s0 =	sld [smem:$0x3FD9]  }
0x89: {  	s1 =	sld [smem:$0x3FFE];
	_ =	sdelay $0x3  }
0x8a: {  	s0 =	sadd.s32 s1, s0  }
0x8b: {  	[smem:$0x3FB8] =	sst s0  }
0x8c: {  	_ = 	snop  }
0x8d: {  	(tm) =	ssettm $0x1  }
0x8e: {  	s14 =	sld [smem:$0x3FFB];
	_ =	sdelay $0x3  }
0x8f: {  	_ =	strace s14  }
0x90: {  	s0 =	sld [smem:$0x3FFC];
	_ =	sdelay $0x3  }
0x91: {  	_ =	strace s0  }
0x92: {  	s0 =	sld [smem:$0x3FFD];
	_ =	sdelay $0x3  }
0x93: {  	_ =	strace s0  }
0x94: {  	_ =	strace $0x8FFFFFFF  }
0x95: {  	s15 =	sld [smem:$0x3FDB];
	_ =	sdelay $0x1  }
0x96: {  	s16 =	simm.s32 $_scs_section_size  }
0x97: {  	s2 =	simm.s32 $_size__tile_overlayer_lowered;
	s3 =	simm.s32 $_tile_overlayer_lowered  }
0x98: {  	s4 =	simm.s32 $0x1BFF;
	s17 =	sshll.u32 s3, $0x1;
	s1 =	sadd.s32 s16, s15  }
0x99: {  	s18 =	simm.s32 $0x0;
	s2 =	sshll.u32 s2, $0x1;
	s3 =	sadd.s32 s17, s1  }
0x9a: {  	[timem:s18], [sflag:s4] =	dma.local [hbm:s3], s2  }
0x9b: {  	_ =	swait.ge [sflag:s4], s2  }
0x9c: {  	s2 =	ssub.s32 $0x0, s2;
	[sflag:s4] =	ssyncset.done $0x0  }
0x9d: {  	[sflag:s4] =	ssyncadd.s32 s2;
	_ =	sdelay $0x1  }
0x9e: {  	s19 =	simm.s32 $0x1B8B  }
0x9f: {  	_ =	swait.ge [sflag:s19], $0x1  }
0xa0: {  	[sflag:s19] =	ssyncset.done $0x0  }
0xa1: {  	s21 =	simm.s32 $0x1B8E;
	s20 =	sld [smem:$0x3FFE];
	[sflag:s19] =	ssyncadd.s32 $0xFFFFFFFF  }
0xa2: {  	s22 =	simm.s32 $execute0_lowered;
	[smem:$0x3FD2] =	sst s21  }
0xa3: {  	s3 =	sshll.u32 s22, $0x1;
	_ =	strace $0x80000046;
	[dreg:$0x1] =	wrdreg $0xFFFFFFFF  }
0xa4: {  	s23 =	simm.s32 $_size_execute0_lowered;
	s3 =	sadd.s32 s1, s3;
	[dreg:$0x0] =	wrdreg $0x0  }
0xa5: {  	s4 =	sshll.u32 s23, $0x1;
	[dreg:$0x2] =	wrdreg s3  }
0xa6: {  	[dreg:$0x3] =	wrdreg s4  }
0xa7: {  	[dreg:$0x4] =	wrdreg $0xC0  }
0xa8: {  	s24 =	simm.s32 $execute1_lowered;
	_ =	task [dreg:s18], $0x5FFFF  }
0xa9: {  	s3 =	sshll.u32 s24, $0x1;
	[dreg:$0x1] =	wrdreg $0xFFFFFFFF  }
0xaa: {  	s1 =	sadd.s32 s1, s3;
	[dreg:$0x0] =	wrdreg $0x60  }
0xab: {  	[dreg:$0x2] =	wrdreg s1  }
0xac: {  	[dreg:$0x3] =	wrdreg s20  }
0xad: {  	[dreg:$0x4] =	wrdreg $0x9  }
0xae: {  	_ =	task.clear_ibuf [dreg:s18], $0x5FFFF;
	_ =	strace $0x90000046  }
0xaf: {  	s25 =	simm.s32 $0x9;
	_ =	strace $0x80000048  }
0xb0: {  	_ =	swait.ge [sflag:s25], $0x1  }
0xb1: {  	[sflag:s25] =	ssyncadd.s32 $0xFFFFFFFF  }
0xb2: {  	_ =	strace $0x90000048  }
0xb3: {  	_ =	strace $0x80000049;
	[dreg:$0x1] =	wrdreg $0xFFFFFFFF  }
0xb4: {  	[dreg:$0x0] =	wrdreg $0x2030  }
0xb5: {  	[dreg:$0x2] =	wrdreg s20  }
0xb6: {  	[dreg:$0x3] =	wrdreg $0xA  }
0xb7: {  	_ =	task.clear_ibuf [dreg:s18], $0x4FFFF;
	_ =	strace $0x90000049  }
0xb8: {  	s26 =	simm.s32 $0xA;
	_ =	strace $0x8000004B  }
0xb9: {  	_ =	swait.ge [sflag:s26], $0x1  }
0xba: {  	[sflag:s26] =	ssyncadd.s32 $0xFFFFFFFF  }
0xbb: {  	_ =	strace $0x9000004B  }
0xbc: {  	_ =	sfence  }
0xbd: {  	s28 =	sld [smem:$0x0];
	_ =	sdelay $0x1  }
0xbe: {  	s29 =	srdreg.scid  }
0xbf: {  	s30 =	sshll.u32 s29, $0xD;
	s31 =	sshrl.u32 s29, $0x2  }
0xc0: {  	s2 =	sand.u32 $0x1, s29;
	s3 =	sand.u32 $0x4000, s30;
	s1 =	sadd.s32 s31, s28  }
0xc1: {  	s2 =	sor.u32 s3, s2;
	s1 =	sshll.u32 s1, $0x11  }
0xc2: {  	s1 =	sor.u32 s1, s2  }
0xc3: {  	s1 =	sadd.s32 $0x8F2B, s1  }
0xc4: {  	[sflag:s1] =	ssyncadd.remote.s32 $0x1  }
0xc5: {  	_ =	sfence.sel $0xFFFF  }
0xc6: {  	[dreg:$0x0] =	wrdreg $0xFFFFFFFF;
	(pc) =	sbr.abs _section_cstart, $3  }
0xc7: {  	[dreg:$0x1] =	wrdreg $0xFFFFFFFF  }
0xc8: {  	_ =	task.clear_ibuf [dreg:s18], $0x2FFFF;
	_ =	strace $0x9FFFFFFF  }
0xc9: {  	(tm) =	ssettm $0x7FFFFFFF  }
tec
execute0_lowered:
.L_overlay_start_1:
0x0: {  	(tag) =	ssettag $0x1  }
0x1: {  	s2 =	rddreg [dreg:$0x0]  }
0x2: {  	s6 =	rddreg [dreg:$0x1]  }
0x3: {  	s0 =	rddreg [dreg:$0x2];
	s3 =	stileid.u32  }
0x4: {  	[bflag:$0x3] =	sbarrier.arrive $0xFFFF;
	s1 =	simm.s32 $_size_execute1_lowered;
	p0 =	sne.s32 s3, $0x0  }
0x5: {  	s1 =	sshll.u32 s1, $0x1;
	s4 =	simm.s32 @!p0 $0x1C3F;
	s5 =	simm.s32 @!p0 $0x4060  }
0x6: {  	[timem:s5], [sflag:s4] =	dma.local @!p0 [hbm:s2], s1  }
0x7: {  	s7 =	simm.s32 $0x1;
	s8 =	simm.s32 $0x2;
	s2 =	sshll.u32 s3, $0xC  }
0x8: {  	s10 =	simm.s32 $0x0;
	s9 =	simm.s32 $0x0;
	s30 =	ssub.s32 $0x20000, s2  }
.Ltmp0:
0x9: {  	s3 =	sadd.s32 $0x80F400, s6;
	s31 =	sand.u32 $0xF000, s30;
	(pc) =	sbr.rel .LBB2_1-.Ltmp0, $4  }
0xa: {  	s4 =	simm.s32 $0x1;
	_ =	strace $0x80000047;
	p1 =	sne.s32 s31, $0x0  }
0xb: {  	s5 =	sshrl.u32 s30, $0x10;
	[sflag:s4] =	ssyncpa.u1 $0x0;
	s7 =	simm.s32 @!p1 $0x0  }
0xc: {  	s6 =	sadd.s32 $0x817400, s6;
	[sflag:s8] =	ssyncpa.u1 $0x0;
	s5 =	sadd.s32 s7, s5  }
0xd: {  	s8 =	smov.u32 s2;
	p1 =	por $0x0, $0x0;
	s7 =	sadd.s32 $0x1, s5  }
.LBB2_4:
0xe: {  	[tilespmem:s11+$0xB0] =	vst v0  }
0xf: {  	[tilespmem:s11+$0xC0] =	vst v1  }
0x10: {  	[tilespmem:s11+$0xD0] =	vst v2  }
0x11: {  	[tilespmem:s11+$0xE0] =	vst v3;
	s13 =	sshrl.u32 s10, $0x3  }
0x12: {  	[tilespmem:s11+$0xFFFFFF00] =	vst v4;
	s31 =	sand.u32 $0x7, s10;
	s30 =	sadd.s32 s6, s13  }
0x13: {  	[hbm4b:s30+s31] =	stream.linear.scatter [tilespmem:s12], [sflag:$0x2], $0x1000, $0x38;
	[tilespmem:$0x4000] =	vst v63  }
.LBB2_5:
0x14: {  	s12 =	sadd.s32 $0x10000, s8  }
0x15: {  	p3 =	sgt.s32 s12, $0x1FFFF  }
0x16: {  	s12 =	smov.u32 @p3 s2;
	p3 =	sne.s32 s9, s7  }
.Ltmp1:
0x17: {  	p2 =	slt.u32 s9, $0x2;
	(pc) =	sbr.rel @!p3 .LBB2_6-.Ltmp1, $4  }
0x18: {  	s11 =	simm.s32 @!p2 $0x2  }
0x19: {  	s13 =	sadd.s32 $0x1, s9;
	_ =	swait.ge @!p2 [sflag:s11], $0x1000  }
0x1a: {  	s10 =	smov.u32 s8;
	p1 =	por !p1, !p1;
	[sflag:s11] =	ssyncset.done @!p2 $0x0  }
0x1b: {  	s9 =	smov.u32 s13;
	s8 =	smov.u32 s12;
	[sflag:s11] =	ssyncadd.s32 @!p2 $0xFFFFF000  }
.LBB2_1:
0x1c: {  	p2 =	sge.u32 s9, s5  }
0x1d: {  	s11 =	sxor.u32 @!p2 $0xFFFFFFFF, s9  }
0x1e: {  	s31 =	sadd.s32 $0xFFFFFFFF, s9;
	s12 =	sshrl.u32 @!p2 s8, $0x3;
	s11 =	sshll.u32 @!p2 s11, $0xC  }
0x1f: {  	s13 =	sand.u32 @!p2 $0x7, s8;
	s12 =	sadd.s32 @!p2 s3, s12;
	s11 =	sand.u32 @!p2 $0x1000, s11  }
0x20: {  	[tilespmem:s11], [sflag:$0x1] =	stream.linear.gather @!p2 [hbm4b:s12+s13], $0x1000, $0x38;
	[tilespmem:$0x4000] =	vst v63  }
0x21: {  	p2 =	sge.u32 s31, s5  }
.Ltmp2:
0x22: {  	_ = 	snop;
	(pc) =	sbr.rel @p2 .LBB2_5-.Ltmp2, $1  }
0x23: {  	_ =	sdelay $0x3  }
0x24: {  	s11 =	simm.s32 $0x1  }
0x25: {  	_ =	swait.ge [sflag:s4], $0x1000;
	s11 =	simm.s32 @!p1 $0x0  }
0x26: {  	[sflag:s4] =	ssyncset.done $0x0;
	s11 =	sshll.u32 s11, $0xC  }
0x27: {  	[sflag:s4] =	ssyncadd.s32 $0xFFFFF000;
	s14 =	sor.u32 $0x100, s11  }
0x28: {  	v0 =	vld [tilespmem:s14+$0xF0]  }
0x29: {  	v1 =	vld [tilespmem:s14+$0xFFFFFF10]  }
0x2a: {  	v2 =	vld [tilespmem:s14+$0xFFFFFF20]  }
0x2b: {  	v3 =	vld [tilespmem:s14+$0xFFFFFF30]  }
0x2c: {  	s11 =	sor.u32 $0x2100, s11;
	v4 =	vld [tilespmem:s14+$0xFFFFFF40]  }
0x2d: {  	v5 =	vld [tilespmem:s14+$0xFFFFFF50];
	[tilespmem:s11+$0xF0] =	vst v0  }
0x2e: {  	[tilespmem:s11+$0xFFFFFF10] =	vst v1;
	v0 =	vld [tilespmem:s14+$0xFFFFFF60]  }
0x2f: {  	[tilespmem:s11+$0xFFFFFF20] =	vst v2;
	v1 =	vld [tilespmem:s14+$0xFFFFFF70]  }
0x30: {  	[tilespmem:s11+$0xFFFFFF30] =	vst v3;
	v2 =	vld [tilespmem:s14+$0xFFFFFF80]  }
0x31: {  	[tilespmem:s11+$0xFFFFFF40] =	vst v4;
	v3 =	vld [tilespmem:s14+$0xFFFFFF90]  }
0x32: {  	[tilespmem:s11+$0xFFFFFF50] =	vst v5;
	v4 =	vld [tilespmem:s14+$0xFFFFFFA0]  }
0x33: {  	v5 =	vld [tilespmem:s14+$0xA0];
	[tilespmem:s11+$0xFFFFFF60] =	vst v0  }
0x34: {  	v0 =	vld [tilespmem:s14+$0xFFFFFFB0];
	[tilespmem:s11+$0xFFFFFF70] =	vst v1  }
0x35: {  	v1 =	vld [tilespmem:s14+$0xFFFFFFC0];
	[tilespmem:s11+$0xFFFFFF80] =	vst v2  }
0x36: {  	v2 =	vld [tilespmem:s14+$0xFFFFFFD0];
	[tilespmem:s11+$0xFFFFFF90] =	vst v3  }
0x37: {  	v3 =	vld [tilespmem:s14+$0xFFFFFFE0];
	[tilespmem:s11+$0xFFFFFFA0] =	vst v4  }
0x38: {  	v4 =	vld [tilespmem:s14+$0xFFFFFFF0];
	[tilespmem:s11+$0xA0] =	vst v5  }
0x39: {  	[tilespmem:s11+$0xFFFFFFB0] =	vst v0;
	v0 =	vld [tilespmem:s14+$0x0]  }
0x3a: {  	[tilespmem:s11+$0xFFFFFFC0] =	vst v1;
	v1 =	vld [tilespmem:s14+$0x10]  }
0x3b: {  	[tilespmem:s11+$0xFFFFFFD0] =	vst v2;
	v2 =	vld [tilespmem:s14+$0x20]  }
0x3c: {  	[tilespmem:s11+$0xFFFFFFE0] =	vst v3;
	v3 =	vld [tilespmem:s14+$0x30]  }
0x3d: {  	[tilespmem:s11+$0xFFFFFFF0] =	vst v4;
	v4 =	vld [tilespmem:s14+$0x40]  }
0x3e: {  	[tilespmem:s11+$0x0] =	vst v0;
	v0 =	vld [tilespmem:s14+$0x50]  }
0x3f: {  	[tilespmem:s11+$0x10] =	vst v1;
	v1 =	vld [tilespmem:s14+$0x60]  }
0x40: {  	[tilespmem:s11+$0x20] =	vst v2;
	v2 =	vld [tilespmem:s14+$0x70]  }
0x41: {  	[tilespmem:s11+$0x30] =	vst v3;
	v3 =	vld [tilespmem:s14+$0x80]  }
0x42: {  	[tilespmem:s11+$0x40] =	vst v4;
	v4 =	vld [tilespmem:s14+$0x90]  }
0x43: {  	[tilespmem:s11+$0x50] =	vst v0;
	v0 =	vld [tilespmem:s14+$0xB0]  }
0x44: {  	[tilespmem:s11+$0x60] =	vst v1;
	v1 =	vld [tilespmem:s14+$0xC0]  }
0x45: {  	s12 =	sshll.u32 s9, $0xC;
	[tilespmem:s11+$0x70] =	vst v2;
	v2 =	vld [tilespmem:s14+$0xD0]  }
0x46: {  	s12 =	sand.u32 $0x1000, s12;
	[tilespmem:s11+$0x80] =	vst v3;
	v3 =	vld [tilespmem:s14+$0xE0]  }
0x47: {  	s13 =	simm.s32 $0x0;
	s12 =	sor.u32 $0x2000, s12;
	[tilespmem:s11+$0x90] =	vst v4;
	v4 =	vld [tilespmem:s14+$0xFFFFFF00];
	s14 =	sadd.s32 $0x200, s14  }
.LBB2_3:
0x48: {  	v5 =	vld [tilespmem:s14+$0xF0];
	s13 =	sadd.s32 $0x200, s13;
	[tilespmem:s11+$0xB0] =	vst v0  }
0x49: {  	v0 =	vld [tilespmem:s14+$0xFFFFFF10];
	p2 =	slt.u32 s13, $0xE00;
	[tilespmem:s11+$0xC0] =	vst v1  }
0x4a: {  	v1 =	vld [tilespmem:s14+$0xFFFFFF20];
	[tilespmem:s11+$0xD0] =	vst v2  }
0x4b: {  	v2 =	vld [tilespmem:s14+$0xFFFFFF30];
	[tilespmem:s11+$0xE0] =	vst v3  }
0x4c: {  	v3 =	vld [tilespmem:s14+$0xFFFFFF40];
	[tilespmem:s11+$0xFFFFFF00] =	vst v4;
	s11 =	sadd.s32 $0x200, s11  }
0x4d: {  	v4 =	vld [tilespmem:s14+$0xFFFFFF50];
	[tilespmem:s11+$0xF0] =	vst v5  }
0x4e: {  	[tilespmem:s11+$0xFFFFFF10] =	vst v0;
	v0 =	vld [tilespmem:s14+$0xFFFFFF60]  }
0x4f: {  	[tilespmem:s11+$0xFFFFFF20] =	vst v1;
	v1 =	vld [tilespmem:s14+$0xFFFFFF70]  }
0x50: {  	[tilespmem:s11+$0xFFFFFF30] =	vst v2;
	v2 =	vld [tilespmem:s14+$0xFFFFFF80]  }
0x51: {  	[tilespmem:s11+$0xFFFFFF40] =	vst v3;
	v3 =	vld [tilespmem:s14+$0xFFFFFF90]  }
0x52: {  	[tilespmem:s11+$0xFFFFFF50] =	vst v4;
	v4 =	vld [tilespmem:s14+$0xFFFFFFA0]  }
0x53: {  	[tilespmem:s11+$0xFFFFFF60] =	vst v0;
	v0 =	vld [tilespmem:s14+$0xFFFFFFB0]  }
0x54: {  	[tilespmem:s11+$0xFFFFFF70] =	vst v1;
	v1 =	vld [tilespmem:s14+$0xFFFFFFC0]  }
0x55: {  	[tilespmem:s11+$0xFFFFFF80] =	vst v2;
	v2 =	vld [tilespmem:s14+$0xFFFFFFD0]  }
0x56: {  	[tilespmem:s11+$0xFFFFFF90] =	vst v3;
	v3 =	vld [tilespmem:s14+$0xFFFFFFE0]  }
0x57: {  	[tilespmem:s11+$0xFFFFFFA0] =	vst v4;
	v4 =	vld [tilespmem:s14+$0xFFFFFFF0]  }
0x58: {  	[tilespmem:s11+$0xFFFFFFB0] =	vst v0;
	v0 =	vld [tilespmem:s14+$0x0]  }
0x59: {  	[tilespmem:s11+$0xFFFFFFC0] =	vst v1;
	v1 =	vld [tilespmem:s14+$0x10]  }
0x5a: {  	[tilespmem:s11+$0xFFFFFFD0] =	vst v2;
	v2 =	vld [tilespmem:s14+$0x20]  }
0x5b: {  	[tilespmem:s11+$0xFFFFFFE0] =	vst v3;
	v3 =	vld [tilespmem:s14+$0x30]  }
0x5c: {  	[tilespmem:s11+$0xFFFFFFF0] =	vst v4;
	v4 =	vld [tilespmem:s14+$0x40]  }
0x5d: {  	[tilespmem:s11+$0x0] =	vst v0;
	v0 =	vld [tilespmem:s14+$0x50]  }
0x5e: {  	[tilespmem:s11+$0x10] =	vst v1;
	v1 =	vld [tilespmem:s14+$0x60]  }
0x5f: {  	[tilespmem:s11+$0x20] =	vst v2;
	v2 =	vld [tilespmem:s14+$0x70]  }
0x60: {  	[tilespmem:s11+$0x30] =	vst v3;
	v3 =	vld [tilespmem:s14+$0x80]  }
0x61: {  	[tilespmem:s11+$0x40] =	vst v4;
	v4 =	vld [tilespmem:s14+$0x90]  }
0x62: {  	[tilespmem:s11+$0x50] =	vst v0;
	v5 =	vld [tilespmem:s14+$0xA0]  }
.Ltmp3:
0x63: {  	[tilespmem:s11+$0x60] =	vst v1;
	v0 =	vld [tilespmem:s14+$0xB0];
	(pc) =	sbr.rel @p2 .LBB2_3-.Ltmp3, $4  }
0x64: {  	[tilespmem:s11+$0x70] =	vst v2;
	v1 =	vld [tilespmem:s14+$0xC0]  }
0x65: {  	[tilespmem:s11+$0x80] =	vst v3;
	v2 =	vld [tilespmem:s14+$0xD0]  }
0x66: {  	[tilespmem:s11+$0x90] =	vst v4;
	v3 =	vld [tilespmem:s14+$0xE0]  }
0x67: {  	v4 =	vld [tilespmem:s14+$0xFFFFFF00];
	[tilespmem:s11+$0xA0] =	vst v5;
	s14 =	sadd.s32 $0x200, s14  }
.Ltmp4:
0x68: {  	_ = 	snop;
	(pc) =	sbr.rel .LBB2_4-.Ltmp4, $1  }
0x69: {  	_ =	sdelay $0x3  }
.LBB2_6:
0x6a: {  	_ =	sfence.sel $0x180000  }
0x6b: {  	s2 =	simm.s32 $0x1;
	[bflag:$0x0] =	sbarrier.arrive $0xFFFF  }
0x6c: {  	s31 =	simm.s32 $0x2;
	[sflag:s2] =	ssyncpa.u1 $0x1  }
0x6d: {  	[sflag:s31] =	ssyncpa.u1 $0x1  }
0x6e: {  	_ =	strace $0x90000047  }
0x6f: {  	s0 =	sadd.s32 @!p0 $0x100000, s0;
	[bflag:$0x2] =	sbarrier.arrive $0xFFFF  }
0x70: {  	[sflag:s0] =	ssyncadd.tile.s32 @!p0 $0x1;
	s0 =	simm.s32 @!p0 $0x3F  }
0x71: {  	_ =	swait.ge @!p0 [sflag:s0], s1  }
0x72: {  	s1 =	ssub.s32 @!p0 $0x0, s1;
	[sflag:s0] =	ssyncset.done @!p0 $0x0  }
0x73: {  	[sflag:s0] =	ssyncadd.s32 @!p0 s1  }
0x74: {  	[bflag:$0x3] =	sbarrier.arrive $0xFFFF  }
0x75: {  	_ =	shalt  }
.Lfunc_end2:
execute1_lowered:
.L_overlay_start_2:
0x76: {  	(tag) =	ssettag $0x2  }
0x77: {  	s2 =	rddreg [dreg:$0x0]  }
0x78: {  	s0 =	rddreg [dreg:$0x1];
	_ =	strace $0x8000004A;
	s3 =	stileid.u32  }
0x79: {  	s4 =	simm.s32 $0x3E;
	s1 =	sadd.s32 $0x817400, s2;
	p0 =	sne.s32 s3, $0x0  }
0x7a: {  	[sflag:s4] =	ssyncpa.u1 $0x0;
	s5 =	simm.s32 @!p0 $0x1C3E;
	s6 =	simm.s32 @!p0 $0x0  }
0x7b: {  	[spmem:s6], [sflag:s5] =	dma.local @!p0 [hbm:s1], $0x4000  }
0x7c: {  	s5 =	simm.s32 @!p0 $0x3E  }
0x7d: {  	_ =	swait.ge @!p0 [sflag:s5], $0x4000  }
0x7e: {  	[sflag:s5] =	ssyncset.done @!p0 $0x0  }
0x7f: {  	s26 =	simm.s32 $0x1;
	[sflag:s5] =	ssyncadd.s32 @!p0 $0xFFFFC000  }
0x80: {  	s29 =	simm.s32 $0x2;
	s7 =	simm.s32 $0x4000;
	[bflag:$0x0] =	sbarrier.arrive $0xFFFF  }
0x81: {  	s28 =	sadd.s32 $0x1400, s2;
	s30 =	sadd.s32 $0x813400, s2;
	[sflag:s4] =	ssyncpa.u1 $0x1  }
0x82: {  	s3 =	sshll.u32 s3, $0xA;
	s2 =	simm.s32 $0x0;
	[sflag:s26] =	ssyncpa.u1 $0x0  }
0x83: {  	s4 =	sadd.s32 s28, s3;
	(ifvalue) =	ssetifvalue $0x20000;
	[sflag:s29] =	ssyncpa.u1 $0x0  }
0x84: {  	[tilespmem:s7], [sflag:$0x2] =	stream.linear.gather [hbm4b:s4+s2], $0x2000, $0x38;
	[tilespmem:$0xA000] =	vst v63  }
0x85: {  	s31 =	sadd.s32 s30, s3;
	s3 =	simm.s32 $0x8000  }
0x86: {  	[tilespmem:s3], [sflag:$0x2] =	stream.linear.gather [hbm4b:s31+s2], $0x2000, $0x38;
	[tilespmem:$0xA000] =	vst v63  }
0x87: {  	_ =	swait.ge [sflag:s29], $0x4000  }
0x88: {  	[sflag:s29] =	ssyncset.done $0x0  }
0x89: {  	[sflag:s29] =	ssyncadd.s32 $0xFFFFC000  }
0x8a: {  	v0 =	vld.msk [tilespmem:s7+$0x0 ss:$0x1], $0xffff;
	_ =	sdelay $0x4  }
0x8b: {  	v0 =	vmin.u32 v0, $0x20000;
	_ =	sdelay $0x3  }
0x8c: {  	vm0 =	vmmov $0xffff;
	s5 =	simm.s32 $0x4010;
	s4 =	simm.s32 $0x0  }
0x8d: {  	[spmem:s2] =	stream.indirect_vreg.scatter.add.s32 [tilespmem:s3], [sflag:$0x1], $0x1, v0, vm0, $0x4038;
	[tilespmem:$0xA000] =	vst v63  }
.LBB3_1:
0x8e: {  	v0 =	vld.msk [tilespmem:s5+$0x0 ss:$0x1], $0xffff;
	s4 =	sadd.s32 $0x10, s4  }
0x8f: {  	p1 =	slt.u32 s4, $0x1FF0;
	_ =	sdelay $0x4  }
0x90: {  	v0 =	vmin.u32 v0, $0x20000  }
.Ltmp5:
0x91: {  	(pc) =	sbr.rel @p1 .LBB3_1-.Ltmp5, $3  }
0x92: {  	_ =	sdelay $0x1  }
0x93: {  	s5 =	sadd.s32 $0x10, s5;
	s3 =	sadd.s32 $0x10, s3  }
0x94: {  	[spmem:s2] =	stream.indirect_vreg.scatter.add.s32 [tilespmem:s3], [sflag:$0x1], $0x1, v0, vm0, $0x4038;
	[tilespmem:$0xA000] =	vst v63  }
0x95: {  	s2 =	simm.s32 $0x1  }
0x96: {  	_ =	swait.ge [sflag:s2], $0x2000  }
0x97: {  	[sflag:s2] =	ssyncset.done $0x0  }
0x98: {  	[sflag:s2] =	ssyncadd.s32 $0xFFFFE000  }
0x99: {  	_ =	sfence.sel $0x180000  }
0x9a: {  	s3 =	simm.s32 $0x2;
	[bflag:$0x0] =	sbarrier.arrive $0xFFFF  }
0x9b: {  	[sflag:s3] =	ssyncpa.u1 $0x1  }
0x9c: {  	[sflag:s2] =	ssyncpa.u1 $0x1  }
0x9d: {  	_ =	sfence.stream.spmem  }
0x9e: {  	s31 =	simm.s32 $0x3D;
	[bflag:$0x0] =	sbarrier.arrive $0xFFFF  }
0x9f: {  	s2 =	simm.s32 @p0 $0x3D;
	[sflag:s31] =	ssyncpa.u1 $0x0  }
0xa0: {  	[sflag:s2] =	ssyncpa.u1 @p0 $0x1  }
0xa1: {  	[bflag:$0x0] =	sbarrier.arrive @p0 $0xFFFF  }
0xa2: {  	_ =	strace @p0 $0x9000004A  }
0xa3: {  	s3 =	simm.s32 @!p0 $0x1C3D;
	s2 =	simm.s32 @!p0 $0x0;
	[bflag:$0x2] =	sbarrier.arrive @p0 $0xFFFF  }
0xa4: {  	[hbm:s1], [sflag:s3] =	dma.local @!p0 [spmem:s2], $0x4000  }
0xa5: {  	s1 =	simm.s32 @!p0 $0x3D  }
0xa6: {  	_ =	swait.ge @!p0 [sflag:s1], $0x4000  }
0xa7: {  	[sflag:s1] =	ssyncset.done @!p0 $0x0  }
0xa8: {  	[sflag:s1] =	ssyncadd.s32 @!p0 $0xFFFFC000  }
0xa9: {  	[sflag:s1] =	ssyncpa.u1 @!p0 $0x1  }
0xaa: {  	[bflag:$0x0] =	sbarrier.arrive @!p0 $0xFFFF  }
0xab: {  	_ =	strace @!p0 $0x9000004A  }
0xac: {  	s0 =	sadd.s32 @!p0 $0x100000, s0;
	[bflag:$0x2] =	sbarrier.arrive @!p0 $0xFFFF  }
0xad: {  	[sflag:s0] =	ssyncadd.tile.s32 @!p0 $0x1;
	_ =	shalt  }
.Lfunc_end3:
_tile_overlayer_lowered:
.L_overlay_start_3:
0xae: {  	(tag) =	ssettag $0x3  }
0xaf: {  	s0 =	rddreg [dreg:$0x0];
	s2 =	stileid.u32  }
0xb0: {  	s1 =	rddreg [dreg:$0x1];
	p0 =	sne.s32 s2, $0x0  }
0xb1: {  	s3 =	rddreg [dreg:$0x2];
	[bflag:$0x3] =	sbarrier.arrive $0xFFFF;
	s2 =	simm.s32 @!p0 $0x1C01  }
0xb2: {  	[timem:s3], [sflag:s2] =	dma.local @!p0 [hbm:s0], s1  }
0xb3: {  	s0 =	simm.s32 @!p0 $0x1  }
0xb4: {  	_ =	swait.ge @!p0 [sflag:s0], s1  }
0xb5: {  	s1 =	ssub.s32 @!p0 $0x0, s1;
	[sflag:s0] =	ssyncset.done @!p0 $0x0  }
0xb6: {  	[sflag:s0] =	ssyncadd.s32 @!p0 s1  }
0xb7: {  	[bflag:$0x3] =	sbarrier.arrive $0xFFFF  }
0xb8: {  	_ =	shalt  }

</sc_bundles>
